<compile_context>
chip_gen: v7x
topology: tpu7x:2x2x1
jax: 0.10.2.dev20260603
libtpu: 0.0.44.dev20260713+nightly
codegen_flags: <defaults>
</compile_context>

<pallas_src>
import functools

import jax
import jax.numpy as jnp
from jax import lax
from jax.experimental import pallas as pl
from jax.experimental.pallas import tpu as pltpu
from jax.experimental.pallas import tpu_sc as plsc

CH = 128
R = 8
G = 4


BLK = 2048


@functools.lru_cache(maxsize=None)
def _make_detile(hist_padded, batch, dim):
    ht = hist_padded // 8
    g = 128 // dim
    s = BLK // g
    sh = s.bit_length() - 1

    def body(x_ref, o_ref):
        r = x_ref[...]
        rp = (
            (r & ~(BLK - 1))
            + ((r & (s - 1)) << (g.bit_length() - 1))
            + ((r & (BLK - 1)) >> sh)
        )
        o_ref[...] = rp.reshape(8 * batch)

    return pl.pallas_call(
        body,
        grid=(ht,),
        in_specs=[pl.BlockSpec((8, batch), lambda i: (i, 0))],
        out_specs=pl.BlockSpec((8 * batch,), lambda i: (i,)),
        out_shape=jax.ShapeDtypeStruct((hist_padded * batch,), jnp.int32),
    )


@functools.lru_cache(maxsize=None)
def _make_detranspose(nemb, dim):
    g128 = 128 // dim
    s = BLK // g128
    grid = (nemb + BLK - 1) // BLK

    def body(w_ref, o_ref):
        t = jax.lax.dot_general(
            w_ref[...],
            jnp.eye(dim, dtype=jnp.float32),
            (((0,), (0,)), ((), ())),
            preferred_element_type=jnp.float32,
        )
        merged = jnp.concatenate(
            [t[k * s:(k + 1) * s] for k in range(g128)], axis=1
        )
        o_ref[...] = merged.reshape(BLK * dim)

    return pl.pallas_call(
        body,
        grid=(grid,),
        in_specs=[pl.BlockSpec((dim, BLK), lambda i: (0, i))],
        out_specs=pl.BlockSpec((BLK * dim,), lambda i: (i,)),
        out_shape=jax.ShapeDtypeStruct((grid * BLK * dim,), jnp.float32),
    )


@functools.lru_cache(maxsize=None)
def _make_gather(hist, hist_padded, batch, dim):
    mesh = plsc.VectorSubcoreMesh(core_axis_name="c", subcore_axis_name="s")
    nc, ns = mesh.num_cores, mesh.num_subcores
    nw = nc * ns
    bt = batch // CH
    num_chunks = hist * bt
    assert num_chunks % nw == 0
    chunks_per_w = num_chunks // nw
    steady = chunks_per_w - 2 * G
    assert steady % R == 0 and chunks_per_w > 2 * R

    @functools.partial(
        pl.kernel,
        out_type=jax.ShapeDtypeStruct((hist, batch, dim), jnp.float32),
        mesh=mesh,
        scratch_types=[
            pltpu.VMEM((chunks_per_w * CH,), jnp.int32),
            pltpu.VMEM((R, CH, dim), jnp.float32),
            pltpu.SemaphoreType.DMA((R,)),
            pltpu.SemaphoreType.DMA((R,)),
        ],
        compiler_params=pltpu.CompilerParams(use_tc_tiling_on_sc=False),
    )
    def gather_kernel(idx_hbm, table_hbm, out_hbm, idx_v, rows_v, gsem, ssem):
        wid = lax.axis_index("s") * nc + lax.axis_index("c")
        row0 = wid * chunks_per_w
        pltpu.sync_copy(
            idx_hbm.at[pl.ds(row0 * CH, chunks_per_w * CH)], idx_v
        )

        def fire_gather(t, rr):
            pltpu.async_copy(
                table_hbm.at[idx_v.at[pl.ds(t * CH, CH)]],
                rows_v.at[rr],
                gsem.at[rr],
            )

        def wait_gather(rr):
            pltpu.make_async_copy(
                out_hbm.at[0, pl.ds(0, CH)], rows_v.at[rr], gsem.at[rr]
            ).wait()

        def fire_scatter(t, rr):
            r = row0 + t
            h = r // bt
            tb = r % bt
            pltpu.async_copy(
                rows_v.at[rr],
                out_hbm.at[h, pl.ds(tb * CH, CH)],
                ssem.at[rr],
            )

        def wait_scatter(rr):
            pltpu.make_async_copy(
                rows_v.at[rr], out_hbm.at[0, pl.ds(0, CH)], ssem.at[rr]
            ).wait()

        for t in range(R - G):
            fire_gather(t, t % R)
        for i in range(G):
            fire_gather(i + (R - G), (i + (R - G)) % R)
            wait_gather(i % R)
            fire_scatter(i, i % R)

        @pl.loop(0, steady // R)
        def _(o):
            t0 = G + o * R
            for k in range(R):
                t = t0 + k
                bpre = (G + k + (R - G)) % R
                wait_scatter(bpre)
                fire_gather(t + (R - G), bpre)
                b = (G + k) % R
                wait_gather(b)
                fire_scatter(t, b)

        for t in range(chunks_per_w - G, chunks_per_w):
            b = t % R
            wait_gather(b)
            fire_scatter(t, b)
        for rr in range(R):
            wait_scatter(rr)

    return gather_kernel


def kernel(x, weight):
    b, h = x.shape
    n, d = weight.shape
    hp = ((h + 7) // 8) * 8
    xp = jnp.pad(x, ((0, 0), (0, hp - h))) if hp != h else x
    xt = jnp.swapaxes(xp, 0, 1).astype(jnp.int32)
    idx = _make_detile(hp, b, d)(xt)
    wt = _make_detranspose(n, d)(jnp.swapaxes(weight, 0, 1))
    out = _make_gather(h, hp, b, d)(idx, wt.reshape(-1, d))
    return out.transpose(1, 0, 2)

# --- scband reference (transcript-rebuilt; emitter-appended) ---
"""Pipeline reference for scband-hyperbolic-embedding-36945308680255 (READ-ONLY COPY).

The authoritative reference and input builder live on the scoring server;
editing this copy changes nothing except your own understanding.
"""

import jax, jax.numpy as jnp
import numpy as np

NUM_EMBEDDINGS = 1000000
EMBEDDING_DIM = 32
BATCH = 16384
HIST_LEN = 50

def _poincare_proj(w, eps=1e-5):
    # project rows into the open Poincare ball (norm < 1)
    norm = jnp.linalg.norm(w, axis=-1, keepdims=True)
    max_norm = 1.0 - eps
    scale = jnp.where(norm > max_norm, max_norm / (norm + 1e-12), 1.0)
    return w * scale

def setup_inputs(seed: int = 0) -> dict:
    key = jax.random.key(seed)
    k_idx, k_w = jax.random.split(key)
    x = jax.random.randint(k_idx, (BATCH, HIST_LEN), 0, NUM_EMBEDDINGS, dtype=jnp.int64)
    # nn.init.uniform_(weight, -0.001, 0.001) followed by manifold.proj_
    weight = jax.random.uniform(k_w, (NUM_EMBEDDINGS, EMBEDDING_DIM), dtype=jnp.float32,
                                minval=-0.001, maxval=0.001)
    weight = _poincare_proj(weight)
    return {"x": x, "weight": weight}

def reference(x, weight):
    # F.embedding(x, weight, padding_idx=None, scale_grad_by_freq=False)
    return jnp.take(weight, x, axis=0)

if __name__ == "__main__":
    import jax
    _d = setup_inputs()
    print(jax.jit(kernel)(*tuple(_d.values())))

</pallas_src>

<mosaic_0001>
#map = affine_map<(d0, d1) -> (0)>
#map1 = affine_map<(d0, d1) -> (0, 0)>
#map2 = affine_map<(d0, d1) -> (0, 0, 0)>
module attributes {stable_mosaic.version = 14 : i64} {
  func.func @gather_kernel(%arg0: i32, %arg1: i32, %arg2: memref<917504xi32, #tpu.memory_space<hbm>>, %arg3: memref<1001472x32xf32, #tpu.memory_space<hbm>>, %arg4: memref<50x16384x32xf32, #tpu.memory_space<hbm>>, %arg5: memref<25600xi32, #tpu.memory_space<vmem>>, %arg6: memref<8x128x32xf32, #tpu.memory_space<vmem>>, %arg7: memref<8x!tpu.dma_semaphore, #tpu.memory_space<semaphore_mem>>, %arg8: memref<8x!tpu.dma_semaphore, #tpu.memory_space<semaphore_mem>>) attributes {dimension_semantics = [#tpu.dimension_semantics<core_parallel>, #tpu.dimension_semantics<subcore_parallel>], iteration_bounds = array<i64: 2, 16>, scalar_prefetch = 0 : i64, scratch_operands = 4 : i64, tpu.core_type = #tpu.core_type<sc_vector_subcore>, window_params = [{transform_indices = #map}, {transform_indices = #map1}, {transform_indices = #map2}]} {
    %mul3A = arith.constant 2 : i32
    %mul3A_0 = arith.muli %arg1, %mul3A : i32
    %add3A = arith.addi %mul3A_0, %arg0 : i32
    %mul3A_1 = arith.constant 200 : i32
    %mul3A_2 = arith.muli %add3A, %mul3A_1 : i32
    %mul3A_3 = arith.constant 128 : i32
    %mul3A_4 = arith.muli %mul3A_2, %mul3A_3 : i32
    "tpu.region"() ({
      %run_scoped3A = tpu.sem_alloc : memref<!tpu.dma_semaphore, #tpu.memory_space<semaphore_mem>>
      %dma_start3A_933 = tpu.memref_slice %arg2[%mul3A_4] : memref<917504xi32, #tpu.memory_space<hbm>> -> memref<25600xi32, #tpu.memory_space<hbm>>
      %dma_start3A_934 = tpu.memref_slice %arg2[%mul3A_4] : memref<917504xi32, #tpu.memory_space<hbm>> -> memref<25600xi32, #tpu.memory_space<hbm>>
      tpu.enqueue_dma source(%dma_start3A_934 : memref<25600xi32, #tpu.memory_space<hbm>>) target(%arg5 : memref<25600xi32, #tpu.memory_space<vmem>>) target_semaphore(%run_scoped3A : memref<!tpu.dma_semaphore, #tpu.memory_space<semaphore_mem>>)
      %dma_wait3A_935 = tpu.memref_slice %arg2[%mul3A_4] : memref<917504xi32, #tpu.memory_space<hbm>> -> memref<25600xi32, #tpu.memory_space<hbm>>
      %dma_wait3A_936 = tpu.memref_slice %arg2[%mul3A_4] : memref<917504xi32, #tpu.memory_space<hbm>> -> memref<25600xi32, #tpu.memory_space<hbm>>
      tpu.wait_dma2 semaphore(%run_scoped3A : memref<!tpu.dma_semaphore, #tpu.memory_space<semaphore_mem>>) src(%dma_wait3A_936 : memref<25600xi32, #tpu.memory_space<hbm>>) dst(%arg5 : memref<25600xi32, #tpu.memory_space<vmem>>)
      tpu.yield
    }) : () -> ()
    %dma_start3A = arith.constant 0 : i32
    %dma_start3A_5 = arith.constant 0 : i32
    %dma_start3A_6 = arith.constant 0 : i32
    %dma_start3A_7 = arith.constant 0 : i32
    %dma_start3A_8 = tpu.memref_slice %arg6[%dma_start3A, %dma_start3A_6, %dma_start3A_7] : memref<8x128x32xf32, #tpu.memory_space<vmem>> -> memref<1x128x32xf32, #tpu.memory_space<vmem>>
    %dma_start3A_9 = tpu.memref_squeeze %dma_start3A_8 : memref<1x128x32xf32, #tpu.memory_space<vmem>> -> memref<128x32xf32, #tpu.memory_space<vmem>>
    %dma_start3A_10 = arith.constant 0 : i32
    %dma_start3A_11 = tpu.memref_slice %arg5[%dma_start3A_10] : memref<25600xi32, #tpu.memory_space<vmem>> -> memref<128xi32, #tpu.memory_space<vmem>>
    %dma_start3A_12 = arith.constant 0 : i32
    %dma_start3A_13 = arith.constant 0 : i32
    %dma_start3A_14 = tpu.memref_slice %arg3[%dma_start3A_12, %dma_start3A_13] : memref<1001472x32xf32, #tpu.memory_space<hbm>> -> memref<1001472x32xf32, #tpu.memory_space<hbm>>
    %dma_start3A_15 = tpu.memref_slice %arg7[%dma_start3A_5] : memref<8x!tpu.dma_semaphore, #tpu.memory_space<semaphore_mem>> -> memref<1x!tpu.dma_semaphore, #tpu.memory_space<semaphore_mem>>
    %dma_start3A_16 = tpu.memref_squeeze %dma_start3A_15 : memref<1x!tpu.dma_semaphore, #tpu.memory_space<semaphore_mem>> -> memref<!tpu.dma_semaphore, #tpu.memory_space<semaphore_mem>>
    tpu.enqueue_indirect_dma source(%dma_start3A_14 : memref<1001472x32xf32, #tpu.memory_space<hbm>>) target(%dma_start3A_9 : memref<128x32xf32, #tpu.memory_space<vmem>>) offsets(%dma_start3A_11 : memref<128xi32, #tpu.memory_space<vmem>>) semaphore(%dma_start3A_16 : memref<!tpu.dma_semaphore, #tpu.memory_space<semaphore_mem>>)
    %dma_start3A_17 = arith.constant 1 : i32
    %dma_start3A_18 = arith.constant 1 : i32
    %dma_start3A_19 = arith.constant 0 : i32
    %dma_start3A_20 = arith.constant 0 : i32
    %dma_start3A_21 = tpu.memref_slice %arg6[%dma_start3A_17, %dma_start3A_19, %dma_start3A_20] : memref<8x128x32xf32, #tpu.memory_space<vmem>> -> memref<1x128x32xf32, #tpu.memory_space<vmem>>
    %dma_start3A_22 = tpu.memref_squeeze %dma_start3A_21 : memref<1x128x32xf32, #tpu.memory_space<vmem>> -> memref<128x32xf32, #tpu.memory_space<vmem>>
    %dma_start3A_23 = arith.constant 128 : i32
    %dma_start3A_24 = tpu.memref_slice %arg5[%dma_start3A_23] : memref<25600xi32, #tpu.memory_space<vmem>> -> memref<128xi32, #tpu.memory_space<vmem>>
    %dma_start3A_25 = arith.constant 0 : i32
    %dma_start3A_26 = arith.constant 0 : i32
    %dma_start3A_27 = tpu.memref_slice %arg3[%dma_start3A_25, %dma_start3A_26] : memref<1001472x32xf32, #tpu.memory_space<hbm>> -> memref<1001472x32xf32, #tpu.memory_space<hbm>>
    %dma_start3A_28 = tpu.memref_slice %arg7[%dma_start3A_18] : memref<8x!tpu.dma_semaphore, #tpu.memory_space<semaphore_mem>> -> memref<1x!tpu.dma_semaphore, #tpu.memory_space<semaphore_mem>>
    %dma_start3A_29 = tpu.memref_squeeze %dma_start3A_28 : memref<1x!tpu.dma_semaphore, #tpu.memory_space<semaphore_mem>> -> memref<!tpu.dma_semaphore, #tpu.memory_space<semaphore_mem>>
    tpu.enqueue_indirect_dma source(%dma_start3A_27 : memref<1001472x32xf32, #tpu.memory_space<hbm>>) target(%dma_start3A_22 : memref<128x32xf32, #tpu.memory_space<vmem>>) offsets(%dma_start3A_24 : memref<128xi32, #tpu.memory_space<vmem>>) semaphore(%dma_start3A_29 : memref<!tpu.dma_semaphore, #tpu.memory_space<semaphore_mem>>)
    %dma_start3A_30 = arith.constant 2 : i32
    %dma_start3A_31 = arith.constant 2 : i32
    %dma_start3A_32 = arith.constant 0 : i32
    %dma_start3A_33 = arith.constant 0 : i32
    %dma_start3A_34 = tpu.memref_slice %arg6[%dma_start3A_30, %dma_start3A_32, %dma_start3A_33] : memref<8x128x32xf32, #tpu.memory_space<vmem>> -> memref<1x128x32xf32, #tpu.memory_space<vmem>>
    %dma_start3A_35 = tpu.memref_squeeze %dma_start3A_34 : memref<1x128x32xf32, #tpu.memory_space<vmem>> -> memref<128x32xf32, #tpu.memory_space<vmem>>
    %dma_start3A_36 = arith.constant 256 : i32
    %dma_start3A_37 = tpu.memref_slice %arg5[%dma_start3A_36] : memref<25600xi32, #tpu.memory_space<vmem>> -> memref<128xi32, #tpu.memory_space<vmem>>
    %dma_start3A_38 = arith.constant 0 : i32
    %dma_start3A_39 = arith.constant 0 : i32
    %dma_start3A_40 = tpu.memref_slice %arg3[%dma_start3A_38, %dma_start3A_39] : memref<1001472x32xf32, #tpu.memory_space<hbm>> -> memref<1001472x32xf32, #tpu.memory_space<hbm>>
    %dma_start3A_41 = tpu.memref_slice %arg7[%dma_start3A_31] : memref<8x!tpu.dma_semaphore, #tpu.memory_space<semaphore_mem>> -> memref<1x!tpu.dma_semaphore, #tpu.memory_space<semaphore_mem>>
    %dma_start3A_42 = tpu.memref_squeeze %dma_start3A_41 : memref<1x!tpu.dma_semaphore, #tpu.memory_space<semaphore_mem>> -> memref<!tpu.dma_semaphore, #tpu.memory_space<semaphore_mem>>
    tpu.enqueue_indirect_dma source(%dma_start3A_40 : memref<1001472x32xf32, #tpu.memory_space<hbm>>) target(%dma_start3A_35 : memref<128x32xf32, #tpu.memory_space<vmem>>) offsets(%dma_start3A_37 : memref<128xi32, #tpu.memory_space<vmem>>) semaphore(%dma_start3A_42 : memref<!tpu.dma_semaphore, #tpu.memory_space<semaphore_mem>>)
    %dma_start3A_43 = arith.constant 3 : i32
    %dma_start3A_44 = arith.constant 3 : i32
    %dma_start3A_45 = arith.constant 0 : i32
    %dma_start3A_46 = arith.constant 0 : i32
    %dma_start3A_47 = tpu.memref_slice %arg6[%dma_start3A_43, %dma_start3A_45, %dma_start3A_46] : memref<8x128x32xf32, #tpu.memory_space<vmem>> -> memref<1x128x32xf32, #tpu.memory_space<vmem>>
    %dma_start3A_48 = tpu.memref_squeeze %dma_start3A_47 : memref<1x128x32xf32, #tpu.memory_space<vmem>> -> memref<128x32xf32, #tpu.memory_space<vmem>>
    %dma_start3A_49 = arith.constant 384 : i32
    %dma_start3A_50 = tpu.memref_slice %arg5[%dma_start3A_49] : memref<25600xi32, #tpu.memory_space<vmem>> -> memref<128xi32, #tpu.memory_space<vmem>>
    %dma_start3A_51 = arith.constant 0 : i32
    %dma_start3A_52 = arith.constant 0 : i32
    %dma_start3A_53 = tpu.memref_slice %arg3[%dma_start3A_51, %dma_start3A_52] : memref<1001472x32xf32, #tpu.memory_space<hbm>> -> memref<1001472x32xf32, #tpu.memory_space<hbm>>
    %dma_start3A_54 = tpu.memref_slice %arg7[%dma_start3A_44] : memref<8x!tpu.dma_semaphore, #tpu.memory_space<semaphore_mem>> -> memref<1x!tpu.dma_semaphore, #tpu.memory_space<semaphore_mem>>
    %dma_start3A_55 = tpu.memref_squeeze %dma_start3A_54 : memref<1x!tpu.dma_semaphore, #tpu.memory_space<semaphore_mem>> -> memref<!tpu.dma_semaphore, #tpu.memory_space<semaphore_mem>>
    tpu.enqueue_indirect_dma source(%dma_start3A_53 : memref<1001472x32xf32, #tpu.memory_space<hbm>>) target(%dma_start3A_48 : memref<128x32xf32, #tpu.memory_space<vmem>>) offsets(%dma_start3A_50 : memref<128xi32, #tpu.memory_space<vmem>>) semaphore(%dma_start3A_55 : memref<!tpu.dma_semaphore, #tpu.memory_space<semaphore_mem>>)
    %dma_start3A_56 = arith.constant 4 : i32
    %dma_start3A_57 = arith.constant 4 : i32
    %dma_start3A_58 = arith.constant 0 : i32
    %dma_start3A_59 = arith.constant 0 : i32
    %dma_start3A_60 = tpu.memref_slice %arg6[%dma_start3A_56, %dma_start3A_58, %dma_start3A_59] : memref<8x128x32xf32, #tpu.memory_space<vmem>> -> memref<1x128x32xf32, #tpu.memory_space<vmem>>
    %dma_start3A_61 = tpu.memref_squeeze %dma_start3A_60 : memref<1x128x32xf32, #tpu.memory_space<vmem>> -> memref<128x32xf32, #tpu.memory_space<vmem>>
    %dma_start3A_62 = arith.constant 512 : i32
    %dma_start3A_63 = tpu.memref_slice %arg5[%dma_start3A_62] : memref<25600xi32, #tpu.memory_space<vmem>> -> memref<128xi32, #tpu.memory_space<vmem>>
    %dma_start3A_64 = arith.constant 0 : i32
    %dma_start3A_65 = arith.constant 0 : i32
    %dma_start3A_66 = tpu.memref_slice %arg3[%dma_start3A_64, %dma_start3A_65] : memref<1001472x32xf32, #tpu.memory_space<hbm>> -> memref<1001472x32xf32, #tpu.memory_space<hbm>>
    %dma_start3A_67 = tpu.memref_slice %arg7[%dma_start3A_57] : memref<8x!tpu.dma_semaphore, #tpu.memory_space<semaphore_mem>> -> memref<1x!tpu.dma_semaphore, #tpu.memory_space<semaphore_mem>>
    %dma_start3A_68 = tpu.memref_squeeze %dma_start3A_67 : memref<1x!tpu.dma_semaphore, #tpu.memory_space<semaphore_mem>> -> memref<!tpu.dma_semaphore, #tpu.memory_space<semaphore_mem>>
    tpu.enqueue_indirect_dma source(%dma_start3A_66 : memref<1001472x32xf32, #tpu.memory_space<hbm>>) target(%dma_start3A_61 : memref<128x32xf32, #tpu.memory_space<vmem>>) offsets(%dma_start3A_63 : memref<128xi32, #tpu.memory_space<vmem>>) semaphore(%dma_start3A_68 : memref<!tpu.dma_semaphore, #tpu.memory_space<semaphore_mem>>)
    %dma_wait3A = arith.constant 0 : i32
    %dma_wait3A_69 = arith.constant 0 : i32
    %dma_wait3A_70 = arith.constant 0 : i32
    %dma_wait3A_71 = arith.constant 0 : i32
    %dma_wait3A_72 = arith.constant 0 : i32
    %dma_wait3A_73 = tpu.memref_slice %arg6[%dma_wait3A_69, %dma_wait3A_71, %dma_wait3A_72] : memref<8x128x32xf32, #tpu.memory_space<vmem>> -> memref<1x128x32xf32, #tpu.memory_space<vmem>>
    %dma_wait3A_74 = tpu.memref_squeeze %dma_wait3A_73 : memref<1x128x32xf32, #tpu.memory_space<vmem>> -> memref<128x32xf32, #tpu.memory_space<vmem>>
    %dma_wait3A_75 = arith.constant 0 : i32
    %dma_wait3A_76 = arith.constant 0 : i32
    %dma_wait3A_77 = tpu.memref_slice %arg4[%dma_wait3A, %dma_wait3A_75, %dma_wait3A_76] : memref<50x16384x32xf32, #tpu.memory_space<hbm>> -> memref<1x128x32xf32, #tpu.memory_space<hbm>>
    %dma_wait3A_78 = tpu.memref_squeeze %dma_wait3A_77 : memref<1x128x32xf32, #tpu.memory_space<hbm>> -> memref<128x32xf32, #tpu.memory_space<hbm>>
    %dma_wait3A_79 = tpu.memref_slice %arg7[%dma_wait3A_70] : memref<8x!tpu.dma_semaphore, #tpu.memory_space<semaphore_mem>> -> memref<1x!tpu.dma_semaphore, #tpu.memory_space<semaphore_mem>>
    %dma_wait3A_80 = tpu.memref_squeeze %dma_wait3A_79 : memref<1x!tpu.dma_semaphore, #tpu.memory_space<semaphore_mem>> -> memref<!tpu.dma_semaphore, #tpu.memory_space<semaphore_mem>>
    %dma_wait3A_81 = arith.constant 0 : i32
    %dma_wait3A_82 = arith.constant 0 : i32
    %dma_wait3A_83 = tpu.memref_slice %arg6[%dma_wait3A_69, %dma_wait3A_81, %dma_wait3A_82] : memref<8x128x32xf32, #tpu.memory_space<vmem>> -> memref<1x128x32xf32, #tpu.memory_space<vmem>>
    %dma_wait3A_84 = tpu.memref_squeeze %dma_wait3A_83 : memref<1x128x32xf32, #tpu.memory_space<vmem>> -> memref<128x32xf32, #tpu.memory_space<vmem>>
    %dma_wait3A_85 = arith.constant 0 : i32
    %dma_wait3A_86 = arith.constant 0 : i32
    %dma_wait3A_87 = tpu.memref_slice %arg4[%dma_wait3A, %dma_wait3A_85, %dma_wait3A_86] : memref<50x16384x32xf32, #tpu.memory_space<hbm>> -> memref<1x128x32xf32, #tpu.memory_space<hbm>>
    %dma_wait3A_88 = tpu.memref_squeeze %dma_wait3A_87 : memref<1x128x32xf32, #tpu.memory_space<hbm>> -> memref<128x32xf32, #tpu.memory_space<hbm>>
    tpu.wait_dma2 semaphore(%dma_wait3A_80 : memref<!tpu.dma_semaphore, #tpu.memory_space<semaphore_mem>>) src(%dma_wait3A_88 : memref<128x32xf32, #tpu.memory_space<hbm>>) dst(%dma_wait3A_84 : memref<128x32xf32, #tpu.memory_space<vmem>>)
    %add3A_89 = arith.constant 0 : i32
    %add3A_90 = arith.addi %mul3A_2, %add3A_89 : i32
    %jit3A = arith.constant 128 : i32
    %div3A = arith.divsi %add3A_90, %jit3A : i32
    %sign3A = arith.constant 0 : i32
    %sign3A_91 = arith.cmpi sgt, %add3A_90, %sign3A : i32
    %sign3A_92 = arith.extui %sign3A_91 : i1 to i32
    %sign3A_93 = arith.constant 0 : i32
    %sign3A_94 = arith.cmpi slt, %add3A_90, %sign3A_93 : i32
    %sign3A_95 = arith.extui %sign3A_94 : i1 to i32
    %sign3A_96 = arith.subi %sign3A_92, %sign3A_95 : i32
    %sign3A_97 = arith.constant 0 : i32
    %sign3A_98 = arith.cmpi sgt, %jit3A, %sign3A_97 : i32
    %sign3A_99 = arith.extui %sign3A_98 : i1 to i32
    %sign3A_100 = arith.constant 0 : i32
    %sign3A_101 = arith.cmpi slt, %jit3A, %sign3A_100 : i32
    %sign3A_102 = arith.extui %sign3A_101 : i1 to i32
    %sign3A_103 = arith.subi %sign3A_99, %sign3A_102 : i32
    %ne3A = arith.cmpi ne, %sign3A_96, %sign3A_103 : i32
    %rem3A = arith.remsi %add3A_90, %jit3A : i32
    %ne3A_104 = arith.constant 0 : i32
    %ne3A_105 = arith.cmpi ne, %rem3A, %ne3A_104 : i32
    %and3A = arith.andi %ne3A, %ne3A_105 : i1
    %sub3A = arith.constant 1 : i32
    %sub3A_106 = arith.subi %div3A, %sub3A : i32
    %select_n3A = arith.select %and3A, %sub3A_106, %div3A : i32
    %jit3A_107 = arith.constant 128 : i32
    %eq3A = arith.constant 0 : i32
    %eq3A_108 = arith.cmpi eq, %jit3A_107, %eq3A : i32
    %jit3A_109 = arith.constant 1 : i32
    %select_n3A_110 = arith.select %eq3A_108, %jit3A_109, %jit3A_107 : i32
    %rem3A_111 = arith.remsi %add3A_90, %select_n3A_110 : i32
    %ne3A_112 = arith.constant 0 : i32
    %ne3A_113 = arith.cmpi ne, %rem3A_111, %ne3A_112 : i32
    %lt3A = arith.constant 0 : i32
    %lt3A_114 = arith.cmpi slt, %rem3A_111, %lt3A : i32
    %lt3A_115 = arith.constant 0 : i32
    %lt3A_116 = arith.cmpi slt, %select_n3A_110, %lt3A_115 : i32
    %ne3A_117 = arith.xori %lt3A_114, %lt3A_116 : i1
    %and3A_118 = arith.andi %ne3A_117, %ne3A_113 : i1
    %add3A_119 = arith.addi %rem3A_111, %select_n3A_110 : i32
    %select_n3A_120 = arith.select %and3A_118, %add3A_119, %rem3A_111 : i32
    %mul3A_121 = arith.constant 128 : i32
    %mul3A_122 = arith.muli %select_n3A_120, %mul3A_121 : i32
    %dma_start3A_123 = arith.constant 0 : i32
    %dma_start3A_124 = arith.constant 0 : i32
    %dma_start3A_125 = arith.constant 0 : i32
    %dma_start3A_126 = arith.constant 0 : i32
    %dma_start3A_127 = tpu.memref_slice %arg6[%dma_start3A_123, %dma_start3A_125, %dma_start3A_126] : memref<8x128x32xf32, #tpu.memory_space<vmem>> -> memref<1x128x32xf32, #tpu.memory_space<vmem>>
    %dma_start3A_128 = tpu.memref_squeeze %dma_start3A_127 : memref<1x128x32xf32, #tpu.memory_space<vmem>> -> memref<128x32xf32, #tpu.memory_space<vmem>>
    %dma_start3A_129 = arith.constant 0 : i32
    %dma_start3A_130 = tpu.memref_slice %arg4[%select_n3A, %mul3A_122, %dma_start3A_129] : memref<50x16384x32xf32, #tpu.memory_space<hbm>> -> memref<1x128x32xf32, #tpu.memory_space<hbm>>
    %dma_start3A_131 = tpu.memref_squeeze %dma_start3A_130 : memref<1x128x32xf32, #tpu.memory_space<hbm>> -> memref<128x32xf32, #tpu.memory_space<hbm>>
    %dma_start3A_132 = tpu.memref_slice %arg8[%dma_start3A_124] : memref<8x!tpu.dma_semaphore, #tpu.memory_space<semaphore_mem>> -> memref<1x!tpu.dma_semaphore, #tpu.memory_space<semaphore_mem>>
    %dma_start3A_133 = tpu.memref_squeeze %dma_start3A_132 : memref<1x!tpu.dma_semaphore, #tpu.memory_space<semaphore_mem>> -> memref<!tpu.dma_semaphore, #tpu.memory_space<semaphore_mem>>
    %dma_start3A_134 = arith.constant 0 : i32
    %dma_start3A_135 = tpu.memref_slice %arg4[%select_n3A, %mul3A_122, %dma_start3A_134] : memref<50x16384x32xf32, #tpu.memory_space<hbm>> -> memref<1x128x32xf32, #tpu.memory_space<hbm>>
    %dma_start3A_136 = tpu.memref_squeeze %dma_start3A_135 : memref<1x128x32xf32, #tpu.memory_space<hbm>> -> memref<128x32xf32, #tpu.memory_space<hbm>>
    %dma_start3A_137 = arith.constant 0 : i32
    %dma_start3A_138 = arith.constant 0 : i32
    %dma_start3A_139 = tpu.memref_slice %arg6[%dma_start3A_123, %dma_start3A_137, %dma_start3A_138] : memref<8x128x32xf32, #tpu.memory_space<vmem>> -> memref<1x128x32xf32, #tpu.memory_space<vmem>>
    %dma_start3A_140 = tpu.memref_squeeze %dma_start3A_139 : memref<1x128x32xf32, #tpu.memory_space<vmem>> -> memref<128x32xf32, #tpu.memory_space<vmem>>
    tpu.enqueue_dma source(%dma_start3A_140 : memref<128x32xf32, #tpu.memory_space<vmem>>) target(%dma_start3A_136 : memref<128x32xf32, #tpu.memory_space<hbm>>) target_semaphore(%dma_start3A_133 : memref<!tpu.dma_semaphore, #tpu.memory_space<semaphore_mem>>)
    %dma_start3A_141 = arith.constant 5 : i32
    %dma_start3A_142 = arith.constant 5 : i32
    %dma_start3A_143 = arith.constant 0 : i32
    %dma_start3A_144 = arith.constant 0 : i32
    %dma_start3A_145 = tpu.memref_slice %arg6[%dma_start3A_141, %dma_start3A_143, %dma_start3A_144] : memref<8x128x32xf32, #tpu.memory_space<vmem>> -> memref<1x128x32xf32, #tpu.memory_space<vmem>>
    %dma_start3A_146 = tpu.memref_squeeze %dma_start3A_145 : memref<1x128x32xf32, #tpu.memory_space<vmem>> -> memref<128x32xf32, #tpu.memory_space<vmem>>
    %dma_start3A_147 = arith.constant 640 : i32
    %dma_start3A_148 = tpu.memref_slice %arg5[%dma_start3A_147] : memref<25600xi32, #tpu.memory_space<vmem>> -> memref<128xi32, #tpu.memory_space<vmem>>
    %dma_start3A_149 = arith.constant 0 : i32
    %dma_start3A_150 = arith.constant 0 : i32
    %dma_start3A_151 = tpu.memref_slice %arg3[%dma_start3A_149, %dma_start3A_150] : memref<1001472x32xf32, #tpu.memory_space<hbm>> -> memref<1001472x32xf32, #tpu.memory_space<hbm>>
    %dma_start3A_152 = tpu.memref_slice %arg7[%dma_start3A_142] : memref<8x!tpu.dma_semaphore, #tpu.memory_space<semaphore_mem>> -> memref<1x!tpu.dma_semaphore, #tpu.memory_space<semaphore_mem>>
    %dma_start3A_153 = tpu.memref_squeeze %dma_start3A_152 : memref<1x!tpu.dma_semaphore, #tpu.memory_space<semaphore_mem>> -> memref<!tpu.dma_semaphore, #tpu.memory_space<semaphore_mem>>
    tpu.enqueue_indirect_dma source(%dma_start3A_151 : memref<1001472x32xf32, #tpu.memory_space<hbm>>) target(%dma_start3A_146 : memref<128x32xf32, #tpu.memory_space<vmem>>) offsets(%dma_start3A_148 : memref<128xi32, #tpu.memory_space<vmem>>) semaphore(%dma_start3A_153 : memref<!tpu.dma_semaphore, #tpu.memory_space<semaphore_mem>>)
    %dma_wait3A_154 = arith.constant 0 : i32
    %dma_wait3A_155 = arith.constant 1 : i32
    %dma_wait3A_156 = arith.constant 1 : i32
    %dma_wait3A_157 = arith.constant 0 : i32
    %dma_wait3A_158 = arith.constant 0 : i32
    %dma_wait3A_159 = tpu.memref_slice %arg6[%dma_wait3A_155, %dma_wait3A_157, %dma_wait3A_158] : memref<8x128x32xf32, #tpu.memory_space<vmem>> -> memref<1x128x32xf32, #tpu.memory_space<vmem>>
    %dma_wait3A_160 = tpu.memref_squeeze %dma_wait3A_159 : memref<1x128x32xf32, #tpu.memory_space<vmem>> -> memref<128x32xf32, #tpu.memory_space<vmem>>
    %dma_wait3A_161 = arith.constant 0 : i32
    %dma_wait3A_162 = arith.constant 0 : i32
    %dma_wait3A_163 = tpu.memref_slice %arg4[%dma_wait3A_154, %dma_wait3A_161, %dma_wait3A_162] : memref<50x16384x32xf32, #tpu.memory_space<hbm>> -> memref<1x128x32xf32, #tpu.memory_space<hbm>>
    %dma_wait3A_164 = tpu.memref_squeeze %dma_wait3A_163 : memref<1x128x32xf32, #tpu.memory_space<hbm>> -> memref<128x32xf32, #tpu.memory_space<hbm>>
    %dma_wait3A_165 = tpu.memref_slice %arg7[%dma_wait3A_156] : memref<8x!tpu.dma_semaphore, #tpu.memory_space<semaphore_mem>> -> memref<1x!tpu.dma_semaphore, #tpu.memory_space<semaphore_mem>>
    %dma_wait3A_166 = tpu.memref_squeeze %dma_wait3A_165 : memref<1x!tpu.dma_semaphore, #tpu.memory_space<semaphore_mem>> -> memref<!tpu.dma_semaphore, #tpu.memory_space<semaphore_mem>>
    %dma_wait3A_167 = arith.constant 0 : i32
    %dma_wait3A_168 = arith.constant 0 : i32
    %dma_wait3A_169 = tpu.memref_slice %arg6[%dma_wait3A_155, %dma_wait3A_167, %dma_wait3A_168] : memref<8x128x32xf32, #tpu.memory_space<vmem>> -> memref<1x128x32xf32, #tpu.memory_space<vmem>>
    %dma_wait3A_170 = tpu.memref_squeeze %dma_wait3A_169 : memref<1x128x32xf32, #tpu.memory_space<vmem>> -> memref<128x32xf32, #tpu.memory_space<vmem>>
    %dma_wait3A_171 = arith.constant 0 : i32
    %dma_wait3A_172 = arith.constant 0 : i32
    %dma_wait3A_173 = tpu.memref_slice %arg4[%dma_wait3A_154, %dma_wait3A_171, %dma_wait3A_172] : memref<50x16384x32xf32, #tpu.memory_space<hbm>> -> memref<1x128x32xf32, #tpu.memory_space<hbm>>
    %dma_wait3A_174 = tpu.memref_squeeze %dma_wait3A_173 : memref<1x128x32xf32, #tpu.memory_space<hbm>> -> memref<128x32xf32, #tpu.memory_space<hbm>>
    tpu.wait_dma2 semaphore(%dma_wait3A_166 : memref<!tpu.dma_semaphore, #tpu.memory_space<semaphore_mem>>) src(%dma_wait3A_174 : memref<128x32xf32, #tpu.memory_space<hbm>>) dst(%dma_wait3A_170 : memref<128x32xf32, #tpu.memory_space<vmem>>)
    %add3A_175 = arith.constant 1 : i32
    %add3A_176 = arith.addi %mul3A_2, %add3A_175 : i32
    %jit3A_177 = arith.constant 128 : i32
    %div3A_178 = arith.divsi %add3A_176, %jit3A_177 : i32
    %sign3A_179 = arith.constant 0 : i32
    %sign3A_180 = arith.cmpi sgt, %add3A_176, %sign3A_179 : i32
    %sign3A_181 = arith.extui %sign3A_180 : i1 to i32
    %sign3A_182 = arith.constant 0 : i32
    %sign3A_183 = arith.cmpi slt, %add3A_176, %sign3A_182 : i32
    %sign3A_184 = arith.extui %sign3A_183 : i1 to i32
    %sign3A_185 = arith.subi %sign3A_181, %sign3A_184 : i32
    %sign3A_186 = arith.constant 0 : i32
    %sign3A_187 = arith.cmpi sgt, %jit3A_177, %sign3A_186 : i32
    %sign3A_188 = arith.extui %sign3A_187 : i1 to i32
    %sign3A_189 = arith.constant 0 : i32
    %sign3A_190 = arith.cmpi slt, %jit3A_177, %sign3A_189 : i32
    %sign3A_191 = arith.extui %sign3A_190 : i1 to i32
    %sign3A_192 = arith.subi %sign3A_188, %sign3A_191 : i32
    %ne3A_193 = arith.cmpi ne, %sign3A_185, %sign3A_192 : i32
    %rem3A_194 = arith.remsi %add3A_176, %jit3A_177 : i32
    %ne3A_195 = arith.constant 0 : i32
    %ne3A_196 = arith.cmpi ne, %rem3A_194, %ne3A_195 : i32
    %and3A_197 = arith.andi %ne3A_193, %ne3A_196 : i1
    %sub3A_198 = arith.constant 1 : i32
    %sub3A_199 = arith.subi %div3A_178, %sub3A_198 : i32
    %select_n3A_200 = arith.select %and3A_197, %sub3A_199, %div3A_178 : i32
    %jit3A_201 = arith.constant 128 : i32
    %eq3A_202 = arith.constant 0 : i32
    %eq3A_203 = arith.cmpi eq, %jit3A_201, %eq3A_202 : i32
    %jit3A_204 = arith.constant 1 : i32
    %select_n3A_205 = arith.select %eq3A_203, %jit3A_204, %jit3A_201 : i32
    %rem3A_206 = arith.remsi %add3A_176, %select_n3A_205 : i32
    %ne3A_207 = arith.constant 0 : i32
    %ne3A_208 = arith.cmpi ne, %rem3A_206, %ne3A_207 : i32
    %lt3A_209 = arith.constant 0 : i32
    %lt3A_210 = arith.cmpi slt, %rem3A_206, %lt3A_209 : i32
    %lt3A_211 = arith.constant 0 : i32
    %lt3A_212 = arith.cmpi slt, %select_n3A_205, %lt3A_211 : i32
    %ne3A_213 = arith.xori %lt3A_210, %lt3A_212 : i1
    %and3A_214 = arith.andi %ne3A_213, %ne3A_208 : i1
    %add3A_215 = arith.addi %rem3A_206, %select_n3A_205 : i32
    %select_n3A_216 = arith.select %and3A_214, %add3A_215, %rem3A_206 : i32
    %mul3A_217 = arith.constant 128 : i32
    %mul3A_218 = arith.muli %select_n3A_216, %mul3A_217 : i32
    %dma_start3A_219 = arith.constant 1 : i32
    %dma_start3A_220 = arith.constant 1 : i32
    %dma_start3A_221 = arith.constant 0 : i32
    %dma_start3A_222 = arith.constant 0 : i32
    %dma_start3A_223 = tpu.memref_slice %arg6[%dma_start3A_219, %dma_start3A_221, %dma_start3A_222] : memref<8x128x32xf32, #tpu.memory_space<vmem>> -> memref<1x128x32xf32, #tpu.memory_space<vmem>>
    %dma_start3A_224 = tpu.memref_squeeze %dma_start3A_223 : memref<1x128x32xf32, #tpu.memory_space<vmem>> -> memref<128x32xf32, #tpu.memory_space<vmem>>
    %dma_start3A_225 = arith.constant 0 : i32
    %dma_start3A_226 = tpu.memref_slice %arg4[%select_n3A_200, %mul3A_218, %dma_start3A_225] : memref<50x16384x32xf32, #tpu.memory_space<hbm>> -> memref<1x128x32xf32, #tpu.memory_space<hbm>>
    %dma_start3A_227 = tpu.memref_squeeze %dma_start3A_226 : memref<1x128x32xf32, #tpu.memory_space<hbm>> -> memref<128x32xf32, #tpu.memory_space<hbm>>
    %dma_start3A_228 = tpu.memref_slice %arg8[%dma_start3A_220] : memref<8x!tpu.dma_semaphore, #tpu.memory_space<semaphore_mem>> -> memref<1x!tpu.dma_semaphore, #tpu.memory_space<semaphore_mem>>
    %dma_start3A_229 = tpu.memref_squeeze %dma_start3A_228 : memref<1x!tpu.dma_semaphore, #tpu.memory_space<semaphore_mem>> -> memref<!tpu.dma_semaphore, #tpu.memory_space<semaphore_mem>>
    %dma_start3A_230 = arith.constant 0 : i32
    %dma_start3A_231 = tpu.memref_slice %arg4[%select_n3A_200, %mul3A_218, %dma_start3A_230] : memref<50x16384x32xf32, #tpu.memory_space<hbm>> -> memref<1x128x32xf32, #tpu.memory_space<hbm>>
    %dma_start3A_232 = tpu.memref_squeeze %dma_start3A_231 : memref<1x128x32xf32, #tpu.memory_space<hbm>> -> memref<128x32xf32, #tpu.memory_space<hbm>>
    %dma_start3A_233 = arith.constant 0 : i32
    %dma_start3A_234 = arith.constant 0 : i32
    %dma_start3A_235 = tpu.memref_slice %arg6[%dma_start3A_219, %dma_start3A_233, %dma_start3A_234] : memref<8x128x32xf32, #tpu.memory_space<vmem>> -> memref<1x128x32xf32, #tpu.memory_space<vmem>>
    %dma_start3A_236 = tpu.memref_squeeze %dma_start3A_235 : memref<1x128x32xf32, #tpu.memory_space<vmem>> -> memref<128x32xf32, #tpu.memory_space<vmem>>
    tpu.enqueue_dma source(%dma_start3A_236 : memref<128x32xf32, #tpu.memory_space<vmem>>) target(%dma_start3A_232 : memref<128x32xf32, #tpu.memory_space<hbm>>) target_semaphore(%dma_start3A_229 : memref<!tpu.dma_semaphore, #tpu.memory_space<semaphore_mem>>)
    %dma_start3A_237 = arith.constant 6 : i32
    %dma_start3A_238 = arith.constant 6 : i32
    %dma_start3A_239 = arith.constant 0 : i32
    %dma_start3A_240 = arith.constant 0 : i32
    %dma_start3A_241 = tpu.memref_slice %arg6[%dma_start3A_237, %dma_start3A_239, %dma_start3A_240] : memref<8x128x32xf32, #tpu.memory_space<vmem>> -> memref<1x128x32xf32, #tpu.memory_space<vmem>>
    %dma_start3A_242 = tpu.memref_squeeze %dma_start3A_241 : memref<1x128x32xf32, #tpu.memory_space<vmem>> -> memref<128x32xf32, #tpu.memory_space<vmem>>
    %dma_start3A_243 = arith.constant 768 : i32
    %dma_start3A_244 = tpu.memref_slice %arg5[%dma_start3A_243] : memref<25600xi32, #tpu.memory_space<vmem>> -> memref<128xi32, #tpu.memory_space<vmem>>
    %dma_start3A_245 = arith.constant 0 : i32
    %dma_start3A_246 = arith.constant 0 : i32
    %dma_start3A_247 = tpu.memref_slice %arg3[%dma_start3A_245, %dma_start3A_246] : memref<1001472x32xf32, #tpu.memory_space<hbm>> -> memref<1001472x32xf32, #tpu.memory_space<hbm>>
    %dma_start3A_248 = tpu.memref_slice %arg7[%dma_start3A_238] : memref<8x!tpu.dma_semaphore, #tpu.memory_space<semaphore_mem>> -> memref<1x!tpu.dma_semaphore, #tpu.memory_space<semaphore_mem>>
    %dma_start3A_249 = tpu.memref_squeeze %dma_start3A_248 : memref<1x!tpu.dma_semaphore, #tpu.memory_space<semaphore_mem>> -> memref<!tpu.dma_semaphore, #tpu.memory_space<semaphore_mem>>
    tpu.enqueue_indirect_dma source(%dma_start3A_247 : memref<1001472x32xf32, #tpu.memory_space<hbm>>) target(%dma_start3A_242 : memref<128x32xf32, #tpu.memory_space<vmem>>) offsets(%dma_start3A_244 : memref<128xi32, #tpu.memory_space<vmem>>) semaphore(%dma_start3A_249 : memref<!tpu.dma_semaphore, #tpu.memory_space<semaphore_mem>>)
    %dma_wait3A_250 = arith.constant 0 : i32
    %dma_wait3A_251 = arith.constant 2 : i32
    %dma_wait3A_252 = arith.constant 2 : i32
    %dma_wait3A_253 = arith.constant 0 : i32
    %dma_wait3A_254 = arith.constant 0 : i32
    %dma_wait3A_255 = tpu.memref_slice %arg6[%dma_wait3A_251, %dma_wait3A_253, %dma_wait3A_254] : memref<8x128x32xf32, #tpu.memory_space<vmem>> -> memref<1x128x32xf32, #tpu.memory_space<vmem>>
    %dma_wait3A_256 = tpu.memref_squeeze %dma_wait3A_255 : memref<1x128x32xf32, #tpu.memory_space<vmem>> -> memref<128x32xf32, #tpu.memory_space<vmem>>
    %dma_wait3A_257 = arith.constant 0 : i32
    %dma_wait3A_258 = arith.constant 0 : i32
    %dma_wait3A_259 = tpu.memref_slice %arg4[%dma_wait3A_250, %dma_wait3A_257, %dma_wait3A_258] : memref<50x16384x32xf32, #tpu.memory_space<hbm>> -> memref<1x128x32xf32, #tpu.memory_space<hbm>>
    %dma_wait3A_260 = tpu.memref_squeeze %dma_wait3A_259 : memref<1x128x32xf32, #tpu.memory_space<hbm>> -> memref<128x32xf32, #tpu.memory_space<hbm>>
    %dma_wait3A_261 = tpu.memref_slice %arg7[%dma_wait3A_252] : memref<8x!tpu.dma_semaphore, #tpu.memory_space<semaphore_mem>> -> memref<1x!tpu.dma_semaphore, #tpu.memory_space<semaphore_mem>>
    %dma_wait3A_262 = tpu.memref_squeeze %dma_wait3A_261 : memref<1x!tpu.dma_semaphore, #tpu.memory_space<semaphore_mem>> -> memref<!tpu.dma_semaphore, #tpu.memory_space<semaphore_mem>>
    %dma_wait3A_263 = arith.constant 0 : i32
    %dma_wait3A_264 = arith.constant 0 : i32
    %dma_wait3A_265 = tpu.memref_slice %arg6[%dma_wait3A_251, %dma_wait3A_263, %dma_wait3A_264] : memref<8x128x32xf32, #tpu.memory_space<vmem>> -> memref<1x128x32xf32, #tpu.memory_space<vmem>>
    %dma_wait3A_266 = tpu.memref_squeeze %dma_wait3A_265 : memref<1x128x32xf32, #tpu.memory_space<vmem>> -> memref<128x32xf32, #tpu.memory_space<vmem>>
    %dma_wait3A_267 = arith.constant 0 : i32
    %dma_wait3A_268 = arith.constant 0 : i32
    %dma_wait3A_269 = tpu.memref_slice %arg4[%dma_wait3A_250, %dma_wait3A_267, %dma_wait3A_268] : memref<50x16384x32xf32, #tpu.memory_space<hbm>> -> memref<1x128x32xf32, #tpu.memory_space<hbm>>
    %dma_wait3A_270 = tpu.memref_squeeze %dma_wait3A_269 : memref<1x128x32xf32, #tpu.memory_space<hbm>> -> memref<128x32xf32, #tpu.memory_space<hbm>>
    tpu.wait_dma2 semaphore(%dma_wait3A_262 : memref<!tpu.dma_semaphore, #tpu.memory_space<semaphore_mem>>) src(%dma_wait3A_270 : memref<128x32xf32, #tpu.memory_space<hbm>>) dst(%dma_wait3A_266 : memref<128x32xf32, #tpu.memory_space<vmem>>)
    %add3A_271 = arith.constant 2 : i32
    %add3A_272 = arith.addi %mul3A_2, %add3A_271 : i32
    %jit3A_273 = arith.constant 128 : i32
    %div3A_274 = arith.divsi %add3A_272, %jit3A_273 : i32
    %sign3A_275 = arith.constant 0 : i32
    %sign3A_276 = arith.cmpi sgt, %add3A_272, %sign3A_275 : i32
    %sign3A_277 = arith.extui %sign3A_276 : i1 to i32
    %sign3A_278 = arith.constant 0 : i32
    %sign3A_279 = arith.cmpi slt, %add3A_272, %sign3A_278 : i32
    %sign3A_280 = arith.extui %sign3A_279 : i1 to i32
    %sign3A_281 = arith.subi %sign3A_277, %sign3A_280 : i32
    %sign3A_282 = arith.constant 0 : i32
    %sign3A_283 = arith.cmpi sgt, %jit3A_273, %sign3A_282 : i32
    %sign3A_284 = arith.extui %sign3A_283 : i1 to i32
    %sign3A_285 = arith.constant 0 : i32
    %sign3A_286 = arith.cmpi slt, %jit3A_273, %sign3A_285 : i32
    %sign3A_287 = arith.extui %sign3A_286 : i1 to i32
    %sign3A_288 = arith.subi %sign3A_284, %sign3A_287 : i32
    %ne3A_289 = arith.cmpi ne, %sign3A_281, %sign3A_288 : i32
    %rem3A_290 = arith.remsi %add3A_272, %jit3A_273 : i32
    %ne3A_291 = arith.constant 0 : i32
    %ne3A_292 = arith.cmpi ne, %rem3A_290, %ne3A_291 : i32
    %and3A_293 = arith.andi %ne3A_289, %ne3A_292 : i1
    %sub3A_294 = arith.constant 1 : i32
    %sub3A_295 = arith.subi %div3A_274, %sub3A_294 : i32
    %select_n3A_296 = arith.select %and3A_293, %sub3A_295, %div3A_274 : i32
    %jit3A_297 = arith.constant 128 : i32
    %eq3A_298 = arith.constant 0 : i32
    %eq3A_299 = arith.cmpi eq, %jit3A_297, %eq3A_298 : i32
    %jit3A_300 = arith.constant 1 : i32
    %select_n3A_301 = arith.select %eq3A_299, %jit3A_300, %jit3A_297 : i32
    %rem3A_302 = arith.remsi %add3A_272, %select_n3A_301 : i32
    %ne3A_303 = arith.constant 0 : i32
    %ne3A_304 = arith.cmpi ne, %rem3A_302, %ne3A_303 : i32
    %lt3A_305 = arith.constant 0 : i32
    %lt3A_306 = arith.cmpi slt, %rem3A_302, %lt3A_305 : i32
    %lt3A_307 = arith.constant 0 : i32
    %lt3A_308 = arith.cmpi slt, %select_n3A_301, %lt3A_307 : i32
    %ne3A_309 = arith.xori %lt3A_306, %lt3A_308 : i1
    %and3A_310 = arith.andi %ne3A_309, %ne3A_304 : i1
    %add3A_311 = arith.addi %rem3A_302, %select_n3A_301 : i32
    %select_n3A_312 = arith.select %and3A_310, %add3A_311, %rem3A_302 : i32
    %mul3A_313 = arith.constant 128 : i32
    %mul3A_314 = arith.muli %select_n3A_312, %mul3A_313 : i32
    %dma_start3A_315 = arith.constant 2 : i32
    %dma_start3A_316 = arith.constant 2 : i32
    %dma_start3A_317 = arith.constant 0 : i32
    %dma_start3A_318 = arith.constant 0 : i32
    %dma_start3A_319 = tpu.memref_slice %arg6[%dma_start3A_315, %dma_start3A_317, %dma_start3A_318] : memref<8x128x32xf32, #tpu.memory_space<vmem>> -> memref<1x128x32xf32, #tpu.memory_space<vmem>>
    %dma_start3A_320 = tpu.memref_squeeze %dma_start3A_319 : memref<1x128x32xf32, #tpu.memory_space<vmem>> -> memref<128x32xf32, #tpu.memory_space<vmem>>
    %dma_start3A_321 = arith.constant 0 : i32
    %dma_start3A_322 = tpu.memref_slice %arg4[%select_n3A_296, %mul3A_314, %dma_start3A_321] : memref<50x16384x32xf32, #tpu.memory_space<hbm>> -> memref<1x128x32xf32, #tpu.memory_space<hbm>>
    %dma_start3A_323 = tpu.memref_squeeze %dma_start3A_322 : memref<1x128x32xf32, #tpu.memory_space<hbm>> -> memref<128x32xf32, #tpu.memory_space<hbm>>
    %dma_start3A_324 = tpu.memref_slice %arg8[%dma_start3A_316] : memref<8x!tpu.dma_semaphore, #tpu.memory_space<semaphore_mem>> -> memref<1x!tpu.dma_semaphore, #tpu.memory_space<semaphore_mem>>
    %dma_start3A_325 = tpu.memref_squeeze %dma_start3A_324 : memref<1x!tpu.dma_semaphore, #tpu.memory_space<semaphore_mem>> -> memref<!tpu.dma_semaphore, #tpu.memory_space<semaphore_mem>>
    %dma_start3A_326 = arith.constant 0 : i32
    %dma_start3A_327 = tpu.memref_slice %arg4[%select_n3A_296, %mul3A_314, %dma_start3A_326] : memref<50x16384x32xf32, #tpu.memory_space<hbm>> -> memref<1x128x32xf32, #tpu.memory_space<hbm>>
    %dma_start3A_328 = tpu.memref_squeeze %dma_start3A_327 : memref<1x128x32xf32, #tpu.memory_space<hbm>> -> memref<128x32xf32, #tpu.memory_space<hbm>>
    %dma_start3A_329 = arith.constant 0 : i32
    %dma_start3A_330 = arith.constant 0 : i32
    %dma_start3A_331 = tpu.memref_slice %arg6[%dma_start3A_315, %dma_start3A_329, %dma_start3A_330] : memref<8x128x32xf32, #tpu.memory_space<vmem>> -> memref<1x128x32xf32, #tpu.memory_space<vmem>>
    %dma_start3A_332 = tpu.memref_squeeze %dma_start3A_331 : memref<1x128x32xf32, #tpu.memory_space<vmem>> -> memref<128x32xf32, #tpu.memory_space<vmem>>
    tpu.enqueue_dma source(%dma_start3A_332 : memref<128x32xf32, #tpu.memory_space<vmem>>) target(%dma_start3A_328 : memref<128x32xf32, #tpu.memory_space<hbm>>) target_semaphore(%dma_start3A_325 : memref<!tpu.dma_semaphore, #tpu.memory_space<semaphore_mem>>)
    %dma_start3A_333 = arith.constant 7 : i32
    %dma_start3A_334 = arith.constant 7 : i32
    %dma_start3A_335 = arith.constant 0 : i32
    %dma_start3A_336 = arith.constant 0 : i32
    %dma_start3A_337 = tpu.memref_slice %arg6[%dma_start3A_333, %dma_start3A_335, %dma_start3A_336] : memref<8x128x32xf32, #tpu.memory_space<vmem>> -> memref<1x128x32xf32, #tpu.memory_space<vmem>>
    %dma_start3A_338 = tpu.memref_squeeze %dma_start3A_337 : memref<1x128x32xf32, #tpu.memory_space<vmem>> -> memref<128x32xf32, #tpu.memory_space<vmem>>
    %dma_start3A_339 = arith.constant 896 : i32
    %dma_start3A_340 = tpu.memref_slice %arg5[%dma_start3A_339] : memref<25600xi32, #tpu.memory_space<vmem>> -> memref<128xi32, #tpu.memory_space<vmem>>
    %dma_start3A_341 = arith.constant 0 : i32
    %dma_start3A_342 = arith.constant 0 : i32
    %dma_start3A_343 = tpu.memref_slice %arg3[%dma_start3A_341, %dma_start3A_342] : memref<1001472x32xf32, #tpu.memory_space<hbm>> -> memref<1001472x32xf32, #tpu.memory_space<hbm>>
    %dma_start3A_344 = tpu.memref_slice %arg7[%dma_start3A_334] : memref<8x!tpu.dma_semaphore, #tpu.memory_space<semaphore_mem>> -> memref<1x!tpu.dma_semaphore, #tpu.memory_space<semaphore_mem>>
    %dma_start3A_345 = tpu.memref_squeeze %dma_start3A_344 : memref<1x!tpu.dma_semaphore, #tpu.memory_space<semaphore_mem>> -> memref<!tpu.dma_semaphore, #tpu.memory_space<semaphore_mem>>
    tpu.enqueue_indirect_dma source(%dma_start3A_343 : memref<1001472x32xf32, #tpu.memory_space<hbm>>) target(%dma_start3A_338 : memref<128x32xf32, #tpu.memory_space<vmem>>) offsets(%dma_start3A_340 : memref<128xi32, #tpu.memory_space<vmem>>) semaphore(%dma_start3A_345 : memref<!tpu.dma_semaphore, #tpu.memory_space<semaphore_mem>>)
    %dma_wait3A_346 = arith.constant 0 : i32
    %dma_wait3A_347 = arith.constant 3 : i32
    %dma_wait3A_348 = arith.constant 3 : i32
    %dma_wait3A_349 = arith.constant 0 : i32
    %dma_wait3A_350 = arith.constant 0 : i32
    %dma_wait3A_351 = tpu.memref_slice %arg6[%dma_wait3A_347, %dma_wait3A_349, %dma_wait3A_350] : memref<8x128x32xf32, #tpu.memory_space<vmem>> -> memref<1x128x32xf32, #tpu.memory_space<vmem>>
    %dma_wait3A_352 = tpu.memref_squeeze %dma_wait3A_351 : memref<1x128x32xf32, #tpu.memory_space<vmem>> -> memref<128x32xf32, #tpu.memory_space<vmem>>
    %dma_wait3A_353 = arith.constant 0 : i32
    %dma_wait3A_354 = arith.constant 0 : i32
    %dma_wait3A_355 = tpu.memref_slice %arg4[%dma_wait3A_346, %dma_wait3A_353, %dma_wait3A_354] : memref<50x16384x32xf32, #tpu.memory_space<hbm>> -> memref<1x128x32xf32, #tpu.memory_space<hbm>>
    %dma_wait3A_356 = tpu.memref_squeeze %dma_wait3A_355 : memref<1x128x32xf32, #tpu.memory_space<hbm>> -> memref<128x32xf32, #tpu.memory_space<hbm>>
    %dma_wait3A_357 = tpu.memref_slice %arg7[%dma_wait3A_348] : memref<8x!tpu.dma_semaphore, #tpu.memory_space<semaphore_mem>> -> memref<1x!tpu.dma_semaphore, #tpu.memory_space<semaphore_mem>>
    %dma_wait3A_358 = tpu.memref_squeeze %dma_wait3A_357 : memref<1x!tpu.dma_semaphore, #tpu.memory_space<semaphore_mem>> -> memref<!tpu.dma_semaphore, #tpu.memory_space<semaphore_mem>>
    %dma_wait3A_359 = arith.constant 0 : i32
    %dma_wait3A_360 = arith.constant 0 : i32
    %dma_wait3A_361 = tpu.memref_slice %arg6[%dma_wait3A_347, %dma_wait3A_359, %dma_wait3A_360] : memref<8x128x32xf32, #tpu.memory_space<vmem>> -> memref<1x128x32xf32, #tpu.memory_space<vmem>>
    %dma_wait3A_362 = tpu.memref_squeeze %dma_wait3A_361 : memref<1x128x32xf32, #tpu.memory_space<vmem>> -> memref<128x32xf32, #tpu.memory_space<vmem>>
    %dma_wait3A_363 = arith.constant 0 : i32
    %dma_wait3A_364 = arith.constant 0 : i32
    %dma_wait3A_365 = tpu.memref_slice %arg4[%dma_wait3A_346, %dma_wait3A_363, %dma_wait3A_364] : memref<50x16384x32xf32, #tpu.memory_space<hbm>> -> memref<1x128x32xf32, #tpu.memory_space<hbm>>
    %dma_wait3A_366 = tpu.memref_squeeze %dma_wait3A_365 : memref<1x128x32xf32, #tpu.memory_space<hbm>> -> memref<128x32xf32, #tpu.memory_space<hbm>>
    tpu.wait_dma2 semaphore(%dma_wait3A_358 : memref<!tpu.dma_semaphore, #tpu.memory_space<semaphore_mem>>) src(%dma_wait3A_366 : memref<128x32xf32, #tpu.memory_space<hbm>>) dst(%dma_wait3A_362 : memref<128x32xf32, #tpu.memory_space<vmem>>)
    %add3A_367 = arith.constant 3 : i32
    %add3A_368 = arith.addi %mul3A_2, %add3A_367 : i32
    %jit3A_369 = arith.constant 128 : i32
    %div3A_370 = arith.divsi %add3A_368, %jit3A_369 : i32
    %sign3A_371 = arith.constant 0 : i32
    %sign3A_372 = arith.cmpi sgt, %add3A_368, %sign3A_371 : i32
    %sign3A_373 = arith.extui %sign3A_372 : i1 to i32
    %sign3A_374 = arith.constant 0 : i32
    %sign3A_375 = arith.cmpi slt, %add3A_368, %sign3A_374 : i32
    %sign3A_376 = arith.extui %sign3A_375 : i1 to i32
    %sign3A_377 = arith.subi %sign3A_373, %sign3A_376 : i32
    %sign3A_378 = arith.constant 0 : i32
    %sign3A_379 = arith.cmpi sgt, %jit3A_369, %sign3A_378 : i32
    %sign3A_380 = arith.extui %sign3A_379 : i1 to i32
    %sign3A_381 = arith.constant 0 : i32
    %sign3A_382 = arith.cmpi slt, %jit3A_369, %sign3A_381 : i32
    %sign3A_383 = arith.extui %sign3A_382 : i1 to i32
    %sign3A_384 = arith.subi %sign3A_380, %sign3A_383 : i32
    %ne3A_385 = arith.cmpi ne, %sign3A_377, %sign3A_384 : i32
    %rem3A_386 = arith.remsi %add3A_368, %jit3A_369 : i32
    %ne3A_387 = arith.constant 0 : i32
    %ne3A_388 = arith.cmpi ne, %rem3A_386, %ne3A_387 : i32
    %and3A_389 = arith.andi %ne3A_385, %ne3A_388 : i1
    %sub3A_390 = arith.constant 1 : i32
    %sub3A_391 = arith.subi %div3A_370, %sub3A_390 : i32
    %select_n3A_392 = arith.select %and3A_389, %sub3A_391, %div3A_370 : i32
    %jit3A_393 = arith.constant 128 : i32
    %eq3A_394 = arith.constant 0 : i32
    %eq3A_395 = arith.cmpi eq, %jit3A_393, %eq3A_394 : i32
    %jit3A_396 = arith.constant 1 : i32
    %select_n3A_397 = arith.select %eq3A_395, %jit3A_396, %jit3A_393 : i32
    %rem3A_398 = arith.remsi %add3A_368, %select_n3A_397 : i32
    %ne3A_399 = arith.constant 0 : i32
    %ne3A_400 = arith.cmpi ne, %rem3A_398, %ne3A_399 : i32
    %lt3A_401 = arith.constant 0 : i32
    %lt3A_402 = arith.cmpi slt, %rem3A_398, %lt3A_401 : i32
    %lt3A_403 = arith.constant 0 : i32
    %lt3A_404 = arith.cmpi slt, %select_n3A_397, %lt3A_403 : i32
    %ne3A_405 = arith.xori %lt3A_402, %lt3A_404 : i1
    %and3A_406 = arith.andi %ne3A_405, %ne3A_400 : i1
    %add3A_407 = arith.addi %rem3A_398, %select_n3A_397 : i32
    %select_n3A_408 = arith.select %and3A_406, %add3A_407, %rem3A_398 : i32
    %mul3A_409 = arith.constant 128 : i32
    %mul3A_410 = arith.muli %select_n3A_408, %mul3A_409 : i32
    %dma_start3A_411 = arith.constant 3 : i32
    %dma_start3A_412 = arith.constant 3 : i32
    %dma_start3A_413 = arith.constant 0 : i32
    %dma_start3A_414 = arith.constant 0 : i32
    %dma_start3A_415 = tpu.memref_slice %arg6[%dma_start3A_411, %dma_start3A_413, %dma_start3A_414] : memref<8x128x32xf32, #tpu.memory_space<vmem>> -> memref<1x128x32xf32, #tpu.memory_space<vmem>>
    %dma_start3A_416 = tpu.memref_squeeze %dma_start3A_415 : memref<1x128x32xf32, #tpu.memory_space<vmem>> -> memref<128x32xf32, #tpu.memory_space<vmem>>
    %dma_start3A_417 = arith.constant 0 : i32
    %dma_start3A_418 = tpu.memref_slice %arg4[%select_n3A_392, %mul3A_410, %dma_start3A_417] : memref<50x16384x32xf32, #tpu.memory_space<hbm>> -> memref<1x128x32xf32, #tpu.memory_space<hbm>>
    %dma_start3A_419 = tpu.memref_squeeze %dma_start3A_418 : memref<1x128x32xf32, #tpu.memory_space<hbm>> -> memref<128x32xf32, #tpu.memory_space<hbm>>
    %dma_start3A_420 = tpu.memref_slice %arg8[%dma_start3A_412] : memref<8x!tpu.dma_semaphore, #tpu.memory_space<semaphore_mem>> -> memref<1x!tpu.dma_semaphore, #tpu.memory_space<semaphore_mem>>
    %dma_start3A_421 = tpu.memref_squeeze %dma_start3A_420 : memref<1x!tpu.dma_semaphore, #tpu.memory_space<semaphore_mem>> -> memref<!tpu.dma_semaphore, #tpu.memory_space<semaphore_mem>>
    %dma_start3A_422 = arith.constant 0 : i32
    %dma_start3A_423 = tpu.memref_slice %arg4[%select_n3A_392, %mul3A_410, %dma_start3A_422] : memref<50x16384x32xf32, #tpu.memory_space<hbm>> -> memref<1x128x32xf32, #tpu.memory_space<hbm>>
    %dma_start3A_424 = tpu.memref_squeeze %dma_start3A_423 : memref<1x128x32xf32, #tpu.memory_space<hbm>> -> memref<128x32xf32, #tpu.memory_space<hbm>>
    %dma_start3A_425 = arith.constant 0 : i32
    %dma_start3A_426 = arith.constant 0 : i32
    %dma_start3A_427 = tpu.memref_slice %arg6[%dma_start3A_411, %dma_start3A_425, %dma_start3A_426] : memref<8x128x32xf32, #tpu.memory_space<vmem>> -> memref<1x128x32xf32, #tpu.memory_space<vmem>>
    %dma_start3A_428 = tpu.memref_squeeze %dma_start3A_427 : memref<1x128x32xf32, #tpu.memory_space<vmem>> -> memref<128x32xf32, #tpu.memory_space<vmem>>
    tpu.enqueue_dma source(%dma_start3A_428 : memref<128x32xf32, #tpu.memory_space<vmem>>) target(%dma_start3A_424 : memref<128x32xf32, #tpu.memory_space<hbm>>) target_semaphore(%dma_start3A_421 : memref<!tpu.dma_semaphore, #tpu.memory_space<semaphore_mem>>)
    %scan3A = arith.constant 0 : i32
    %scan3A_429 = arith.constant 24 : i32
    %scan3A_430 = arith.addi %scan3A, %scan3A_429 : i32
    %scan3A_431 = arith.constant 1 : i32
    scf.for %scan3A_933 = %scan3A to %scan3A_430 step %scan3A_431  : i32 {
      %mul3A_934 = arith.constant 1 : i32
      %mul3A_935 = arith.muli %scan3A_933, %mul3A_934 : i32
      %add3A_936 = arith.constant 0 : i32
      %add3A_937 = arith.addi %add3A_936, %mul3A_935 : i32
      %mul3A_938 = arith.constant 8 : i32
      %mul3A_939 = arith.muli %add3A_937, %mul3A_938 : i32
      %add3A_940 = arith.constant 4 : i32
      %add3A_941 = arith.addi %add3A_940, %mul3A_939 : i32
      %add3A_942 = arith.constant 0 : i32
      %add3A_943 = arith.addi %add3A_941, %add3A_942 : i32
      %dma_wait3A_944 = arith.constant 0 : i32
      %dma_wait3A_945 = arith.constant 0 : i32
      %dma_wait3A_946 = arith.constant 0 : i32
      %dma_wait3A_947 = arith.constant 0 : i32
      %dma_wait3A_948 = arith.constant 0 : i32
      %dma_wait3A_949 = tpu.memref_slice %arg6[%dma_wait3A_944, %dma_wait3A_947, %dma_wait3A_948] : memref<8x128x32xf32, #tpu.memory_space<vmem>> -> memref<1x128x32xf32, #tpu.memory_space<vmem>>
      %dma_wait3A_950 = tpu.memref_squeeze %dma_wait3A_949 : memref<1x128x32xf32, #tpu.memory_space<vmem>> -> memref<128x32xf32, #tpu.memory_space<vmem>>
      %dma_wait3A_951 = arith.constant 0 : i32
      %dma_wait3A_952 = arith.constant 0 : i32
      %dma_wait3A_953 = tpu.memref_slice %arg4[%dma_wait3A_945, %dma_wait3A_951, %dma_wait3A_952] : memref<50x16384x32xf32, #tpu.memory_space<hbm>> -> memref<1x128x32xf32, #tpu.memory_space<hbm>>
      %dma_wait3A_954 = tpu.memref_squeeze %dma_wait3A_953 : memref<1x128x32xf32, #tpu.memory_space<hbm>> -> memref<128x32xf32, #tpu.memory_space<hbm>>
      %dma_wait3A_955 = tpu.memref_slice %arg8[%dma_wait3A_946] : memref<8x!tpu.dma_semaphore, #tpu.memory_space<semaphore_mem>> -> memref<1x!tpu.dma_semaphore, #tpu.memory_space<semaphore_mem>>
      %dma_wait3A_956 = tpu.memref_squeeze %dma_wait3A_955 : memref<1x!tpu.dma_semaphore, #tpu.memory_space<semaphore_mem>> -> memref<!tpu.dma_semaphore, #tpu.memory_space<semaphore_mem>>
      %dma_wait3A_957 = arith.constant 0 : i32
      %dma_wait3A_958 = arith.constant 0 : i32
      %dma_wait3A_959 = tpu.memref_slice %arg4[%dma_wait3A_945, %dma_wait3A_957, %dma_wait3A_958] : memref<50x16384x32xf32, #tpu.memory_space<hbm>> -> memref<1x128x32xf32, #tpu.memory_space<hbm>>
      %dma_wait3A_960 = tpu.memref_squeeze %dma_wait3A_959 : memref<1x128x32xf32, #tpu.memory_space<hbm>> -> memref<128x32xf32, #tpu.memory_space<hbm>>
      %dma_wait3A_961 = arith.constant 0 : i32
      %dma_wait3A_962 = arith.constant 0 : i32
      %dma_wait3A_963 = tpu.memref_slice %arg6[%dma_wait3A_944, %dma_wait3A_961, %dma_wait3A_962] : memref<8x128x32xf32, #tpu.memory_space<vmem>> -> memref<1x128x32xf32, #tpu.memory_space<vmem>>
      %dma_wait3A_964 = tpu.memref_squeeze %dma_wait3A_963 : memref<1x128x32xf32, #tpu.memory_space<vmem>> -> memref<128x32xf32, #tpu.memory_space<vmem>>
      tpu.wait_dma2 semaphore(%dma_wait3A_956 : memref<!tpu.dma_semaphore, #tpu.memory_space<semaphore_mem>>) src(%dma_wait3A_964 : memref<128x32xf32, #tpu.memory_space<vmem>>) dst(%dma_wait3A_960 : memref<128x32xf32, #tpu.memory_space<hbm>>)
      %add3A_965 = arith.constant 4 : i32
      %add3A_966 = arith.addi %add3A_943, %add3A_965 : i32
      %mul3A_967 = arith.constant 128 : i32
      %mul3A_968 = arith.muli %add3A_966, %mul3A_967 : i32
      %dma_start3A_969 = arith.constant 0 : i32
      %dma_start3A_970 = arith.constant 0 : i32
      %dma_start3A_971 = arith.constant 0 : i32
      %dma_start3A_972 = arith.constant 0 : i32
      %dma_start3A_973 = tpu.memref_slice %arg6[%dma_start3A_969, %dma_start3A_971, %dma_start3A_972] : memref<8x128x32xf32, #tpu.memory_space<vmem>> -> memref<1x128x32xf32, #tpu.memory_space<vmem>>
      %dma_start3A_974 = tpu.memref_squeeze %dma_start3A_973 : memref<1x128x32xf32, #tpu.memory_space<vmem>> -> memref<128x32xf32, #tpu.memory_space<vmem>>
      %dma_start3A_975 = tpu.memref_slice %arg5[%mul3A_968] : memref<25600xi32, #tpu.memory_space<vmem>> -> memref<128xi32, #tpu.memory_space<vmem>>
      %dma_start3A_976 = arith.constant 0 : i32
      %dma_start3A_977 = arith.constant 0 : i32
      %dma_start3A_978 = tpu.memref_slice %arg3[%dma_start3A_976, %dma_start3A_977] : memref<1001472x32xf32, #tpu.memory_space<hbm>> -> memref<1001472x32xf32, #tpu.memory_space<hbm>>
      %dma_start3A_979 = tpu.memref_slice %arg7[%dma_start3A_970] : memref<8x!tpu.dma_semaphore, #tpu.memory_space<semaphore_mem>> -> memref<1x!tpu.dma_semaphore, #tpu.memory_space<semaphore_mem>>
      %dma_start3A_980 = tpu.memref_squeeze %dma_start3A_979 : memref<1x!tpu.dma_semaphore, #tpu.memory_space<semaphore_mem>> -> memref<!tpu.dma_semaphore, #tpu.memory_space<semaphore_mem>>
      tpu.enqueue_indirect_dma source(%dma_start3A_978 : memref<1001472x32xf32, #tpu.memory_space<hbm>>) target(%dma_start3A_974 : memref<128x32xf32, #tpu.memory_space<vmem>>) offsets(%dma_start3A_975 : memref<128xi32, #tpu.memory_space<vmem>>) semaphore(%dma_start3A_980 : memref<!tpu.dma_semaphore, #tpu.memory_space<semaphore_mem>>)
      %dma_wait3A_981 = arith.constant 0 : i32
      %dma_wait3A_982 = arith.constant 4 : i32
      %dma_wait3A_983 = arith.constant 4 : i32
      %dma_wait3A_984 = arith.constant 0 : i32
      %dma_wait3A_985 = arith.constant 0 : i32
      %dma_wait3A_986 = tpu.memref_slice %arg6[%dma_wait3A_982, %dma_wait3A_984, %dma_wait3A_985] : memref<8x128x32xf32, #tpu.memory_space<vmem>> -> memref<1x128x32xf32, #tpu.memory_space<vmem>>
      %dma_wait3A_987 = tpu.memref_squeeze %dma_wait3A_986 : memref<1x128x32xf32, #tpu.memory_space<vmem>> -> memref<128x32xf32, #tpu.memory_space<vmem>>
      %dma_wait3A_988 = arith.constant 0 : i32
      %dma_wait3A_989 = arith.constant 0 : i32
      %dma_wait3A_990 = tpu.memref_slice %arg4[%dma_wait3A_981, %dma_wait3A_988, %dma_wait3A_989] : memref<50x16384x32xf32, #tpu.memory_space<hbm>> -> memref<1x128x32xf32, #tpu.memory_space<hbm>>
      %dma_wait3A_991 = tpu.memref_squeeze %dma_wait3A_990 : memref<1x128x32xf32, #tpu.memory_space<hbm>> -> memref<128x32xf32, #tpu.memory_space<hbm>>
      %dma_wait3A_992 = tpu.memref_slice %arg7[%dma_wait3A_983] : memref<8x!tpu.dma_semaphore, #tpu.memory_space<semaphore_mem>> -> memref<1x!tpu.dma_semaphore, #tpu.memory_space<semaphore_mem>>
      %dma_wait3A_993 = tpu.memref_squeeze %dma_wait3A_992 : memref<1x!tpu.dma_semaphore, #tpu.memory_space<semaphore_mem>> -> memref<!tpu.dma_semaphore, #tpu.memory_space<semaphore_mem>>
      %dma_wait3A_994 = arith.constant 0 : i32
      %dma_wait3A_995 = arith.constant 0 : i32
      %dma_wait3A_996 = tpu.memref_slice %arg6[%dma_wait3A_982, %dma_wait3A_994, %dma_wait3A_995] : memref<8x128x32xf32, #tpu.memory_space<vmem>> -> memref<1x128x32xf32, #tpu.memory_space<vmem>>
      %dma_wait3A_997 = tpu.memref_squeeze %dma_wait3A_996 : memref<1x128x32xf32, #tpu.memory_space<vmem>> -> memref<128x32xf32, #tpu.memory_space<vmem>>
      %dma_wait3A_998 = arith.constant 0 : i32
      %dma_wait3A_999 = arith.constant 0 : i32
      %dma_wait3A_1000 = tpu.memref_slice %arg4[%dma_wait3A_981, %dma_wait3A_998, %dma_wait3A_999] : memref<50x16384x32xf32, #tpu.memory_space<hbm>> -> memref<1x128x32xf32, #tpu.memory_space<hbm>>
      %dma_wait3A_1001 = tpu.memref_squeeze %dma_wait3A_1000 : memref<1x128x32xf32, #tpu.memory_space<hbm>> -> memref<128x32xf32, #tpu.memory_space<hbm>>
      tpu.wait_dma2 semaphore(%dma_wait3A_993 : memref<!tpu.dma_semaphore, #tpu.memory_space<semaphore_mem>>) src(%dma_wait3A_1001 : memref<128x32xf32, #tpu.memory_space<hbm>>) dst(%dma_wait3A_997 : memref<128x32xf32, #tpu.memory_space<vmem>>)
      %add3A_1002 = arith.addi %mul3A_2, %add3A_943 : i32
      %jit3A_1003 = arith.constant 128 : i32
      %div3A_1004 = arith.divsi %add3A_1002, %jit3A_1003 : i32
      %sign3A_1005 = arith.constant 0 : i32
      %sign3A_1006 = arith.cmpi sgt, %add3A_1002, %sign3A_1005 : i32
      %sign3A_1007 = arith.extui %sign3A_1006 : i1 to i32
      %sign3A_1008 = arith.constant 0 : i32
      %sign3A_1009 = arith.cmpi slt, %add3A_1002, %sign3A_1008 : i32
      %sign3A_1010 = arith.extui %sign3A_1009 : i1 to i32
      %sign3A_1011 = arith.subi %sign3A_1007, %sign3A_1010 : i32
      %sign3A_1012 = arith.constant 0 : i32
      %sign3A_1013 = arith.cmpi sgt, %jit3A_1003, %sign3A_1012 : i32
      %sign3A_1014 = arith.extui %sign3A_1013 : i1 to i32
      %sign3A_1015 = arith.constant 0 : i32
      %sign3A_1016 = arith.cmpi slt, %jit3A_1003, %sign3A_1015 : i32
      %sign3A_1017 = arith.extui %sign3A_1016 : i1 to i32
      %sign3A_1018 = arith.subi %sign3A_1014, %sign3A_1017 : i32
      %ne3A_1019 = arith.cmpi ne, %sign3A_1011, %sign3A_1018 : i32
      %rem3A_1020 = arith.remsi %add3A_1002, %jit3A_1003 : i32
      %ne3A_1021 = arith.constant 0 : i32
      %ne3A_1022 = arith.cmpi ne, %rem3A_1020, %ne3A_1021 : i32
      %and3A_1023 = arith.andi %ne3A_1019, %ne3A_1022 : i1
      %sub3A_1024 = arith.constant 1 : i32
      %sub3A_1025 = arith.subi %div3A_1004, %sub3A_1024 : i32
      %select_n3A_1026 = arith.select %and3A_1023, %sub3A_1025, %div3A_1004 : i32
      %jit3A_1027 = arith.constant 128 : i32
      %eq3A_1028 = arith.constant 0 : i32
      %eq3A_1029 = arith.cmpi eq, %jit3A_1027, %eq3A_1028 : i32
      %jit3A_1030 = arith.constant 1 : i32
      %select_n3A_1031 = arith.select %eq3A_1029, %jit3A_1030, %jit3A_1027 : i32
      %rem3A_1032 = arith.remsi %add3A_1002, %select_n3A_1031 : i32
      %ne3A_1033 = arith.constant 0 : i32
      %ne3A_1034 = arith.cmpi ne, %rem3A_1032, %ne3A_1033 : i32
      %lt3A_1035 = arith.constant 0 : i32
      %lt3A_1036 = arith.cmpi slt, %rem3A_1032, %lt3A_1035 : i32
      %lt3A_1037 = arith.constant 0 : i32
      %lt3A_1038 = arith.cmpi slt, %select_n3A_1031, %lt3A_1037 : i32
      %ne3A_1039 = arith.xori %lt3A_1036, %lt3A_1038 : i1
      %and3A_1040 = arith.andi %ne3A_1039, %ne3A_1034 : i1
      %add3A_1041 = arith.addi %rem3A_1032, %select_n3A_1031 : i32
      %select_n3A_1042 = arith.select %and3A_1040, %add3A_1041, %rem3A_1032 : i32
      %mul3A_1043 = arith.constant 128 : i32
      %mul3A_1044 = arith.muli %select_n3A_1042, %mul3A_1043 : i32
      %dma_start3A_1045 = arith.constant 4 : i32
      %dma_start3A_1046 = arith.constant 4 : i32
      %dma_start3A_1047 = arith.constant 0 : i32
      %dma_start3A_1048 = arith.constant 0 : i32
      %dma_start3A_1049 = tpu.memref_slice %arg6[%dma_start3A_1045, %dma_start3A_1047, %dma_start3A_1048] : memref<8x128x32xf32, #tpu.memory_space<vmem>> -> memref<1x128x32xf32, #tpu.memory_space<vmem>>
      %dma_start3A_1050 = tpu.memref_squeeze %dma_start3A_1049 : memref<1x128x32xf32, #tpu.memory_space<vmem>> -> memref<128x32xf32, #tpu.memory_space<vmem>>
      %dma_start3A_1051 = arith.constant 0 : i32
      %dma_start3A_1052 = tpu.memref_slice %arg4[%select_n3A_1026, %mul3A_1044, %dma_start3A_1051] : memref<50x16384x32xf32, #tpu.memory_space<hbm>> -> memref<1x128x32xf32, #tpu.memory_space<hbm>>
      %dma_start3A_1053 = tpu.memref_squeeze %dma_start3A_1052 : memref<1x128x32xf32, #tpu.memory_space<hbm>> -> memref<128x32xf32, #tpu.memory_space<hbm>>
      %dma_start3A_1054 = tpu.memref_slice %arg8[%dma_start3A_1046] : memref<8x!tpu.dma_semaphore, #tpu.memory_space<semaphore_mem>> -> memref<1x!tpu.dma_semaphore, #tpu.memory_space<semaphore_mem>>
      %dma_start3A_1055 = tpu.memref_squeeze %dma_start3A_1054 : memref<1x!tpu.dma_semaphore, #tpu.memory_space<semaphore_mem>> -> memref<!tpu.dma_semaphore, #tpu.memory_space<semaphore_mem>>
      %dma_start3A_1056 = arith.constant 0 : i32
      %dma_start3A_1057 = tpu.memref_slice %arg4[%select_n3A_1026, %mul3A_1044, %dma_start3A_1056] : memref<50x16384x32xf32, #tpu.memory_space<hbm>> -> memref<1x128x32xf32, #tpu.memory_space<hbm>>
      %dma_start3A_1058 = tpu.memref_squeeze %dma_start3A_1057 : memref<1x128x32xf32, #tpu.memory_space<hbm>> -> memref<128x32xf32, #tpu.memory_space<hbm>>
      %dma_start3A_1059 = arith.constant 0 : i32
      %dma_start3A_1060 = arith.constant 0 : i32
      %dma_start3A_1061 = tpu.memref_slice %arg6[%dma_start3A_1045, %dma_start3A_1059, %dma_start3A_1060] : memref<8x128x32xf32, #tpu.memory_space<vmem>> -> memref<1x128x32xf32, #tpu.memory_space<vmem>>
      %dma_start3A_1062 = tpu.memref_squeeze %dma_start3A_1061 : memref<1x128x32xf32, #tpu.memory_space<vmem>> -> memref<128x32xf32, #tpu.memory_space<vmem>>
      tpu.enqueue_dma source(%dma_start3A_1062 : memref<128x32xf32, #tpu.memory_space<vmem>>) target(%dma_start3A_1058 : memref<128x32xf32, #tpu.memory_space<hbm>>) target_semaphore(%dma_start3A_1055 : memref<!tpu.dma_semaphore, #tpu.memory_space<semaphore_mem>>)
      %add3A_1063 = arith.constant 1 : i32
      %add3A_1064 = arith.addi %add3A_941, %add3A_1063 : i32
      %dma_wait3A_1065 = arith.constant 1 : i32
      %dma_wait3A_1066 = arith.constant 0 : i32
      %dma_wait3A_1067 = arith.constant 1 : i32
      %dma_wait3A_1068 = arith.constant 0 : i32
      %dma_wait3A_1069 = arith.constant 0 : i32
      %dma_wait3A_1070 = tpu.memref_slice %arg6[%dma_wait3A_1065, %dma_wait3A_1068, %dma_wait3A_1069] : memref<8x128x32xf32, #tpu.memory_space<vmem>> -> memref<1x128x32xf32, #tpu.memory_space<vmem>>
      %dma_wait3A_1071 = tpu.memref_squeeze %dma_wait3A_1070 : memref<1x128x32xf32, #tpu.memory_space<vmem>> -> memref<128x32xf32, #tpu.memory_space<vmem>>
      %dma_wait3A_1072 = arith.constant 0 : i32
      %dma_wait3A_1073 = arith.constant 0 : i32
      %dma_wait3A_1074 = tpu.memref_slice %arg4[%dma_wait3A_1066, %dma_wait3A_1072, %dma_wait3A_1073] : memref<50x16384x32xf32, #tpu.memory_space<hbm>> -> memref<1x128x32xf32, #tpu.memory_space<hbm>>
      %dma_wait3A_1075 = tpu.memref_squeeze %dma_wait3A_1074 : memref<1x128x32xf32, #tpu.memory_space<hbm>> -> memref<128x32xf32, #tpu.memory_space<hbm>>
      %dma_wait3A_1076 = tpu.memref_slice %arg8[%dma_wait3A_1067] : memref<8x!tpu.dma_semaphore, #tpu.memory_space<semaphore_mem>> -> memref<1x!tpu.dma_semaphore, #tpu.memory_space<semaphore_mem>>
      %dma_wait3A_1077 = tpu.memref_squeeze %dma_wait3A_1076 : memref<1x!tpu.dma_semaphore, #tpu.memory_space<semaphore_mem>> -> memref<!tpu.dma_semaphore, #tpu.memory_space<semaphore_mem>>
      %dma_wait3A_1078 = arith.constant 0 : i32
      %dma_wait3A_1079 = arith.constant 0 : i32
      %dma_wait3A_1080 = tpu.memref_slice %arg4[%dma_wait3A_1066, %dma_wait3A_1078, %dma_wait3A_1079] : memref<50x16384x32xf32, #tpu.memory_space<hbm>> -> memref<1x128x32xf32, #tpu.memory_space<hbm>>
      %dma_wait3A_1081 = tpu.memref_squeeze %dma_wait3A_1080 : memref<1x128x32xf32, #tpu.memory_space<hbm>> -> memref<128x32xf32, #tpu.memory_space<hbm>>
      %dma_wait3A_1082 = arith.constant 0 : i32
      %dma_wait3A_1083 = arith.constant 0 : i32
      %dma_wait3A_1084 = tpu.memref_slice %arg6[%dma_wait3A_1065, %dma_wait3A_1082, %dma_wait3A_1083] : memref<8x128x32xf32, #tpu.memory_space<vmem>> -> memref<1x128x32xf32, #tpu.memory_space<vmem>>
      %dma_wait3A_1085 = tpu.memref_squeeze %dma_wait3A_1084 : memref<1x128x32xf32, #tpu.memory_space<vmem>> -> memref<128x32xf32, #tpu.memory_space<vmem>>
      tpu.wait_dma2 semaphore(%dma_wait3A_1077 : memref<!tpu.dma_semaphore, #tpu.memory_space<semaphore_mem>>) src(%dma_wait3A_1085 : memref<128x32xf32, #tpu.memory_space<vmem>>) dst(%dma_wait3A_1081 : memref<128x32xf32, #tpu.memory_space<hbm>>)
      %add3A_1086 = arith.constant 4 : i32
      %add3A_1087 = arith.addi %add3A_1064, %add3A_1086 : i32
      %mul3A_1088 = arith.constant 128 : i32
      %mul3A_1089 = arith.muli %add3A_1087, %mul3A_1088 : i32
      %dma_start3A_1090 = arith.constant 1 : i32
      %dma_start3A_1091 = arith.constant 1 : i32
      %dma_start3A_1092 = arith.constant 0 : i32
      %dma_start3A_1093 = arith.constant 0 : i32
      %dma_start3A_1094 = tpu.memref_slice %arg6[%dma_start3A_1090, %dma_start3A_1092, %dma_start3A_1093] : memref<8x128x32xf32, #tpu.memory_space<vmem>> -> memref<1x128x32xf32, #tpu.memory_space<vmem>>
      %dma_start3A_1095 = tpu.memref_squeeze %dma_start3A_1094 : memref<1x128x32xf32, #tpu.memory_space<vmem>> -> memref<128x32xf32, #tpu.memory_space<vmem>>
      %dma_start3A_1096 = tpu.memref_slice %arg5[%mul3A_1089] : memref<25600xi32, #tpu.memory_space<vmem>> -> memref<128xi32, #tpu.memory_space<vmem>>
      %dma_start3A_1097 = arith.constant 0 : i32
      %dma_start3A_1098 = arith.constant 0 : i32
      %dma_start3A_1099 = tpu.memref_slice %arg3[%dma_start3A_1097, %dma_start3A_1098] : memref<1001472x32xf32, #tpu.memory_space<hbm>> -> memref<1001472x32xf32, #tpu.memory_space<hbm>>
      %dma_start3A_1100 = tpu.memref_slice %arg7[%dma_start3A_1091] : memref<8x!tpu.dma_semaphore, #tpu.memory_space<semaphore_mem>> -> memref<1x!tpu.dma_semaphore, #tpu.memory_space<semaphore_mem>>
      %dma_start3A_1101 = tpu.memref_squeeze %dma_start3A_1100 : memref<1x!tpu.dma_semaphore, #tpu.memory_space<semaphore_mem>> -> memref<!tpu.dma_semaphore, #tpu.memory_space<semaphore_mem>>
      tpu.enqueue_indirect_dma source(%dma_start3A_1099 : memref<1001472x32xf32, #tpu.memory_space<hbm>>) target(%dma_start3A_1095 : memref<128x32xf32, #tpu.memory_space<vmem>>) offsets(%dma_start3A_1096 : memref<128xi32, #tpu.memory_space<vmem>>) semaphore(%dma_start3A_1101 : memref<!tpu.dma_semaphore, #tpu.memory_space<semaphore_mem>>)
      %dma_wait3A_1102 = arith.constant 0 : i32
      %dma_wait3A_1103 = arith.constant 5 : i32
      %dma_wait3A_1104 = arith.constant 5 : i32
      %dma_wait3A_1105 = arith.constant 0 : i32
      %dma_wait3A_1106 = arith.constant 0 : i32
      %dma_wait3A_1107 = tpu.memref_slice %arg6[%dma_wait3A_1103, %dma_wait3A_1105, %dma_wait3A_1106] : memref<8x128x32xf32, #tpu.memory_space<vmem>> -> memref<1x128x32xf32, #tpu.memory_space<vmem>>
      %dma_wait3A_1108 = tpu.memref_squeeze %dma_wait3A_1107 : memref<1x128x32xf32, #tpu.memory_space<vmem>> -> memref<128x32xf32, #tpu.memory_space<vmem>>
      %dma_wait3A_1109 = arith.constant 0 : i32
      %dma_wait3A_1110 = arith.constant 0 : i32
      %dma_wait3A_1111 = tpu.memref_slice %arg4[%dma_wait3A_1102, %dma_wait3A_1109, %dma_wait3A_1110] : memref<50x16384x32xf32, #tpu.memory_space<hbm>> -> memref<1x128x32xf32, #tpu.memory_space<hbm>>
      %dma_wait3A_1112 = tpu.memref_squeeze %dma_wait3A_1111 : memref<1x128x32xf32, #tpu.memory_space<hbm>> -> memref<128x32xf32, #tpu.memory_space<hbm>>
      %dma_wait3A_1113 = tpu.memref_slice %arg7[%dma_wait3A_1104] : memref<8x!tpu.dma_semaphore, #tpu.memory_space<semaphore_mem>> -> memref<1x!tpu.dma_semaphore, #tpu.memory_space<semaphore_mem>>
      %dma_wait3A_1114 = tpu.memref_squeeze %dma_wait3A_1113 : memref<1x!tpu.dma_semaphore, #tpu.memory_space<semaphore_mem>> -> memref<!tpu.dma_semaphore, #tpu.memory_space<semaphore_mem>>
      %dma_wait3A_1115 = arith.constant 0 : i32
      %dma_wait3A_1116 = arith.constant 0 : i32
      %dma_wait3A_1117 = tpu.memref_slice %arg6[%dma_wait3A_1103, %dma_wait3A_1115, %dma_wait3A_1116] : memref<8x128x32xf32, #tpu.memory_space<vmem>> -> memref<1x128x32xf32, #tpu.memory_space<vmem>>
      %dma_wait3A_1118 = tpu.memref_squeeze %dma_wait3A_1117 : memref<1x128x32xf32, #tpu.memory_space<vmem>> -> memref<128x32xf32, #tpu.memory_space<vmem>>
      %dma_wait3A_1119 = arith.constant 0 : i32
      %dma_wait3A_1120 = arith.constant 0 : i32
      %dma_wait3A_1121 = tpu.memref_slice %arg4[%dma_wait3A_1102, %dma_wait3A_1119, %dma_wait3A_1120] : memref<50x16384x32xf32, #tpu.memory_space<hbm>> -> memref<1x128x32xf32, #tpu.memory_space<hbm>>
      %dma_wait3A_1122 = tpu.memref_squeeze %dma_wait3A_1121 : memref<1x128x32xf32, #tpu.memory_space<hbm>> -> memref<128x32xf32, #tpu.memory_space<hbm>>
      tpu.wait_dma2 semaphore(%dma_wait3A_1114 : memref<!tpu.dma_semaphore, #tpu.memory_space<semaphore_mem>>) src(%dma_wait3A_1122 : memref<128x32xf32, #tpu.memory_space<hbm>>) dst(%dma_wait3A_1118 : memref<128x32xf32, #tpu.memory_space<vmem>>)
      %add3A_1123 = arith.addi %mul3A_2, %add3A_1064 : i32
      %jit3A_1124 = arith.constant 128 : i32
      %div3A_1125 = arith.divsi %add3A_1123, %jit3A_1124 : i32
      %sign3A_1126 = arith.constant 0 : i32
      %sign3A_1127 = arith.cmpi sgt, %add3A_1123, %sign3A_1126 : i32
      %sign3A_1128 = arith.extui %sign3A_1127 : i1 to i32
      %sign3A_1129 = arith.constant 0 : i32
      %sign3A_1130 = arith.cmpi slt, %add3A_1123, %sign3A_1129 : i32
      %sign3A_1131 = arith.extui %sign3A_1130 : i1 to i32
      %sign3A_1132 = arith.subi %sign3A_1128, %sign3A_1131 : i32
      %sign3A_1133 = arith.constant 0 : i32
      %sign3A_1134 = arith.cmpi sgt, %jit3A_1124, %sign3A_1133 : i32
      %sign3A_1135 = arith.extui %sign3A_1134 : i1 to i32
      %sign3A_1136 = arith.constant 0 : i32
      %sign3A_1137 = arith.cmpi slt, %jit3A_1124, %sign3A_1136 : i32
      %sign3A_1138 = arith.extui %sign3A_1137 : i1 to i32
      %sign3A_1139 = arith.subi %sign3A_1135, %sign3A_1138 : i32
      %ne3A_1140 = arith.cmpi ne, %sign3A_1132, %sign3A_1139 : i32
      %rem3A_1141 = arith.remsi %add3A_1123, %jit3A_1124 : i32
      %ne3A_1142 = arith.constant 0 : i32
      %ne3A_1143 = arith.cmpi ne, %rem3A_1141, %ne3A_1142 : i32
      %and3A_1144 = arith.andi %ne3A_1140, %ne3A_1143 : i1
      %sub3A_1145 = arith.constant 1 : i32
      %sub3A_1146 = arith.subi %div3A_1125, %sub3A_1145 : i32
      %select_n3A_1147 = arith.select %and3A_1144, %sub3A_1146, %div3A_1125 : i32
      %jit3A_1148 = arith.constant 128 : i32
      %eq3A_1149 = arith.constant 0 : i32
      %eq3A_1150 = arith.cmpi eq, %jit3A_1148, %eq3A_1149 : i32
      %jit3A_1151 = arith.constant 1 : i32
      %select_n3A_1152 = arith.select %eq3A_1150, %jit3A_1151, %jit3A_1148 : i32
      %rem3A_1153 = arith.remsi %add3A_1123, %select_n3A_1152 : i32
      %ne3A_1154 = arith.constant 0 : i32
      %ne3A_1155 = arith.cmpi ne, %rem3A_1153, %ne3A_1154 : i32
      %lt3A_1156 = arith.constant 0 : i32
      %lt3A_1157 = arith.cmpi slt, %rem3A_1153, %lt3A_1156 : i32
      %lt3A_1158 = arith.constant 0 : i32
      %lt3A_1159 = arith.cmpi slt, %select_n3A_1152, %lt3A_1158 : i32
      %ne3A_1160 = arith.xori %lt3A_1157, %lt3A_1159 : i1
      %and3A_1161 = arith.andi %ne3A_1160, %ne3A_1155 : i1
      %add3A_1162 = arith.addi %rem3A_1153, %select_n3A_1152 : i32
      %select_n3A_1163 = arith.select %and3A_1161, %add3A_1162, %rem3A_1153 : i32
      %mul3A_1164 = arith.constant 128 : i32
      %mul3A_1165 = arith.muli %select_n3A_1163, %mul3A_1164 : i32
      %dma_start3A_1166 = arith.constant 5 : i32
      %dma_start3A_1167 = arith.constant 5 : i32
      %dma_start3A_1168 = arith.constant 0 : i32
      %dma_start3A_1169 = arith.constant 0 : i32
      %dma_start3A_1170 = tpu.memref_slice %arg6[%dma_start3A_1166, %dma_start3A_1168, %dma_start3A_1169] : memref<8x128x32xf32, #tpu.memory_space<vmem>> -> memref<1x128x32xf32, #tpu.memory_space<vmem>>
      %dma_start3A_1171 = tpu.memref_squeeze %dma_start3A_1170 : memref<1x128x32xf32, #tpu.memory_space<vmem>> -> memref<128x32xf32, #tpu.memory_space<vmem>>
      %dma_start3A_1172 = arith.constant 0 : i32
      %dma_start3A_1173 = tpu.memref_slice %arg4[%select_n3A_1147, %mul3A_1165, %dma_start3A_1172] : memref<50x16384x32xf32, #tpu.memory_space<hbm>> -> memref<1x128x32xf32, #tpu.memory_space<hbm>>
      %dma_start3A_1174 = tpu.memref_squeeze %dma_start3A_1173 : memref<1x128x32xf32, #tpu.memory_space<hbm>> -> memref<128x32xf32, #tpu.memory_space<hbm>>
      %dma_start3A_1175 = tpu.memref_slice %arg8[%dma_start3A_1167] : memref<8x!tpu.dma_semaphore, #tpu.memory_space<semaphore_mem>> -> memref<1x!tpu.dma_semaphore, #tpu.memory_space<semaphore_mem>>
      %dma_start3A_1176 = tpu.memref_squeeze %dma_start3A_1175 : memref<1x!tpu.dma_semaphore, #tpu.memory_space<semaphore_mem>> -> memref<!tpu.dma_semaphore, #tpu.memory_space<semaphore_mem>>
      %dma_start3A_1177 = arith.constant 0 : i32
      %dma_start3A_1178 = tpu.memref_slice %arg4[%select_n3A_1147, %mul3A_1165, %dma_start3A_1177] : memref<50x16384x32xf32, #tpu.memory_space<hbm>> -> memref<1x128x32xf32, #tpu.memory_space<hbm>>
      %dma_start3A_1179 = tpu.memref_squeeze %dma_start3A_1178 : memref<1x128x32xf32, #tpu.memory_space<hbm>> -> memref<128x32xf32, #tpu.memory_space<hbm>>
      %dma_start3A_1180 = arith.constant 0 : i32
      %dma_start3A_1181 = arith.constant 0 : i32
      %dma_start3A_1182 = tpu.memref_slice %arg6[%dma_start3A_1166, %dma_start3A_1180, %dma_start3A_1181] : memref<8x128x32xf32, #tpu.memory_space<vmem>> -> memref<1x128x32xf32, #tpu.memory_space<vmem>>
      %dma_start3A_1183 = tpu.memref_squeeze %dma_start3A_1182 : memref<1x128x32xf32, #tpu.memory_space<vmem>> -> memref<128x32xf32, #tpu.memory_space<vmem>>
      tpu.enqueue_dma source(%dma_start3A_1183 : memref<128x32xf32, #tpu.memory_space<vmem>>) target(%dma_start3A_1179 : memref<128x32xf32, #tpu.memory_space<hbm>>) target_semaphore(%dma_start3A_1176 : memref<!tpu.dma_semaphore, #tpu.memory_space<semaphore_mem>>)
      %add3A_1184 = arith.constant 2 : i32
      %add3A_1185 = arith.addi %add3A_941, %add3A_1184 : i32
      %dma_wait3A_1186 = arith.constant 2 : i32
      %dma_wait3A_1187 = arith.constant 0 : i32
      %dma_wait3A_1188 = arith.constant 2 : i32
      %dma_wait3A_1189 = arith.constant 0 : i32
      %dma_wait3A_1190 = arith.constant 0 : i32
      %dma_wait3A_1191 = tpu.memref_slice %arg6[%dma_wait3A_1186, %dma_wait3A_1189, %dma_wait3A_1190] : memref<8x128x32xf32, #tpu.memory_space<vmem>> -> memref<1x128x32xf32, #tpu.memory_space<vmem>>
      %dma_wait3A_1192 = tpu.memref_squeeze %dma_wait3A_1191 : memref<1x128x32xf32, #tpu.memory_space<vmem>> -> memref<128x32xf32, #tpu.memory_space<vmem>>
      %dma_wait3A_1193 = arith.constant 0 : i32
      %dma_wait3A_1194 = arith.constant 0 : i32
      %dma_wait3A_1195 = tpu.memref_slice %arg4[%dma_wait3A_1187, %dma_wait3A_1193, %dma_wait3A_1194] : memref<50x16384x32xf32, #tpu.memory_space<hbm>> -> memref<1x128x32xf32, #tpu.memory_space<hbm>>
      %dma_wait3A_1196 = tpu.memref_squeeze %dma_wait3A_1195 : memref<1x128x32xf32, #tpu.memory_space<hbm>> -> memref<128x32xf32, #tpu.memory_space<hbm>>
      %dma_wait3A_1197 = tpu.memref_slice %arg8[%dma_wait3A_1188] : memref<8x!tpu.dma_semaphore, #tpu.memory_space<semaphore_mem>> -> memref<1x!tpu.dma_semaphore, #tpu.memory_space<semaphore_mem>>
      %dma_wait3A_1198 = tpu.memref_squeeze %dma_wait3A_1197 : memref<1x!tpu.dma_semaphore, #tpu.memory_space<semaphore_mem>> -> memref<!tpu.dma_semaphore, #tpu.memory_space<semaphore_mem>>
      %dma_wait3A_1199 = arith.constant 0 : i32
      %dma_wait3A_1200 = arith.constant 0 : i32
      %dma_wait3A_1201 = tpu.memref_slice %arg4[%dma_wait3A_1187, %dma_wait3A_1199, %dma_wait3A_1200] : memref<50x16384x32xf32, #tpu.memory_space<hbm>> -> memref<1x128x32xf32, #tpu.memory_space<hbm>>
      %dma_wait3A_1202 = tpu.memref_squeeze %dma_wait3A_1201 : memref<1x128x32xf32, #tpu.memory_space<hbm>> -> memref<128x32xf32, #tpu.memory_space<hbm>>
      %dma_wait3A_1203 = arith.constant 0 : i32
      %dma_wait3A_1204 = arith.constant 0 : i32
      %dma_wait3A_1205 = tpu.memref_slice %arg6[%dma_wait3A_1186, %dma_wait3A_1203, %dma_wait3A_1204] : memref<8x128x32xf32, #tpu.memory_space<vmem>> -> memref<1x128x32xf32, #tpu.memory_space<vmem>>
      %dma_wait3A_1206 = tpu.memref_squeeze %dma_wait3A_1205 : memref<1x128x32xf32, #tpu.memory_space<vmem>> -> memref<128x32xf32, #tpu.memory_space<vmem>>
      tpu.wait_dma2 semaphore(%dma_wait3A_1198 : memref<!tpu.dma_semaphore, #tpu.memory_space<semaphore_mem>>) src(%dma_wait3A_1206 : memref<128x32xf32, #tpu.memory_space<vmem>>) dst(%dma_wait3A_1202 : memref<128x32xf32, #tpu.memory_space<hbm>>)
      %add3A_1207 = arith.constant 4 : i32
      %add3A_1208 = arith.addi %add3A_1185, %add3A_1207 : i32
      %mul3A_1209 = arith.constant 128 : i32
      %mul3A_1210 = arith.muli %add3A_1208, %mul3A_1209 : i32
      %dma_start3A_1211 = arith.constant 2 : i32
      %dma_start3A_1212 = arith.constant 2 : i32
      %dma_start3A_1213 = arith.constant 0 : i32
      %dma_start3A_1214 = arith.constant 0 : i32
      %dma_start3A_1215 = tpu.memref_slice %arg6[%dma_start3A_1211, %dma_start3A_1213, %dma_start3A_1214] : memref<8x128x32xf32, #tpu.memory_space<vmem>> -> memref<1x128x32xf32, #tpu.memory_space<vmem>>
      %dma_start3A_1216 = tpu.memref_squeeze %dma_start3A_1215 : memref<1x128x32xf32, #tpu.memory_space<vmem>> -> memref<128x32xf32, #tpu.memory_space<vmem>>
      %dma_start3A_1217 = tpu.memref_slice %arg5[%mul3A_1210] : memref<25600xi32, #tpu.memory_space<vmem>> -> memref<128xi32, #tpu.memory_space<vmem>>
      %dma_start3A_1218 = arith.constant 0 : i32
      %dma_start3A_1219 = arith.constant 0 : i32
      %dma_start3A_1220 = tpu.memref_slice %arg3[%dma_start3A_1218, %dma_start3A_1219] : memref<1001472x32xf32, #tpu.memory_space<hbm>> -> memref<1001472x32xf32, #tpu.memory_space<hbm>>
      %dma_start3A_1221 = tpu.memref_slice %arg7[%dma_start3A_1212] : memref<8x!tpu.dma_semaphore, #tpu.memory_space<semaphore_mem>> -> memref<1x!tpu.dma_semaphore, #tpu.memory_space<semaphore_mem>>
      %dma_start3A_1222 = tpu.memref_squeeze %dma_start3A_1221 : memref<1x!tpu.dma_semaphore, #tpu.memory_space<semaphore_mem>> -> memref<!tpu.dma_semaphore, #tpu.memory_space<semaphore_mem>>
      tpu.enqueue_indirect_dma source(%dma_start3A_1220 : memref<1001472x32xf32, #tpu.memory_space<hbm>>) target(%dma_start3A_1216 : memref<128x32xf32, #tpu.memory_space<vmem>>) offsets(%dma_start3A_1217 : memref<128xi32, #tpu.memory_space<vmem>>) semaphore(%dma_start3A_1222 : memref<!tpu.dma_semaphore, #tpu.memory_space<semaphore_mem>>)
      %dma_wait3A_1223 = arith.constant 0 : i32
      %dma_wait3A_1224 = arith.constant 6 : i32
      %dma_wait3A_1225 = arith.constant 6 : i32
      %dma_wait3A_1226 = arith.constant 0 : i32
      %dma_wait3A_1227 = arith.constant 0 : i32
      %dma_wait3A_1228 = tpu.memref_slice %arg6[%dma_wait3A_1224, %dma_wait3A_1226, %dma_wait3A_1227] : memref<8x128x32xf32, #tpu.memory_space<vmem>> -> memref<1x128x32xf32, #tpu.memory_space<vmem>>
      %dma_wait3A_1229 = tpu.memref_squeeze %dma_wait3A_1228 : memref<1x128x32xf32, #tpu.memory_space<vmem>> -> memref<128x32xf32, #tpu.memory_space<vmem>>
      %dma_wait3A_1230 = arith.constant 0 : i32
      %dma_wait3A_1231 = arith.constant 0 : i32
      %dma_wait3A_1232 = tpu.memref_slice %arg4[%dma_wait3A_1223, %dma_wait3A_1230, %dma_wait3A_1231] : memref<50x16384x32xf32, #tpu.memory_space<hbm>> -> memref<1x128x32xf32, #tpu.memory_space<hbm>>
      %dma_wait3A_1233 = tpu.memref_squeeze %dma_wait3A_1232 : memref<1x128x32xf32, #tpu.memory_space<hbm>> -> memref<128x32xf32, #tpu.memory_space<hbm>>
      %dma_wait3A_1234 = tpu.memref_slice %arg7[%dma_wait3A_1225] : memref<8x!tpu.dma_semaphore, #tpu.memory_space<semaphore_mem>> -> memref<1x!tpu.dma_semaphore, #tpu.memory_space<semaphore_mem>>
      %dma_wait3A_1235 = tpu.memref_squeeze %dma_wait3A_1234 : memref<1x!tpu.dma_semaphore, #tpu.memory_space<semaphore_mem>> -> memref<!tpu.dma_semaphore, #tpu.memory_space<semaphore_mem>>
      %dma_wait3A_1236 = arith.constant 0 : i32
      %dma_wait3A_1237 = arith.constant 0 : i32
      %dma_wait3A_1238 = tpu.memref_slice %arg6[%dma_wait3A_1224, %dma_wait3A_1236, %dma_wait3A_1237] : memref<8x128x32xf32, #tpu.memory_space<vmem>> -> memref<1x128x32xf32, #tpu.memory_space<vmem>>
      %dma_wait3A_1239 = tpu.memref_squeeze %dma_wait3A_1238 : memref<1x128x32xf32, #tpu.memory_space<vmem>> -> memref<128x32xf32, #tpu.memory_space<vmem>>
      %dma_wait3A_1240 = arith.constant 0 : i32
      %dma_wait3A_1241 = arith.constant 0 : i32
      %dma_wait3A_1242 = tpu.memref_slice %arg4[%dma_wait3A_1223, %dma_wait3A_1240, %dma_wait3A_1241] : memref<50x16384x32xf32, #tpu.memory_space<hbm>> -> memref<1x128x32xf32, #tpu.memory_space<hbm>>
      %dma_wait3A_1243 = tpu.memref_squeeze %dma_wait3A_1242 : memref<1x128x32xf32, #tpu.memory_space<hbm>> -> memref<128x32xf32, #tpu.memory_space<hbm>>
      tpu.wait_dma2 semaphore(%dma_wait3A_1235 : memref<!tpu.dma_semaphore, #tpu.memory_space<semaphore_mem>>) src(%dma_wait3A_1243 : memref<128x32xf32, #tpu.memory_space<hbm>>) dst(%dma_wait3A_1239 : memref<128x32xf32, #tpu.memory_space<vmem>>)
      %add3A_1244 = arith.addi %mul3A_2, %add3A_1185 : i32
      %jit3A_1245 = arith.constant 128 : i32
      %div3A_1246 = arith.divsi %add3A_1244, %jit3A_1245 : i32
      %sign3A_1247 = arith.constant 0 : i32
      %sign3A_1248 = arith.cmpi sgt, %add3A_1244, %sign3A_1247 : i32
      %sign3A_1249 = arith.extui %sign3A_1248 : i1 to i32
      %sign3A_1250 = arith.constant 0 : i32
      %sign3A_1251 = arith.cmpi slt, %add3A_1244, %sign3A_1250 : i32
      %sign3A_1252 = arith.extui %sign3A_1251 : i1 to i32
      %sign3A_1253 = arith.subi %sign3A_1249, %sign3A_1252 : i32
      %sign3A_1254 = arith.constant 0 : i32
      %sign3A_1255 = arith.cmpi sgt, %jit3A_1245, %sign3A_1254 : i32
      %sign3A_1256 = arith.extui %sign3A_1255 : i1 to i32
      %sign3A_1257 = arith.constant 0 : i32
      %sign3A_1258 = arith.cmpi slt, %jit3A_1245, %sign3A_1257 : i32
      %sign3A_1259 = arith.extui %sign3A_1258 : i1 to i32
      %sign3A_1260 = arith.subi %sign3A_1256, %sign3A_1259 : i32
      %ne3A_1261 = arith.cmpi ne, %sign3A_1253, %sign3A_1260 : i32
      %rem3A_1262 = arith.remsi %add3A_1244, %jit3A_1245 : i32
      %ne3A_1263 = arith.constant 0 : i32
      %ne3A_1264 = arith.cmpi ne, %rem3A_1262, %ne3A_1263 : i32
      %and3A_1265 = arith.andi %ne3A_1261, %ne3A_1264 : i1
      %sub3A_1266 = arith.constant 1 : i32
      %sub3A_1267 = arith.subi %div3A_1246, %sub3A_1266 : i32
      %select_n3A_1268 = arith.select %and3A_1265, %sub3A_1267, %div3A_1246 : i32
      %jit3A_1269 = arith.constant 128 : i32
      %eq3A_1270 = arith.constant 0 : i32
      %eq3A_1271 = arith.cmpi eq, %jit3A_1269, %eq3A_1270 : i32
      %jit3A_1272 = arith.constant 1 : i32
      %select_n3A_1273 = arith.select %eq3A_1271, %jit3A_1272, %jit3A_1269 : i32
      %rem3A_1274 = arith.remsi %add3A_1244, %select_n3A_1273 : i32
      %ne3A_1275 = arith.constant 0 : i32
      %ne3A_1276 = arith.cmpi ne, %rem3A_1274, %ne3A_1275 : i32
      %lt3A_1277 = arith.constant 0 : i32
      %lt3A_1278 = arith.cmpi slt, %rem3A_1274, %lt3A_1277 : i32
      %lt3A_1279 = arith.constant 0 : i32
      %lt3A_1280 = arith.cmpi slt, %select_n3A_1273, %lt3A_1279 : i32
      %ne3A_1281 = arith.xori %lt3A_1278, %lt3A_1280 : i1
      %and3A_1282 = arith.andi %ne3A_1281, %ne3A_1276 : i1
      %add3A_1283 = arith.addi %rem3A_1274, %select_n3A_1273 : i32
      %select_n3A_1284 = arith.select %and3A_1282, %add3A_1283, %rem3A_1274 : i32
      %mul3A_1285 = arith.constant 128 : i32
      %mul3A_1286 = arith.muli %select_n3A_1284, %mul3A_1285 : i32
      %dma_start3A_1287 = arith.constant 6 : i32
      %dma_start3A_1288 = arith.constant 6 : i32
      %dma_start3A_1289 = arith.constant 0 : i32
      %dma_start3A_1290 = arith.constant 0 : i32
      %dma_start3A_1291 = tpu.memref_slice %arg6[%dma_start3A_1287, %dma_start3A_1289, %dma_start3A_1290] : memref<8x128x32xf32, #tpu.memory_space<vmem>> -> memref<1x128x32xf32, #tpu.memory_space<vmem>>
      %dma_start3A_1292 = tpu.memref_squeeze %dma_start3A_1291 : memref<1x128x32xf32, #tpu.memory_space<vmem>> -> memref<128x32xf32, #tpu.memory_space<vmem>>
      %dma_start3A_1293 = arith.constant 0 : i32
      %dma_start3A_1294 = tpu.memref_slice %arg4[%select_n3A_1268, %mul3A_1286, %dma_start3A_1293] : memref<50x16384x32xf32, #tpu.memory_space<hbm>> -> memref<1x128x32xf32, #tpu.memory_space<hbm>>
      %dma_start3A_1295 = tpu.memref_squeeze %dma_start3A_1294 : memref<1x128x32xf32, #tpu.memory_space<hbm>> -> memref<128x32xf32, #tpu.memory_space<hbm>>
      %dma_start3A_1296 = tpu.memref_slice %arg8[%dma_start3A_1288] : memref<8x!tpu.dma_semaphore, #tpu.memory_space<semaphore_mem>> -> memref<1x!tpu.dma_semaphore, #tpu.memory_space<semaphore_mem>>
      %dma_start3A_1297 = tpu.memref_squeeze %dma_start3A_1296 : memref<1x!tpu.dma_semaphore, #tpu.memory_space<semaphore_mem>> -> memref<!tpu.dma_semaphore, #tpu.memory_space<semaphore_mem>>
      %dma_start3A_1298 = arith.constant 0 : i32
      %dma_start3A_1299 = tpu.memref_slice %arg4[%select_n3A_1268, %mul3A_1286, %dma_start3A_1298] : memref<50x16384x32xf32, #tpu.memory_space<hbm>> -> memref<1x128x32xf32, #tpu.memory_space<hbm>>
      %dma_start3A_1300 = tpu.memref_squeeze %dma_start3A_1299 : memref<1x128x32xf32, #tpu.memory_space<hbm>> -> memref<128x32xf32, #tpu.memory_space<hbm>>
      %dma_start3A_1301 = arith.constant 0 : i32
      %dma_start3A_1302 = arith.constant 0 : i32
      %dma_start3A_1303 = tpu.memref_slice %arg6[%dma_start3A_1287, %dma_start3A_1301, %dma_start3A_1302] : memref<8x128x32xf32, #tpu.memory_space<vmem>> -> memref<1x128x32xf32, #tpu.memory_space<vmem>>
      %dma_start3A_1304 = tpu.memref_squeeze %dma_start3A_1303 : memref<1x128x32xf32, #tpu.memory_space<vmem>> -> memref<128x32xf32, #tpu.memory_space<vmem>>
      tpu.enqueue_dma source(%dma_start3A_1304 : memref<128x32xf32, #tpu.memory_space<vmem>>) target(%dma_start3A_1300 : memref<128x32xf32, #tpu.memory_space<hbm>>) target_semaphore(%dma_start3A_1297 : memref<!tpu.dma_semaphore, #tpu.memory_space<semaphore_mem>>)
      %add3A_1305 = arith.constant 3 : i32
      %add3A_1306 = arith.addi %add3A_941, %add3A_1305 : i32
      %dma_wait3A_1307 = arith.constant 3 : i32
      %dma_wait3A_1308 = arith.constant 0 : i32
      %dma_wait3A_1309 = arith.constant 3 : i32
      %dma_wait3A_1310 = arith.constant 0 : i32
      %dma_wait3A_1311 = arith.constant 0 : i32
      %dma_wait3A_1312 = tpu.memref_slice %arg6[%dma_wait3A_1307, %dma_wait3A_1310, %dma_wait3A_1311] : memref<8x128x32xf32, #tpu.memory_space<vmem>> -> memref<1x128x32xf32, #tpu.memory_space<vmem>>
      %dma_wait3A_1313 = tpu.memref_squeeze %dma_wait3A_1312 : memref<1x128x32xf32, #tpu.memory_space<vmem>> -> memref<128x32xf32, #tpu.memory_space<vmem>>
      %dma_wait3A_1314 = arith.constant 0 : i32
      %dma_wait3A_1315 = arith.constant 0 : i32
      %dma_wait3A_1316 = tpu.memref_slice %arg4[%dma_wait3A_1308, %dma_wait3A_1314, %dma_wait3A_1315] : memref<50x16384x32xf32, #tpu.memory_space<hbm>> -> memref<1x128x32xf32, #tpu.memory_space<hbm>>
      %dma_wait3A_1317 = tpu.memref_squeeze %dma_wait3A_1316 : memref<1x128x32xf32, #tpu.memory_space<hbm>> -> memref<128x32xf32, #tpu.memory_space<hbm>>
      %dma_wait3A_1318 = tpu.memref_slice %arg8[%dma_wait3A_1309] : memref<8x!tpu.dma_semaphore, #tpu.memory_space<semaphore_mem>> -> memref<1x!tpu.dma_semaphore, #tpu.memory_space<semaphore_mem>>
      %dma_wait3A_1319 = tpu.memref_squeeze %dma_wait3A_1318 : memref<1x!tpu.dma_semaphore, #tpu.memory_space<semaphore_mem>> -> memref<!tpu.dma_semaphore, #tpu.memory_space<semaphore_mem>>
      %dma_wait3A_1320 = arith.constant 0 : i32
      %dma_wait3A_1321 = arith.constant 0 : i32
      %dma_wait3A_1322 = tpu.memref_slice %arg4[%dma_wait3A_1308, %dma_wait3A_1320, %dma_wait3A_1321] : memref<50x16384x32xf32, #tpu.memory_space<hbm>> -> memref<1x128x32xf32, #tpu.memory_space<hbm>>
      %dma_wait3A_1323 = tpu.memref_squeeze %dma_wait3A_1322 : memref<1x128x32xf32, #tpu.memory_space<hbm>> -> memref<128x32xf32, #tpu.memory_space<hbm>>
      %dma_wait3A_1324 = arith.constant 0 : i32
      %dma_wait3A_1325 = arith.constant 0 : i32
      %dma_wait3A_1326 = tpu.memref_slice %arg6[%dma_wait3A_1307, %dma_wait3A_1324, %dma_wait3A_1325] : memref<8x128x32xf32, #tpu.memory_space<vmem>> -> memref<1x128x32xf32, #tpu.memory_space<vmem>>
      %dma_wait3A_1327 = tpu.memref_squeeze %dma_wait3A_1326 : memref<1x128x32xf32, #tpu.memory_space<vmem>> -> memref<128x32xf32, #tpu.memory_space<vmem>>
      tpu.wait_dma2 semaphore(%dma_wait3A_1319 : memref<!tpu.dma_semaphore, #tpu.memory_space<semaphore_mem>>) src(%dma_wait3A_1327 : memref<128x32xf32, #tpu.memory_space<vmem>>) dst(%dma_wait3A_1323 : memref<128x32xf32, #tpu.memory_space<hbm>>)
      %add3A_1328 = arith.constant 4 : i32
      %add3A_1329 = arith.addi %add3A_1306, %add3A_1328 : i32
      %mul3A_1330 = arith.constant 128 : i32
      %mul3A_1331 = arith.muli %add3A_1329, %mul3A_1330 : i32
      %dma_start3A_1332 = arith.constant 3 : i32
      %dma_start3A_1333 = arith.constant 3 : i32
      %dma_start3A_1334 = arith.constant 0 : i32
      %dma_start3A_1335 = arith.constant 0 : i32
      %dma_start3A_1336 = tpu.memref_slice %arg6[%dma_start3A_1332, %dma_start3A_1334, %dma_start3A_1335] : memref<8x128x32xf32, #tpu.memory_space<vmem>> -> memref<1x128x32xf32, #tpu.memory_space<vmem>>
      %dma_start3A_1337 = tpu.memref_squeeze %dma_start3A_1336 : memref<1x128x32xf32, #tpu.memory_space<vmem>> -> memref<128x32xf32, #tpu.memory_space<vmem>>
      %dma_start3A_1338 = tpu.memref_slice %arg5[%mul3A_1331] : memref<25600xi32, #tpu.memory_space<vmem>> -> memref<128xi32, #tpu.memory_space<vmem>>
      %dma_start3A_1339 = arith.constant 0 : i32
      %dma_start3A_1340 = arith.constant 0 : i32
      %dma_start3A_1341 = tpu.memref_slice %arg3[%dma_start3A_1339, %dma_start3A_1340] : memref<1001472x32xf32, #tpu.memory_space<hbm>> -> memref<1001472x32xf32, #tpu.memory_space<hbm>>
      %dma_start3A_1342 = tpu.memref_slice %arg7[%dma_start3A_1333] : memref<8x!tpu.dma_semaphore, #tpu.memory_space<semaphore_mem>> -> memref<1x!tpu.dma_semaphore, #tpu.memory_space<semaphore_mem>>
      %dma_start3A_1343 = tpu.memref_squeeze %dma_start3A_1342 : memref<1x!tpu.dma_semaphore, #tpu.memory_space<semaphore_mem>> -> memref<!tpu.dma_semaphore, #tpu.memory_space<semaphore_mem>>
      tpu.enqueue_indirect_dma source(%dma_start3A_1341 : memref<1001472x32xf32, #tpu.memory_space<hbm>>) target(%dma_start3A_1337 : memref<128x32xf32, #tpu.memory_space<vmem>>) offsets(%dma_start3A_1338 : memref<128xi32, #tpu.memory_space<vmem>>) semaphore(%dma_start3A_1343 : memref<!tpu.dma_semaphore, #tpu.memory_space<semaphore_mem>>)
      %dma_wait3A_1344 = arith.constant 0 : i32
      %dma_wait3A_1345 = arith.constant 7 : i32
      %dma_wait3A_1346 = arith.constant 7 : i32
      %dma_wait3A_1347 = arith.constant 0 : i32
      %dma_wait3A_1348 = arith.constant 0 : i32
      %dma_wait3A_1349 = tpu.memref_slice %arg6[%dma_wait3A_1345, %dma_wait3A_1347, %dma_wait3A_1348] : memref<8x128x32xf32, #tpu.memory_space<vmem>> -> memref<1x128x32xf32, #tpu.memory_space<vmem>>
      %dma_wait3A_1350 = tpu.memref_squeeze %dma_wait3A_1349 : memref<1x128x32xf32, #tpu.memory_space<vmem>> -> memref<128x32xf32, #tpu.memory_space<vmem>>
      %dma_wait3A_1351 = arith.constant 0 : i32
      %dma_wait3A_1352 = arith.constant 0 : i32
      %dma_wait3A_1353 = tpu.memref_slice %arg4[%dma_wait3A_1344, %dma_wait3A_1351, %dma_wait3A_1352] : memref<50x16384x32xf32, #tpu.memory_space<hbm>> -> memref<1x128x32xf32, #tpu.memory_space<hbm>>
      %dma_wait3A_1354 = tpu.memref_squeeze %dma_wait3A_1353 : memref<1x128x32xf32, #tpu.memory_space<hbm>> -> memref<128x32xf32, #tpu.memory_space<hbm>>
      %dma_wait3A_1355 = tpu.memref_slice %arg7[%dma_wait3A_1346] : memref<8x!tpu.dma_semaphore, #tpu.memory_space<semaphore_mem>> -> memref<1x!tpu.dma_semaphore, #tpu.memory_space<semaphore_mem>>
      %dma_wait3A_1356 = tpu.memref_squeeze %dma_wait3A_1355 : memref<1x!tpu.dma_semaphore, #tpu.memory_space<semaphore_mem>> -> memref<!tpu.dma_semaphore, #tpu.memory_space<semaphore_mem>>
      %dma_wait3A_1357 = arith.constant 0 : i32
      %dma_wait3A_1358 = arith.constant 0 : i32
      %dma_wait3A_1359 = tpu.memref_slice %arg6[%dma_wait3A_1345, %dma_wait3A_1357, %dma_wait3A_1358] : memref<8x128x32xf32, #tpu.memory_space<vmem>> -> memref<1x128x32xf32, #tpu.memory_space<vmem>>
      %dma_wait3A_1360 = tpu.memref_squeeze %dma_wait3A_1359 : memref<1x128x32xf32, #tpu.memory_space<vmem>> -> memref<128x32xf32, #tpu.memory_space<vmem>>
      %dma_wait3A_1361 = arith.constant 0 : i32
      %dma_wait3A_1362 = arith.constant 0 : i32
      %dma_wait3A_1363 = tpu.memref_slice %arg4[%dma_wait3A_1344, %dma_wait3A_1361, %dma_wait3A_1362] : memref<50x16384x32xf32, #tpu.memory_space<hbm>> -> memref<1x128x32xf32, #tpu.memory_space<hbm>>
      %dma_wait3A_1364 = tpu.memref_squeeze %dma_wait3A_1363 : memref<1x128x32xf32, #tpu.memory_space<hbm>> -> memref<128x32xf32, #tpu.memory_space<hbm>>
      tpu.wait_dma2 semaphore(%dma_wait3A_1356 : memref<!tpu.dma_semaphore, #tpu.memory_space<semaphore_mem>>) src(%dma_wait3A_1364 : memref<128x32xf32, #tpu.memory_space<hbm>>) dst(%dma_wait3A_1360 : memref<128x32xf32, #tpu.memory_space<vmem>>)
      %add3A_1365 = arith.addi %mul3A_2, %add3A_1306 : i32
      %jit3A_1366 = arith.constant 128 : i32
      %div3A_1367 = arith.divsi %add3A_1365, %jit3A_1366 : i32
      %sign3A_1368 = arith.constant 0 : i32
      %sign3A_1369 = arith.cmpi sgt, %add3A_1365, %sign3A_1368 : i32
      %sign3A_1370 = arith.extui %sign3A_1369 : i1 to i32
      %sign3A_1371 = arith.constant 0 : i32
      %sign3A_1372 = arith.cmpi slt, %add3A_1365, %sign3A_1371 : i32
      %sign3A_1373 = arith.extui %sign3A_1372 : i1 to i32
      %sign3A_1374 = arith.subi %sign3A_1370, %sign3A_1373 : i32
      %sign3A_1375 = arith.constant 0 : i32
      %sign3A_1376 = arith.cmpi sgt, %jit3A_1366, %sign3A_1375 : i32
      %sign3A_1377 = arith.extui %sign3A_1376 : i1 to i32
      %sign3A_1378 = arith.constant 0 : i32
      %sign3A_1379 = arith.cmpi slt, %jit3A_1366, %sign3A_1378 : i32
      %sign3A_1380 = arith.extui %sign3A_1379 : i1 to i32
      %sign3A_1381 = arith.subi %sign3A_1377, %sign3A_1380 : i32
      %ne3A_1382 = arith.cmpi ne, %sign3A_1374, %sign3A_1381 : i32
      %rem3A_1383 = arith.remsi %add3A_1365, %jit3A_1366 : i32
      %ne3A_1384 = arith.constant 0 : i32
      %ne3A_1385 = arith.cmpi ne, %rem3A_1383, %ne3A_1384 : i32
      %and3A_1386 = arith.andi %ne3A_1382, %ne3A_1385 : i1
      %sub3A_1387 = arith.constant 1 : i32
      %sub3A_1388 = arith.subi %div3A_1367, %sub3A_1387 : i32
      %select_n3A_1389 = arith.select %and3A_1386, %sub3A_1388, %div3A_1367 : i32
      %jit3A_1390 = arith.constant 128 : i32
      %eq3A_1391 = arith.constant 0 : i32
      %eq3A_1392 = arith.cmpi eq, %jit3A_1390, %eq3A_1391 : i32
      %jit3A_1393 = arith.constant 1 : i32
      %select_n3A_1394 = arith.select %eq3A_1392, %jit3A_1393, %jit3A_1390 : i32
      %rem3A_1395 = arith.remsi %add3A_1365, %select_n3A_1394 : i32
      %ne3A_1396 = arith.constant 0 : i32
      %ne3A_1397 = arith.cmpi ne, %rem3A_1395, %ne3A_1396 : i32
      %lt3A_1398 = arith.constant 0 : i32
      %lt3A_1399 = arith.cmpi slt, %rem3A_1395, %lt3A_1398 : i32
      %lt3A_1400 = arith.constant 0 : i32
      %lt3A_1401 = arith.cmpi slt, %select_n3A_1394, %lt3A_1400 : i32
      %ne3A_1402 = arith.xori %lt3A_1399, %lt3A_1401 : i1
      %and3A_1403 = arith.andi %ne3A_1402, %ne3A_1397 : i1
      %add3A_1404 = arith.addi %rem3A_1395, %select_n3A_1394 : i32
      %select_n3A_1405 = arith.select %and3A_1403, %add3A_1404, %rem3A_1395 : i32
      %mul3A_1406 = arith.constant 128 : i32
      %mul3A_1407 = arith.muli %select_n3A_1405, %mul3A_1406 : i32
      %dma_start3A_1408 = arith.constant 7 : i32
      %dma_start3A_1409 = arith.constant 7 : i32
      %dma_start3A_1410 = arith.constant 0 : i32
      %dma_start3A_1411 = arith.constant 0 : i32
      %dma_start3A_1412 = tpu.memref_slice %arg6[%dma_start3A_1408, %dma_start3A_1410, %dma_start3A_1411] : memref<8x128x32xf32, #tpu.memory_space<vmem>> -> memref<1x128x32xf32, #tpu.memory_space<vmem>>
      %dma_start3A_1413 = tpu.memref_squeeze %dma_start3A_1412 : memref<1x128x32xf32, #tpu.memory_space<vmem>> -> memref<128x32xf32, #tpu.memory_space<vmem>>
      %dma_start3A_1414 = arith.constant 0 : i32
      %dma_start3A_1415 = tpu.memref_slice %arg4[%select_n3A_1389, %mul3A_1407, %dma_start3A_1414] : memref<50x16384x32xf32, #tpu.memory_space<hbm>> -> memref<1x128x32xf32, #tpu.memory_space<hbm>>
      %dma_start3A_1416 = tpu.memref_squeeze %dma_start3A_1415 : memref<1x128x32xf32, #tpu.memory_space<hbm>> -> memref<128x32xf32, #tpu.memory_space<hbm>>
      %dma_start3A_1417 = tpu.memref_slice %arg8[%dma_start3A_1409] : memref<8x!tpu.dma_semaphore, #tpu.memory_space<semaphore_mem>> -> memref<1x!tpu.dma_semaphore, #tpu.memory_space<semaphore_mem>>
      %dma_start3A_1418 = tpu.memref_squeeze %dma_start3A_1417 : memref<1x!tpu.dma_semaphore, #tpu.memory_space<semaphore_mem>> -> memref<!tpu.dma_semaphore, #tpu.memory_space<semaphore_mem>>
      %dma_start3A_1419 = arith.constant 0 : i32
      %dma_start3A_1420 = tpu.memref_slice %arg4[%select_n3A_1389, %mul3A_1407, %dma_start3A_1419] : memref<50x16384x32xf32, #tpu.memory_space<hbm>> -> memref<1x128x32xf32, #tpu.memory_space<hbm>>
      %dma_start3A_1421 = tpu.memref_squeeze %dma_start3A_1420 : memref<1x128x32xf32, #tpu.memory_space<hbm>> -> memref<128x32xf32, #tpu.memory_space<hbm>>
      %dma_start3A_1422 = arith.constant 0 : i32
      %dma_start3A_1423 = arith.constant 0 : i32
      %dma_start3A_1424 = tpu.memref_slice %arg6[%dma_start3A_1408, %dma_start3A_1422, %dma_start3A_1423] : memref<8x128x32xf32, #tpu.memory_space<vmem>> -> memref<1x128x32xf32, #tpu.memory_space<vmem>>
      %dma_start3A_1425 = tpu.memref_squeeze %dma_start3A_1424 : memref<1x128x32xf32, #tpu.memory_space<vmem>> -> memref<128x32xf32, #tpu.memory_space<vmem>>
      tpu.enqueue_dma source(%dma_start3A_1425 : memref<128x32xf32, #tpu.memory_space<vmem>>) target(%dma_start3A_1421 : memref<128x32xf32, #tpu.memory_space<hbm>>) target_semaphore(%dma_start3A_1418 : memref<!tpu.dma_semaphore, #tpu.memory_space<semaphore_mem>>)
      %add3A_1426 = arith.constant 4 : i32
      %add3A_1427 = arith.addi %add3A_941, %add3A_1426 : i32
      %dma_wait3A_1428 = arith.constant 4 : i32
      %dma_wait3A_1429 = arith.constant 0 : i32
      %dma_wait3A_1430 = arith.constant 4 : i32
      %dma_wait3A_1431 = arith.constant 0 : i32
      %dma_wait3A_1432 = arith.constant 0 : i32
      %dma_wait3A_1433 = tpu.memref_slice %arg6[%dma_wait3A_1428, %dma_wait3A_1431, %dma_wait3A_1432] : memref<8x128x32xf32, #tpu.memory_space<vmem>> -> memref<1x128x32xf32, #tpu.memory_space<vmem>>
      %dma_wait3A_1434 = tpu.memref_squeeze %dma_wait3A_1433 : memref<1x128x32xf32, #tpu.memory_space<vmem>> -> memref<128x32xf32, #tpu.memory_space<vmem>>
      %dma_wait3A_1435 = arith.constant 0 : i32
      %dma_wait3A_1436 = arith.constant 0 : i32
      %dma_wait3A_1437 = tpu.memref_slice %arg4[%dma_wait3A_1429, %dma_wait3A_1435, %dma_wait3A_1436] : memref<50x16384x32xf32, #tpu.memory_space<hbm>> -> memref<1x128x32xf32, #tpu.memory_space<hbm>>
      %dma_wait3A_1438 = tpu.memref_squeeze %dma_wait3A_1437 : memref<1x128x32xf32, #tpu.memory_space<hbm>> -> memref<128x32xf32, #tpu.memory_space<hbm>>
      %dma_wait3A_1439 = tpu.memref_slice %arg8[%dma_wait3A_1430] : memref<8x!tpu.dma_semaphore, #tpu.memory_space<semaphore_mem>> -> memref<1x!tpu.dma_semaphore, #tpu.memory_space<semaphore_mem>>
      %dma_wait3A_1440 = tpu.memref_squeeze %dma_wait3A_1439 : memref<1x!tpu.dma_semaphore, #tpu.memory_space<semaphore_mem>> -> memref<!tpu.dma_semaphore, #tpu.memory_space<semaphore_mem>>
      %dma_wait3A_1441 = arith.constant 0 : i32
      %dma_wait3A_1442 = arith.constant 0 : i32
      %dma_wait3A_1443 = tpu.memref_slice %arg4[%dma_wait3A_1429, %dma_wait3A_1441, %dma_wait3A_1442] : memref<50x16384x32xf32, #tpu.memory_space<hbm>> -> memref<1x128x32xf32, #tpu.memory_space<hbm>>
      %dma_wait3A_1444 = tpu.memref_squeeze %dma_wait3A_1443 : memref<1x128x32xf32, #tpu.memory_space<hbm>> -> memref<128x32xf32, #tpu.memory_space<hbm>>
      %dma_wait3A_1445 = arith.constant 0 : i32
      %dma_wait3A_1446 = arith.constant 0 : i32
      %dma_wait3A_1447 = tpu.memref_slice %arg6[%dma_wait3A_1428, %dma_wait3A_1445, %dma_wait3A_1446] : memref<8x128x32xf32, #tpu.memory_space<vmem>> -> memref<1x128x32xf32, #tpu.memory_space<vmem>>
      %dma_wait3A_1448 = tpu.memref_squeeze %dma_wait3A_1447 : memref<1x128x32xf32, #tpu.memory_space<vmem>> -> memref<128x32xf32, #tpu.memory_space<vmem>>
      tpu.wait_dma2 semaphore(%dma_wait3A_1440 : memref<!tpu.dma_semaphore, #tpu.memory_space<semaphore_mem>>) src(%dma_wait3A_1448 : memref<128x32xf32, #tpu.memory_space<vmem>>) dst(%dma_wait3A_1444 : memref<128x32xf32, #tpu.memory_space<hbm>>)
      %add3A_1449 = arith.constant 4 : i32
      %add3A_1450 = arith.addi %add3A_1427, %add3A_1449 : i32
      %mul3A_1451 = arith.constant 128 : i32
      %mul3A_1452 = arith.muli %add3A_1450, %mul3A_1451 : i32
      %dma_start3A_1453 = arith.constant 4 : i32
      %dma_start3A_1454 = arith.constant 4 : i32
      %dma_start3A_1455 = arith.constant 0 : i32
      %dma_start3A_1456 = arith.constant 0 : i32
      %dma_start3A_1457 = tpu.memref_slice %arg6[%dma_start3A_1453, %dma_start3A_1455, %dma_start3A_1456] : memref<8x128x32xf32, #tpu.memory_space<vmem>> -> memref<1x128x32xf32, #tpu.memory_space<vmem>>
      %dma_start3A_1458 = tpu.memref_squeeze %dma_start3A_1457 : memref<1x128x32xf32, #tpu.memory_space<vmem>> -> memref<128x32xf32, #tpu.memory_space<vmem>>
      %dma_start3A_1459 = tpu.memref_slice %arg5[%mul3A_1452] : memref<25600xi32, #tpu.memory_space<vmem>> -> memref<128xi32, #tpu.memory_space<vmem>>
      %dma_start3A_1460 = arith.constant 0 : i32
      %dma_start3A_1461 = arith.constant 0 : i32
      %dma_start3A_1462 = tpu.memref_slice %arg3[%dma_start3A_1460, %dma_start3A_1461] : memref<1001472x32xf32, #tpu.memory_space<hbm>> -> memref<1001472x32xf32, #tpu.memory_space<hbm>>
      %dma_start3A_1463 = tpu.memref_slice %arg7[%dma_start3A_1454] : memref<8x!tpu.dma_semaphore, #tpu.memory_space<semaphore_mem>> -> memref<1x!tpu.dma_semaphore, #tpu.memory_space<semaphore_mem>>
      %dma_start3A_1464 = tpu.memref_squeeze %dma_start3A_1463 : memref<1x!tpu.dma_semaphore, #tpu.memory_space<semaphore_mem>> -> memref<!tpu.dma_semaphore, #tpu.memory_space<semaphore_mem>>
      tpu.enqueue_indirect_dma source(%dma_start3A_1462 : memref<1001472x32xf32, #tpu.memory_space<hbm>>) target(%dma_start3A_1458 : memref<128x32xf32, #tpu.memory_space<vmem>>) offsets(%dma_start3A_1459 : memref<128xi32, #tpu.memory_space<vmem>>) semaphore(%dma_start3A_1464 : memref<!tpu.dma_semaphore, #tpu.memory_space<semaphore_mem>>)
      %dma_wait3A_1465 = arith.constant 0 : i32
      %dma_wait3A_1466 = arith.constant 0 : i32
      %dma_wait3A_1467 = arith.constant 0 : i32
      %dma_wait3A_1468 = arith.constant 0 : i32
      %dma_wait3A_1469 = arith.constant 0 : i32
      %dma_wait3A_1470 = tpu.memref_slice %arg6[%dma_wait3A_1466, %dma_wait3A_1468, %dma_wait3A_1469] : memref<8x128x32xf32, #tpu.memory_space<vmem>> -> memref<1x128x32xf32, #tpu.memory_space<vmem>>
      %dma_wait3A_1471 = tpu.memref_squeeze %dma_wait3A_1470 : memref<1x128x32xf32, #tpu.memory_space<vmem>> -> memref<128x32xf32, #tpu.memory_space<vmem>>
      %dma_wait3A_1472 = arith.constant 0 : i32
      %dma_wait3A_1473 = arith.constant 0 : i32
      %dma_wait3A_1474 = tpu.memref_slice %arg4[%dma_wait3A_1465, %dma_wait3A_1472, %dma_wait3A_1473] : memref<50x16384x32xf32, #tpu.memory_space<hbm>> -> memref<1x128x32xf32, #tpu.memory_space<hbm>>
      %dma_wait3A_1475 = tpu.memref_squeeze %dma_wait3A_1474 : memref<1x128x32xf32, #tpu.memory_space<hbm>> -> memref<128x32xf32, #tpu.memory_space<hbm>>
      %dma_wait3A_1476 = tpu.memref_slice %arg7[%dma_wait3A_1467] : memref<8x!tpu.dma_semaphore, #tpu.memory_space<semaphore_mem>> -> memref<1x!tpu.dma_semaphore, #tpu.memory_space<semaphore_mem>>
      %dma_wait3A_1477 = tpu.memref_squeeze %dma_wait3A_1476 : memref<1x!tpu.dma_semaphore, #tpu.memory_space<semaphore_mem>> -> memref<!tpu.dma_semaphore, #tpu.memory_space<semaphore_mem>>
      %dma_wait3A_1478 = arith.constant 0 : i32
      %dma_wait3A_1479 = arith.constant 0 : i32
      %dma_wait3A_1480 = tpu.memref_slice %arg6[%dma_wait3A_1466, %dma_wait3A_1478, %dma_wait3A_1479] : memref<8x128x32xf32, #tpu.memory_space<vmem>> -> memref<1x128x32xf32, #tpu.memory_space<vmem>>
      %dma_wait3A_1481 = tpu.memref_squeeze %dma_wait3A_1480 : memref<1x128x32xf32, #tpu.memory_space<vmem>> -> memref<128x32xf32, #tpu.memory_space<vmem>>
      %dma_wait3A_1482 = arith.constant 0 : i32
      %dma_wait3A_1483 = arith.constant 0 : i32
      %dma_wait3A_1484 = tpu.memref_slice %arg4[%dma_wait3A_1465, %dma_wait3A_1482, %dma_wait3A_1483] : memref<50x16384x32xf32, #tpu.memory_space<hbm>> -> memref<1x128x32xf32, #tpu.memory_space<hbm>>
      %dma_wait3A_1485 = tpu.memref_squeeze %dma_wait3A_1484 : memref<1x128x32xf32, #tpu.memory_space<hbm>> -> memref<128x32xf32, #tpu.memory_space<hbm>>
      tpu.wait_dma2 semaphore(%dma_wait3A_1477 : memref<!tpu.dma_semaphore, #tpu.memory_space<semaphore_mem>>) src(%dma_wait3A_1485 : memref<128x32xf32, #tpu.memory_space<hbm>>) dst(%dma_wait3A_1481 : memref<128x32xf32, #tpu.memory_space<vmem>>)
      %add3A_1486 = arith.addi %mul3A_2, %add3A_1427 : i32
      %jit3A_1487 = arith.constant 128 : i32
      %div3A_1488 = arith.divsi %add3A_1486, %jit3A_1487 : i32
      %sign3A_1489 = arith.constant 0 : i32
      %sign3A_1490 = arith.cmpi sgt, %add3A_1486, %sign3A_1489 : i32
      %sign3A_1491 = arith.extui %sign3A_1490 : i1 to i32
      %sign3A_1492 = arith.constant 0 : i32
      %sign3A_1493 = arith.cmpi slt, %add3A_1486, %sign3A_1492 : i32
      %sign3A_1494 = arith.extui %sign3A_1493 : i1 to i32
      %sign3A_1495 = arith.subi %sign3A_1491, %sign3A_1494 : i32
      %sign3A_1496 = arith.constant 0 : i32
      %sign3A_1497 = arith.cmpi sgt, %jit3A_1487, %sign3A_1496 : i32
      %sign3A_1498 = arith.extui %sign3A_1497 : i1 to i32
      %sign3A_1499 = arith.constant 0 : i32
      %sign3A_1500 = arith.cmpi slt, %jit3A_1487, %sign3A_1499 : i32
      %sign3A_1501 = arith.extui %sign3A_1500 : i1 to i32
      %sign3A_1502 = arith.subi %sign3A_1498, %sign3A_1501 : i32
      %ne3A_1503 = arith.cmpi ne, %sign3A_1495, %sign3A_1502 : i32
      %rem3A_1504 = arith.remsi %add3A_1486, %jit3A_1487 : i32
      %ne3A_1505 = arith.constant 0 : i32
      %ne3A_1506 = arith.cmpi ne, %rem3A_1504, %ne3A_1505 : i32
      %and3A_1507 = arith.andi %ne3A_1503, %ne3A_1506 : i1
      %sub3A_1508 = arith.constant 1 : i32
      %sub3A_1509 = arith.subi %div3A_1488, %sub3A_1508 : i32
      %select_n3A_1510 = arith.select %and3A_1507, %sub3A_1509, %div3A_1488 : i32
      %jit3A_1511 = arith.constant 128 : i32
      %eq3A_1512 = arith.constant 0 : i32
      %eq3A_1513 = arith.cmpi eq, %jit3A_1511, %eq3A_1512 : i32
      %jit3A_1514 = arith.constant 1 : i32
      %select_n3A_1515 = arith.select %eq3A_1513, %jit3A_1514, %jit3A_1511 : i32
      %rem3A_1516 = arith.remsi %add3A_1486, %select_n3A_1515 : i32
      %ne3A_1517 = arith.constant 0 : i32
      %ne3A_1518 = arith.cmpi ne, %rem3A_1516, %ne3A_1517 : i32
      %lt3A_1519 = arith.constant 0 : i32
      %lt3A_1520 = arith.cmpi slt, %rem3A_1516, %lt3A_1519 : i32
      %lt3A_1521 = arith.constant 0 : i32
      %lt3A_1522 = arith.cmpi slt, %select_n3A_1515, %lt3A_1521 : i32
      %ne3A_1523 = arith.xori %lt3A_1520, %lt3A_1522 : i1
      %and3A_1524 = arith.andi %ne3A_1523, %ne3A_1518 : i1
      %add3A_1525 = arith.addi %rem3A_1516, %select_n3A_1515 : i32
      %select_n3A_1526 = arith.select %and3A_1524, %add3A_1525, %rem3A_1516 : i32
      %mul3A_1527 = arith.constant 128 : i32
      %mul3A_1528 = arith.muli %select_n3A_1526, %mul3A_1527 : i32
      %dma_start3A_1529 = arith.constant 0 : i32
      %dma_start3A_1530 = arith.constant 0 : i32
      %dma_start3A_1531 = arith.constant 0 : i32
      %dma_start3A_1532 = arith.constant 0 : i32
      %dma_start3A_1533 = tpu.memref_slice %arg6[%dma_start3A_1529, %dma_start3A_1531, %dma_start3A_1532] : memref<8x128x32xf32, #tpu.memory_space<vmem>> -> memref<1x128x32xf32, #tpu.memory_space<vmem>>
      %dma_start3A_1534 = tpu.memref_squeeze %dma_start3A_1533 : memref<1x128x32xf32, #tpu.memory_space<vmem>> -> memref<128x32xf32, #tpu.memory_space<vmem>>
      %dma_start3A_1535 = arith.constant 0 : i32
      %dma_start3A_1536 = tpu.memref_slice %arg4[%select_n3A_1510, %mul3A_1528, %dma_start3A_1535] : memref<50x16384x32xf32, #tpu.memory_space<hbm>> -> memref<1x128x32xf32, #tpu.memory_space<hbm>>
      %dma_start3A_1537 = tpu.memref_squeeze %dma_start3A_1536 : memref<1x128x32xf32, #tpu.memory_space<hbm>> -> memref<128x32xf32, #tpu.memory_space<hbm>>
      %dma_start3A_1538 = tpu.memref_slice %arg8[%dma_start3A_1530] : memref<8x!tpu.dma_semaphore, #tpu.memory_space<semaphore_mem>> -> memref<1x!tpu.dma_semaphore, #tpu.memory_space<semaphore_mem>>
      %dma_start3A_1539 = tpu.memref_squeeze %dma_start3A_1538 : memref<1x!tpu.dma_semaphore, #tpu.memory_space<semaphore_mem>> -> memref<!tpu.dma_semaphore, #tpu.memory_space<semaphore_mem>>
      %dma_start3A_1540 = arith.constant 0 : i32
      %dma_start3A_1541 = tpu.memref_slice %arg4[%select_n3A_1510, %mul3A_1528, %dma_start3A_1540] : memref<50x16384x32xf32, #tpu.memory_space<hbm>> -> memref<1x128x32xf32, #tpu.memory_space<hbm>>
      %dma_start3A_1542 = tpu.memref_squeeze %dma_start3A_1541 : memref<1x128x32xf32, #tpu.memory_space<hbm>> -> memref<128x32xf32, #tpu.memory_space<hbm>>
      %dma_start3A_1543 = arith.constant 0 : i32
      %dma_start3A_1544 = arith.constant 0 : i32
      %dma_start3A_1545 = tpu.memref_slice %arg6[%dma_start3A_1529, %dma_start3A_1543, %dma_start3A_1544] : memref<8x128x32xf32, #tpu.memory_space<vmem>> -> memref<1x128x32xf32, #tpu.memory_space<vmem>>
      %dma_start3A_1546 = tpu.memref_squeeze %dma_start3A_1545 : memref<1x128x32xf32, #tpu.memory_space<vmem>> -> memref<128x32xf32, #tpu.memory_space<vmem>>
      tpu.enqueue_dma source(%dma_start3A_1546 : memref<128x32xf32, #tpu.memory_space<vmem>>) target(%dma_start3A_1542 : memref<128x32xf32, #tpu.memory_space<hbm>>) target_semaphore(%dma_start3A_1539 : memref<!tpu.dma_semaphore, #tpu.memory_space<semaphore_mem>>)
      %add3A_1547 = arith.constant 5 : i32
      %add3A_1548 = arith.addi %add3A_941, %add3A_1547 : i32
      %dma_wait3A_1549 = arith.constant 5 : i32
      %dma_wait3A_1550 = arith.constant 0 : i32
      %dma_wait3A_1551 = arith.constant 5 : i32
      %dma_wait3A_1552 = arith.constant 0 : i32
      %dma_wait3A_1553 = arith.constant 0 : i32
      %dma_wait3A_1554 = tpu.memref_slice %arg6[%dma_wait3A_1549, %dma_wait3A_1552, %dma_wait3A_1553] : memref<8x128x32xf32, #tpu.memory_space<vmem>> -> memref<1x128x32xf32, #tpu.memory_space<vmem>>
      %dma_wait3A_1555 = tpu.memref_squeeze %dma_wait3A_1554 : memref<1x128x32xf32, #tpu.memory_space<vmem>> -> memref<128x32xf32, #tpu.memory_space<vmem>>
      %dma_wait3A_1556 = arith.constant 0 : i32
      %dma_wait3A_1557 = arith.constant 0 : i32
      %dma_wait3A_1558 = tpu.memref_slice %arg4[%dma_wait3A_1550, %dma_wait3A_1556, %dma_wait3A_1557] : memref<50x16384x32xf32, #tpu.memory_space<hbm>> -> memref<1x128x32xf32, #tpu.memory_space<hbm>>
      %dma_wait3A_1559 = tpu.memref_squeeze %dma_wait3A_1558 : memref<1x128x32xf32, #tpu.memory_space<hbm>> -> memref<128x32xf32, #tpu.memory_space<hbm>>
      %dma_wait3A_1560 = tpu.memref_slice %arg8[%dma_wait3A_1551] : memref<8x!tpu.dma_semaphore, #tpu.memory_space<semaphore_mem>> -> memref<1x!tpu.dma_semaphore, #tpu.memory_space<semaphore_mem>>
      %dma_wait3A_1561 = tpu.memref_squeeze %dma_wait3A_1560 : memref<1x!tpu.dma_semaphore, #tpu.memory_space<semaphore_mem>> -> memref<!tpu.dma_semaphore, #tpu.memory_space<semaphore_mem>>
      %dma_wait3A_1562 = arith.constant 0 : i32
      %dma_wait3A_1563 = arith.constant 0 : i32
      %dma_wait3A_1564 = tpu.memref_slice %arg4[%dma_wait3A_1550, %dma_wait3A_1562, %dma_wait3A_1563] : memref<50x16384x32xf32, #tpu.memory_space<hbm>> -> memref<1x128x32xf32, #tpu.memory_space<hbm>>
      %dma_wait3A_1565 = tpu.memref_squeeze %dma_wait3A_1564 : memref<1x128x32xf32, #tpu.memory_space<hbm>> -> memref<128x32xf32, #tpu.memory_space<hbm>>
      %dma_wait3A_1566 = arith.constant 0 : i32
      %dma_wait3A_1567 = arith.constant 0 : i32
      %dma_wait3A_1568 = tpu.memref_slice %arg6[%dma_wait3A_1549, %dma_wait3A_1566, %dma_wait3A_1567] : memref<8x128x32xf32, #tpu.memory_space<vmem>> -> memref<1x128x32xf32, #tpu.memory_space<vmem>>
      %dma_wait3A_1569 = tpu.memref_squeeze %dma_wait3A_1568 : memref<1x128x32xf32, #tpu.memory_space<vmem>> -> memref<128x32xf32, #tpu.memory_space<vmem>>
      tpu.wait_dma2 semaphore(%dma_wait3A_1561 : memref<!tpu.dma_semaphore, #tpu.memory_space<semaphore_mem>>) src(%dma_wait3A_1569 : memref<128x32xf32, #tpu.memory_space<vmem>>) dst(%dma_wait3A_1565 : memref<128x32xf32, #tpu.memory_space<hbm>>)
      %add3A_1570 = arith.constant 4 : i32
      %add3A_1571 = arith.addi %add3A_1548, %add3A_1570 : i32
      %mul3A_1572 = arith.constant 128 : i32
      %mul3A_1573 = arith.muli %add3A_1571, %mul3A_1572 : i32
      %dma_start3A_1574 = arith.constant 5 : i32
      %dma_start3A_1575 = arith.constant 5 : i32
      %dma_start3A_1576 = arith.constant 0 : i32
      %dma_start3A_1577 = arith.constant 0 : i32
      %dma_start3A_1578 = tpu.memref_slice %arg6[%dma_start3A_1574, %dma_start3A_1576, %dma_start3A_1577] : memref<8x128x32xf32, #tpu.memory_space<vmem>> -> memref<1x128x32xf32, #tpu.memory_space<vmem>>
      %dma_start3A_1579 = tpu.memref_squeeze %dma_start3A_1578 : memref<1x128x32xf32, #tpu.memory_space<vmem>> -> memref<128x32xf32, #tpu.memory_space<vmem>>
      %dma_start3A_1580 = tpu.memref_slice %arg5[%mul3A_1573] : memref<25600xi32, #tpu.memory_space<vmem>> -> memref<128xi32, #tpu.memory_space<vmem>>
      %dma_start3A_1581 = arith.constant 0 : i32
      %dma_start3A_1582 = arith.constant 0 : i32
      %dma_start3A_1583 = tpu.memref_slice %arg3[%dma_start3A_1581, %dma_start3A_1582] : memref<1001472x32xf32, #tpu.memory_space<hbm>> -> memref<1001472x32xf32, #tpu.memory_space<hbm>>
      %dma_start3A_1584 = tpu.memref_slice %arg7[%dma_start3A_1575] : memref<8x!tpu.dma_semaphore, #tpu.memory_space<semaphore_mem>> -> memref<1x!tpu.dma_semaphore, #tpu.memory_space<semaphore_mem>>
      %dma_start3A_1585 = tpu.memref_squeeze %dma_start3A_1584 : memref<1x!tpu.dma_semaphore, #tpu.memory_space<semaphore_mem>> -> memref<!tpu.dma_semaphore, #tpu.memory_space<semaphore_mem>>
      tpu.enqueue_indirect_dma source(%dma_start3A_1583 : memref<1001472x32xf32, #tpu.memory_space<hbm>>) target(%dma_start3A_1579 : memref<128x32xf32, #tpu.memory_space<vmem>>) offsets(%dma_start3A_1580 : memref<128xi32, #tpu.memory_space<vmem>>) semaphore(%dma_start3A_1585 : memref<!tpu.dma_semaphore, #tpu.memory_space<semaphore_mem>>)
      %dma_wait3A_1586 = arith.constant 0 : i32
      %dma_wait3A_1587 = arith.constant 1 : i32
      %dma_wait3A_1588 = arith.constant 1 : i32
      %dma_wait3A_1589 = arith.constant 0 : i32
      %dma_wait3A_1590 = arith.constant 0 : i32
      %dma_wait3A_1591 = tpu.memref_slice %arg6[%dma_wait3A_1587, %dma_wait3A_1589, %dma_wait3A_1590] : memref<8x128x32xf32, #tpu.memory_space<vmem>> -> memref<1x128x32xf32, #tpu.memory_space<vmem>>
      %dma_wait3A_1592 = tpu.memref_squeeze %dma_wait3A_1591 : memref<1x128x32xf32, #tpu.memory_space<vmem>> -> memref<128x32xf32, #tpu.memory_space<vmem>>
      %dma_wait3A_1593 = arith.constant 0 : i32
      %dma_wait3A_1594 = arith.constant 0 : i32
      %dma_wait3A_1595 = tpu.memref_slice %arg4[%dma_wait3A_1586, %dma_wait3A_1593, %dma_wait3A_1594] : memref<50x16384x32xf32, #tpu.memory_space<hbm>> -> memref<1x128x32xf32, #tpu.memory_space<hbm>>
      %dma_wait3A_1596 = tpu.memref_squeeze %dma_wait3A_1595 : memref<1x128x32xf32, #tpu.memory_space<hbm>> -> memref<128x32xf32, #tpu.memory_space<hbm>>
      %dma_wait3A_1597 = tpu.memref_slice %arg7[%dma_wait3A_1588] : memref<8x!tpu.dma_semaphore, #tpu.memory_space<semaphore_mem>> -> memref<1x!tpu.dma_semaphore, #tpu.memory_space<semaphore_mem>>
      %dma_wait3A_1598 = tpu.memref_squeeze %dma_wait3A_1597 : memref<1x!tpu.dma_semaphore, #tpu.memory_space<semaphore_mem>> -> memref<!tpu.dma_semaphore, #tpu.memory_space<semaphore_mem>>
      %dma_wait3A_1599 = arith.constant 0 : i32
      %dma_wait3A_1600 = arith.constant 0 : i32
      %dma_wait3A_1601 = tpu.memref_slice %arg6[%dma_wait3A_1587, %dma_wait3A_1599, %dma_wait3A_1600] : memref<8x128x32xf32, #tpu.memory_space<vmem>> -> memref<1x128x32xf32, #tpu.memory_space<vmem>>
      %dma_wait3A_1602 = tpu.memref_squeeze %dma_wait3A_1601 : memref<1x128x32xf32, #tpu.memory_space<vmem>> -> memref<128x32xf32, #tpu.memory_space<vmem>>
      %dma_wait3A_1603 = arith.constant 0 : i32
      %dma_wait3A_1604 = arith.constant 0 : i32
      %dma_wait3A_1605 = tpu.memref_slice %arg4[%dma_wait3A_1586, %dma_wait3A_1603, %dma_wait3A_1604] : memref<50x16384x32xf32, #tpu.memory_space<hbm>> -> memref<1x128x32xf32, #tpu.memory_space<hbm>>
      %dma_wait3A_1606 = tpu.memref_squeeze %dma_wait3A_1605 : memref<1x128x32xf32, #tpu.memory_space<hbm>> -> memref<128x32xf32, #tpu.memory_space<hbm>>
      tpu.wait_dma2 semaphore(%dma_wait3A_1598 : memref<!tpu.dma_semaphore, #tpu.memory_space<semaphore_mem>>) src(%dma_wait3A_1606 : memref<128x32xf32, #tpu.memory_space<hbm>>) dst(%dma_wait3A_1602 : memref<128x32xf32, #tpu.memory_space<vmem>>)
      %add3A_1607 = arith.addi %mul3A_2, %add3A_1548 : i32
      %jit3A_1608 = arith.constant 128 : i32
      %div3A_1609 = arith.divsi %add3A_1607, %jit3A_1608 : i32
      %sign3A_1610 = arith.constant 0 : i32
      %sign3A_1611 = arith.cmpi sgt, %add3A_1607, %sign3A_1610 : i32
      %sign3A_1612 = arith.extui %sign3A_1611 : i1 to i32
      %sign3A_1613 = arith.constant 0 : i32
      %sign3A_1614 = arith.cmpi slt, %add3A_1607, %sign3A_1613 : i32
      %sign3A_1615 = arith.extui %sign3A_1614 : i1 to i32
      %sign3A_1616 = arith.subi %sign3A_1612, %sign3A_1615 : i32
      %sign3A_1617 = arith.constant 0 : i32
      %sign3A_1618 = arith.cmpi sgt, %jit3A_1608, %sign3A_1617 : i32
      %sign3A_1619 = arith.extui %sign3A_1618 : i1 to i32
      %sign3A_1620 = arith.constant 0 : i32
      %sign3A_1621 = arith.cmpi slt, %jit3A_1608, %sign3A_1620 : i32
      %sign3A_1622 = arith.extui %sign3A_1621 : i1 to i32
      %sign3A_1623 = arith.subi %sign3A_1619, %sign3A_1622 : i32
      %ne3A_1624 = arith.cmpi ne, %sign3A_1616, %sign3A_1623 : i32
      %rem3A_1625 = arith.remsi %add3A_1607, %jit3A_1608 : i32
      %ne3A_1626 = arith.constant 0 : i32
      %ne3A_1627 = arith.cmpi ne, %rem3A_1625, %ne3A_1626 : i32
      %and3A_1628 = arith.andi %ne3A_1624, %ne3A_1627 : i1
      %sub3A_1629 = arith.constant 1 : i32
      %sub3A_1630 = arith.subi %div3A_1609, %sub3A_1629 : i32
      %select_n3A_1631 = arith.select %and3A_1628, %sub3A_1630, %div3A_1609 : i32
      %jit3A_1632 = arith.constant 128 : i32
      %eq3A_1633 = arith.constant 0 : i32
      %eq3A_1634 = arith.cmpi eq, %jit3A_1632, %eq3A_1633 : i32
      %jit3A_1635 = arith.constant 1 : i32
      %select_n3A_1636 = arith.select %eq3A_1634, %jit3A_1635, %jit3A_1632 : i32
      %rem3A_1637 = arith.remsi %add3A_1607, %select_n3A_1636 : i32
      %ne3A_1638 = arith.constant 0 : i32
      %ne3A_1639 = arith.cmpi ne, %rem3A_1637, %ne3A_1638 : i32
      %lt3A_1640 = arith.constant 0 : i32
      %lt3A_1641 = arith.cmpi slt, %rem3A_1637, %lt3A_1640 : i32
      %lt3A_1642 = arith.constant 0 : i32
      %lt3A_1643 = arith.cmpi slt, %select_n3A_1636, %lt3A_1642 : i32
      %ne3A_1644 = arith.xori %lt3A_1641, %lt3A_1643 : i1
      %and3A_1645 = arith.andi %ne3A_1644, %ne3A_1639 : i1
      %add3A_1646 = arith.addi %rem3A_1637, %select_n3A_1636 : i32
      %select_n3A_1647 = arith.select %and3A_1645, %add3A_1646, %rem3A_1637 : i32
      %mul3A_1648 = arith.constant 128 : i32
      %mul3A_1649 = arith.muli %select_n3A_1647, %mul3A_1648 : i32
      %dma_start3A_1650 = arith.constant 1 : i32
      %dma_start3A_1651 = arith.constant 1 : i32
      %dma_start3A_1652 = arith.constant 0 : i32
      %dma_start3A_1653 = arith.constant 0 : i32
      %dma_start3A_1654 = tpu.memref_slice %arg6[%dma_start3A_1650, %dma_start3A_1652, %dma_start3A_1653] : memref<8x128x32xf32, #tpu.memory_space<vmem>> -> memref<1x128x32xf32, #tpu.memory_space<vmem>>
      %dma_start3A_1655 = tpu.memref_squeeze %dma_start3A_1654 : memref<1x128x32xf32, #tpu.memory_space<vmem>> -> memref<128x32xf32, #tpu.memory_space<vmem>>
      %dma_start3A_1656 = arith.constant 0 : i32
      %dma_start3A_1657 = tpu.memref_slice %arg4[%select_n3A_1631, %mul3A_1649, %dma_start3A_1656] : memref<50x16384x32xf32, #tpu.memory_space<hbm>> -> memref<1x128x32xf32, #tpu.memory_space<hbm>>
      %dma_start3A_1658 = tpu.memref_squeeze %dma_start3A_1657 : memref<1x128x32xf32, #tpu.memory_space<hbm>> -> memref<128x32xf32, #tpu.memory_space<hbm>>
      %dma_start3A_1659 = tpu.memref_slice %arg8[%dma_start3A_1651] : memref<8x!tpu.dma_semaphore, #tpu.memory_space<semaphore_mem>> -> memref<1x!tpu.dma_semaphore, #tpu.memory_space<semaphore_mem>>
      %dma_start3A_1660 = tpu.memref_squeeze %dma_start3A_1659 : memref<1x!tpu.dma_semaphore, #tpu.memory_space<semaphore_mem>> -> memref<!tpu.dma_semaphore, #tpu.memory_space<semaphore_mem>>
      %dma_start3A_1661 = arith.constant 0 : i32
      %dma_start3A_1662 = tpu.memref_slice %arg4[%select_n3A_1631, %mul3A_1649, %dma_start3A_1661] : memref<50x16384x32xf32, #tpu.memory_space<hbm>> -> memref<1x128x32xf32, #tpu.memory_space<hbm>>
      %dma_start3A_1663 = tpu.memref_squeeze %dma_start3A_1662 : memref<1x128x32xf32, #tpu.memory_space<hbm>> -> memref<128x32xf32, #tpu.memory_space<hbm>>
      %dma_start3A_1664 = arith.constant 0 : i32
      %dma_start3A_1665 = arith.constant 0 : i32
      %dma_start3A_1666 = tpu.memref_slice %arg6[%dma_start3A_1650, %dma_start3A_1664, %dma_start3A_1665] : memref<8x128x32xf32, #tpu.memory_space<vmem>> -> memref<1x128x32xf32, #tpu.memory_space<vmem>>
      %dma_start3A_1667 = tpu.memref_squeeze %dma_start3A_1666 : memref<1x128x32xf32, #tpu.memory_space<vmem>> -> memref<128x32xf32, #tpu.memory_space<vmem>>
      tpu.enqueue_dma source(%dma_start3A_1667 : memref<128x32xf32, #tpu.memory_space<vmem>>) target(%dma_start3A_1663 : memref<128x32xf32, #tpu.memory_space<hbm>>) target_semaphore(%dma_start3A_1660 : memref<!tpu.dma_semaphore, #tpu.memory_space<semaphore_mem>>)
      %add3A_1668 = arith.constant 6 : i32
      %add3A_1669 = arith.addi %add3A_941, %add3A_1668 : i32
      %dma_wait3A_1670 = arith.constant 6 : i32
      %dma_wait3A_1671 = arith.constant 0 : i32
      %dma_wait3A_1672 = arith.constant 6 : i32
      %dma_wait3A_1673 = arith.constant 0 : i32
      %dma_wait3A_1674 = arith.constant 0 : i32
      %dma_wait3A_1675 = tpu.memref_slice %arg6[%dma_wait3A_1670, %dma_wait3A_1673, %dma_wait3A_1674] : memref<8x128x32xf32, #tpu.memory_space<vmem>> -> memref<1x128x32xf32, #tpu.memory_space<vmem>>
      %dma_wait3A_1676 = tpu.memref_squeeze %dma_wait3A_1675 : memref<1x128x32xf32, #tpu.memory_space<vmem>> -> memref<128x32xf32, #tpu.memory_space<vmem>>
      %dma_wait3A_1677 = arith.constant 0 : i32
      %dma_wait3A_1678 = arith.constant 0 : i32
      %dma_wait3A_1679 = tpu.memref_slice %arg4[%dma_wait3A_1671, %dma_wait3A_1677, %dma_wait3A_1678] : memref<50x16384x32xf32, #tpu.memory_space<hbm>> -> memref<1x128x32xf32, #tpu.memory_space<hbm>>
      %dma_wait3A_1680 = tpu.memref_squeeze %dma_wait3A_1679 : memref<1x128x32xf32, #tpu.memory_space<hbm>> -> memref<128x32xf32, #tpu.memory_space<hbm>>
      %dma_wait3A_1681 = tpu.memref_slice %arg8[%dma_wait3A_1672] : memref<8x!tpu.dma_semaphore, #tpu.memory_space<semaphore_mem>> -> memref<1x!tpu.dma_semaphore, #tpu.memory_space<semaphore_mem>>
      %dma_wait3A_1682 = tpu.memref_squeeze %dma_wait3A_1681 : memref<1x!tpu.dma_semaphore, #tpu.memory_space<semaphore_mem>> -> memref<!tpu.dma_semaphore, #tpu.memory_space<semaphore_mem>>
      %dma_wait3A_1683 = arith.constant 0 : i32
      %dma_wait3A_1684 = arith.constant 0 : i32
      %dma_wait3A_1685 = tpu.memref_slice %arg4[%dma_wait3A_1671, %dma_wait3A_1683, %dma_wait3A_1684] : memref<50x16384x32xf32, #tpu.memory_space<hbm>> -> memref<1x128x32xf32, #tpu.memory_space<hbm>>
      %dma_wait3A_1686 = tpu.memref_squeeze %dma_wait3A_1685 : memref<1x128x32xf32, #tpu.memory_space<hbm>> -> memref<128x32xf32, #tpu.memory_space<hbm>>
      %dma_wait3A_1687 = arith.constant 0 : i32
      %dma_wait3A_1688 = arith.constant 0 : i32
      %dma_wait3A_1689 = tpu.memref_slice %arg6[%dma_wait3A_1670, %dma_wait3A_1687, %dma_wait3A_1688] : memref<8x128x32xf32, #tpu.memory_space<vmem>> -> memref<1x128x32xf32, #tpu.memory_space<vmem>>
      %dma_wait3A_1690 = tpu.memref_squeeze %dma_wait3A_1689 : memref<1x128x32xf32, #tpu.memory_space<vmem>> -> memref<128x32xf32, #tpu.memory_space<vmem>>
      tpu.wait_dma2 semaphore(%dma_wait3A_1682 : memref<!tpu.dma_semaphore, #tpu.memory_space<semaphore_mem>>) src(%dma_wait3A_1690 : memref<128x32xf32, #tpu.memory_space<vmem>>) dst(%dma_wait3A_1686 : memref<128x32xf32, #tpu.memory_space<hbm>>)
      %add3A_1691 = arith.constant 4 : i32
      %add3A_1692 = arith.addi %add3A_1669, %add3A_1691 : i32
      %mul3A_1693 = arith.constant 128 : i32
      %mul3A_1694 = arith.muli %add3A_1692, %mul3A_1693 : i32
      %dma_start3A_1695 = arith.constant 6 : i32
      %dma_start3A_1696 = arith.constant 6 : i32
      %dma_start3A_1697 = arith.constant 0 : i32
      %dma_start3A_1698 = arith.constant 0 : i32
      %dma_start3A_1699 = tpu.memref_slice %arg6[%dma_start3A_1695, %dma_start3A_1697, %dma_start3A_1698] : memref<8x128x32xf32, #tpu.memory_space<vmem>> -> memref<1x128x32xf32, #tpu.memory_space<vmem>>
      %dma_start3A_1700 = tpu.memref_squeeze %dma_start3A_1699 : memref<1x128x32xf32, #tpu.memory_space<vmem>> -> memref<128x32xf32, #tpu.memory_space<vmem>>
      %dma_start3A_1701 = tpu.memref_slice %arg5[%mul3A_1694] : memref<25600xi32, #tpu.memory_space<vmem>> -> memref<128xi32, #tpu.memory_space<vmem>>
      %dma_start3A_1702 = arith.constant 0 : i32
      %dma_start3A_1703 = arith.constant 0 : i32
      %dma_start3A_1704 = tpu.memref_slice %arg3[%dma_start3A_1702, %dma_start3A_1703] : memref<1001472x32xf32, #tpu.memory_space<hbm>> -> memref<1001472x32xf32, #tpu.memory_space<hbm>>
      %dma_start3A_1705 = tpu.memref_slice %arg7[%dma_start3A_1696] : memref<8x!tpu.dma_semaphore, #tpu.memory_space<semaphore_mem>> -> memref<1x!tpu.dma_semaphore, #tpu.memory_space<semaphore_mem>>
      %dma_start3A_1706 = tpu.memref_squeeze %dma_start3A_1705 : memref<1x!tpu.dma_semaphore, #tpu.memory_space<semaphore_mem>> -> memref<!tpu.dma_semaphore, #tpu.memory_space<semaphore_mem>>
      tpu.enqueue_indirect_dma source(%dma_start3A_1704 : memref<1001472x32xf32, #tpu.memory_space<hbm>>) target(%dma_start3A_1700 : memref<128x32xf32, #tpu.memory_space<vmem>>) offsets(%dma_start3A_1701 : memref<128xi32, #tpu.memory_space<vmem>>) semaphore(%dma_start3A_1706 : memref<!tpu.dma_semaphore, #tpu.memory_space<semaphore_mem>>)
      %dma_wait3A_1707 = arith.constant 0 : i32
      %dma_wait3A_1708 = arith.constant 2 : i32
      %dma_wait3A_1709 = arith.constant 2 : i32
      %dma_wait3A_1710 = arith.constant 0 : i32
      %dma_wait3A_1711 = arith.constant 0 : i32
      %dma_wait3A_1712 = tpu.memref_slice %arg6[%dma_wait3A_1708, %dma_wait3A_1710, %dma_wait3A_1711] : memref<8x128x32xf32, #tpu.memory_space<vmem>> -> memref<1x128x32xf32, #tpu.memory_space<vmem>>
      %dma_wait3A_1713 = tpu.memref_squeeze %dma_wait3A_1712 : memref<1x128x32xf32, #tpu.memory_space<vmem>> -> memref<128x32xf32, #tpu.memory_space<vmem>>
      %dma_wait3A_1714 = arith.constant 0 : i32
      %dma_wait3A_1715 = arith.constant 0 : i32
      %dma_wait3A_1716 = tpu.memref_slice %arg4[%dma_wait3A_1707, %dma_wait3A_1714, %dma_wait3A_1715] : memref<50x16384x32xf32, #tpu.memory_space<hbm>> -> memref<1x128x32xf32, #tpu.memory_space<hbm>>
      %dma_wait3A_1717 = tpu.memref_squeeze %dma_wait3A_1716 : memref<1x128x32xf32, #tpu.memory_space<hbm>> -> memref<128x32xf32, #tpu.memory_space<hbm>>
      %dma_wait3A_1718 = tpu.memref_slice %arg7[%dma_wait3A_1709] : memref<8x!tpu.dma_semaphore, #tpu.memory_space<semaphore_mem>> -> memref<1x!tpu.dma_semaphore, #tpu.memory_space<semaphore_mem>>
      %dma_wait3A_1719 = tpu.memref_squeeze %dma_wait3A_1718 : memref<1x!tpu.dma_semaphore, #tpu.memory_space<semaphore_mem>> -> memref<!tpu.dma_semaphore, #tpu.memory_space<semaphore_mem>>
      %dma_wait3A_1720 = arith.constant 0 : i32
      %dma_wait3A_1721 = arith.constant 0 : i32
      %dma_wait3A_1722 = tpu.memref_slice %arg6[%dma_wait3A_1708, %dma_wait3A_1720, %dma_wait3A_1721] : memref<8x128x32xf32, #tpu.memory_space<vmem>> -> memref<1x128x32xf32, #tpu.memory_space<vmem>>
      %dma_wait3A_1723 = tpu.memref_squeeze %dma_wait3A_1722 : memref<1x128x32xf32, #tpu.memory_space<vmem>> -> memref<128x32xf32, #tpu.memory_space<vmem>>
      %dma_wait3A_1724 = arith.constant 0 : i32
      %dma_wait3A_1725 = arith.constant 0 : i32
      %dma_wait3A_1726 = tpu.memref_slice %arg4[%dma_wait3A_1707, %dma_wait3A_1724, %dma_wait3A_1725] : memref<50x16384x32xf32, #tpu.memory_space<hbm>> -> memref<1x128x32xf32, #tpu.memory_space<hbm>>
      %dma_wait3A_1727 = tpu.memref_squeeze %dma_wait3A_1726 : memref<1x128x32xf32, #tpu.memory_space<hbm>> -> memref<128x32xf32, #tpu.memory_space<hbm>>
      tpu.wait_dma2 semaphore(%dma_wait3A_1719 : memref<!tpu.dma_semaphore, #tpu.memory_space<semaphore_mem>>) src(%dma_wait3A_1727 : memref<128x32xf32, #tpu.memory_space<hbm>>) dst(%dma_wait3A_1723 : memref<128x32xf32, #tpu.memory_space<vmem>>)
      %add3A_1728 = arith.addi %mul3A_2, %add3A_1669 : i32
      %jit3A_1729 = arith.constant 128 : i32
      %div3A_1730 = arith.divsi %add3A_1728, %jit3A_1729 : i32
      %sign3A_1731 = arith.constant 0 : i32
      %sign3A_1732 = arith.cmpi sgt, %add3A_1728, %sign3A_1731 : i32
      %sign3A_1733 = arith.extui %sign3A_1732 : i1 to i32
      %sign3A_1734 = arith.constant 0 : i32
      %sign3A_1735 = arith.cmpi slt, %add3A_1728, %sign3A_1734 : i32
      %sign3A_1736 = arith.extui %sign3A_1735 : i1 to i32
      %sign3A_1737 = arith.subi %sign3A_1733, %sign3A_1736 : i32
      %sign3A_1738 = arith.constant 0 : i32
      %sign3A_1739 = arith.cmpi sgt, %jit3A_1729, %sign3A_1738 : i32
      %sign3A_1740 = arith.extui %sign3A_1739 : i1 to i32
      %sign3A_1741 = arith.constant 0 : i32
      %sign3A_1742 = arith.cmpi slt, %jit3A_1729, %sign3A_1741 : i32
      %sign3A_1743 = arith.extui %sign3A_1742 : i1 to i32
      %sign3A_1744 = arith.subi %sign3A_1740, %sign3A_1743 : i32
      %ne3A_1745 = arith.cmpi ne, %sign3A_1737, %sign3A_1744 : i32
      %rem3A_1746 = arith.remsi %add3A_1728, %jit3A_1729 : i32
      %ne3A_1747 = arith.constant 0 : i32
      %ne3A_1748 = arith.cmpi ne, %rem3A_1746, %ne3A_1747 : i32
      %and3A_1749 = arith.andi %ne3A_1745, %ne3A_1748 : i1
      %sub3A_1750 = arith.constant 1 : i32
      %sub3A_1751 = arith.subi %div3A_1730, %sub3A_1750 : i32
      %select_n3A_1752 = arith.select %and3A_1749, %sub3A_1751, %div3A_1730 : i32
      %jit3A_1753 = arith.constant 128 : i32
      %eq3A_1754 = arith.constant 0 : i32
      %eq3A_1755 = arith.cmpi eq, %jit3A_1753, %eq3A_1754 : i32
      %jit3A_1756 = arith.constant 1 : i32
      %select_n3A_1757 = arith.select %eq3A_1755, %jit3A_1756, %jit3A_1753 : i32
      %rem3A_1758 = arith.remsi %add3A_1728, %select_n3A_1757 : i32
      %ne3A_1759 = arith.constant 0 : i32
      %ne3A_1760 = arith.cmpi ne, %rem3A_1758, %ne3A_1759 : i32
      %lt3A_1761 = arith.constant 0 : i32
      %lt3A_1762 = arith.cmpi slt, %rem3A_1758, %lt3A_1761 : i32
      %lt3A_1763 = arith.constant 0 : i32
      %lt3A_1764 = arith.cmpi slt, %select_n3A_1757, %lt3A_1763 : i32
      %ne3A_1765 = arith.xori %lt3A_1762, %lt3A_1764 : i1
      %and3A_1766 = arith.andi %ne3A_1765, %ne3A_1760 : i1
      %add3A_1767 = arith.addi %rem3A_1758, %select_n3A_1757 : i32
      %select_n3A_1768 = arith.select %and3A_1766, %add3A_1767, %rem3A_1758 : i32
      %mul3A_1769 = arith.constant 128 : i32
      %mul3A_1770 = arith.muli %select_n3A_1768, %mul3A_1769 : i32
      %dma_start3A_1771 = arith.constant 2 : i32
      %dma_start3A_1772 = arith.constant 2 : i32
      %dma_start3A_1773 = arith.constant 0 : i32
      %dma_start3A_1774 = arith.constant 0 : i32
      %dma_start3A_1775 = tpu.memref_slice %arg6[%dma_start3A_1771, %dma_start3A_1773, %dma_start3A_1774] : memref<8x128x32xf32, #tpu.memory_space<vmem>> -> memref<1x128x32xf32, #tpu.memory_space<vmem>>
      %dma_start3A_1776 = tpu.memref_squeeze %dma_start3A_1775 : memref<1x128x32xf32, #tpu.memory_space<vmem>> -> memref<128x32xf32, #tpu.memory_space<vmem>>
      %dma_start3A_1777 = arith.constant 0 : i32
      %dma_start3A_1778 = tpu.memref_slice %arg4[%select_n3A_1752, %mul3A_1770, %dma_start3A_1777] : memref<50x16384x32xf32, #tpu.memory_space<hbm>> -> memref<1x128x32xf32, #tpu.memory_space<hbm>>
      %dma_start3A_1779 = tpu.memref_squeeze %dma_start3A_1778 : memref<1x128x32xf32, #tpu.memory_space<hbm>> -> memref<128x32xf32, #tpu.memory_space<hbm>>
      %dma_start3A_1780 = tpu.memref_slice %arg8[%dma_start3A_1772] : memref<8x!tpu.dma_semaphore, #tpu.memory_space<semaphore_mem>> -> memref<1x!tpu.dma_semaphore, #tpu.memory_space<semaphore_mem>>
      %dma_start3A_1781 = tpu.memref_squeeze %dma_start3A_1780 : memref<1x!tpu.dma_semaphore, #tpu.memory_space<semaphore_mem>> -> memref<!tpu.dma_semaphore, #tpu.memory_space<semaphore_mem>>
      %dma_start3A_1782 = arith.constant 0 : i32
      %dma_start3A_1783 = tpu.memref_slice %arg4[%select_n3A_1752, %mul3A_1770, %dma_start3A_1782] : memref<50x16384x32xf32, #tpu.memory_space<hbm>> -> memref<1x128x32xf32, #tpu.memory_space<hbm>>
      %dma_start3A_1784 = tpu.memref_squeeze %dma_start3A_1783 : memref<1x128x32xf32, #tpu.memory_space<hbm>> -> memref<128x32xf32, #tpu.memory_space<hbm>>
      %dma_start3A_1785 = arith.constant 0 : i32
      %dma_start3A_1786 = arith.constant 0 : i32
      %dma_start3A_1787 = tpu.memref_slice %arg6[%dma_start3A_1771, %dma_start3A_1785, %dma_start3A_1786] : memref<8x128x32xf32, #tpu.memory_space<vmem>> -> memref<1x128x32xf32, #tpu.memory_space<vmem>>
      %dma_start3A_1788 = tpu.memref_squeeze %dma_start3A_1787 : memref<1x128x32xf32, #tpu.memory_space<vmem>> -> memref<128x32xf32, #tpu.memory_space<vmem>>
      tpu.enqueue_dma source(%dma_start3A_1788 : memref<128x32xf32, #tpu.memory_space<vmem>>) target(%dma_start3A_1784 : memref<128x32xf32, #tpu.memory_space<hbm>>) target_semaphore(%dma_start3A_1781 : memref<!tpu.dma_semaphore, #tpu.memory_space<semaphore_mem>>)
      %add3A_1789 = arith.constant 7 : i32
      %add3A_1790 = arith.addi %add3A_941, %add3A_1789 : i32
      %dma_wait3A_1791 = arith.constant 7 : i32
      %dma_wait3A_1792 = arith.constant 0 : i32
      %dma_wait3A_1793 = arith.constant 7 : i32
      %dma_wait3A_1794 = arith.constant 0 : i32
      %dma_wait3A_1795 = arith.constant 0 : i32
      %dma_wait3A_1796 = tpu.memref_slice %arg6[%dma_wait3A_1791, %dma_wait3A_1794, %dma_wait3A_1795] : memref<8x128x32xf32, #tpu.memory_space<vmem>> -> memref<1x128x32xf32, #tpu.memory_space<vmem>>
      %dma_wait3A_1797 = tpu.memref_squeeze %dma_wait3A_1796 : memref<1x128x32xf32, #tpu.memory_space<vmem>> -> memref<128x32xf32, #tpu.memory_space<vmem>>
      %dma_wait3A_1798 = arith.constant 0 : i32
      %dma_wait3A_1799 = arith.constant 0 : i32
      %dma_wait3A_1800 = tpu.memref_slice %arg4[%dma_wait3A_1792, %dma_wait3A_1798, %dma_wait3A_1799] : memref<50x16384x32xf32, #tpu.memory_space<hbm>> -> memref<1x128x32xf32, #tpu.memory_space<hbm>>
      %dma_wait3A_1801 = tpu.memref_squeeze %dma_wait3A_1800 : memref<1x128x32xf32, #tpu.memory_space<hbm>> -> memref<128x32xf32, #tpu.memory_space<hbm>>
      %dma_wait3A_1802 = tpu.memref_slice %arg8[%dma_wait3A_1793] : memref<8x!tpu.dma_semaphore, #tpu.memory_space<semaphore_mem>> -> memref<1x!tpu.dma_semaphore, #tpu.memory_space<semaphore_mem>>
      %dma_wait3A_1803 = tpu.memref_squeeze %dma_wait3A_1802 : memref<1x!tpu.dma_semaphore, #tpu.memory_space<semaphore_mem>> -> memref<!tpu.dma_semaphore, #tpu.memory_space<semaphore_mem>>
      %dma_wait3A_1804 = arith.constant 0 : i32
      %dma_wait3A_1805 = arith.constant 0 : i32
      %dma_wait3A_1806 = tpu.memref_slice %arg4[%dma_wait3A_1792, %dma_wait3A_1804, %dma_wait3A_1805] : memref<50x16384x32xf32, #tpu.memory_space<hbm>> -> memref<1x128x32xf32, #tpu.memory_space<hbm>>
      %dma_wait3A_1807 = tpu.memref_squeeze %dma_wait3A_1806 : memref<1x128x32xf32, #tpu.memory_space<hbm>> -> memref<128x32xf32, #tpu.memory_space<hbm>>
      %dma_wait3A_1808 = arith.constant 0 : i32
      %dma_wait3A_1809 = arith.constant 0 : i32
      %dma_wait3A_1810 = tpu.memref_slice %arg6[%dma_wait3A_1791, %dma_wait3A_1808, %dma_wait3A_1809] : memref<8x128x32xf32, #tpu.memory_space<vmem>> -> memref<1x128x32xf32, #tpu.memory_space<vmem>>
      %dma_wait3A_1811 = tpu.memref_squeeze %dma_wait3A_1810 : memref<1x128x32xf32, #tpu.memory_space<vmem>> -> memref<128x32xf32, #tpu.memory_space<vmem>>
      tpu.wait_dma2 semaphore(%dma_wait3A_1803 : memref<!tpu.dma_semaphore, #tpu.memory_space<semaphore_mem>>) src(%dma_wait3A_1811 : memref<128x32xf32, #tpu.memory_space<vmem>>) dst(%dma_wait3A_1807 : memref<128x32xf32, #tpu.memory_space<hbm>>)
      %add3A_1812 = arith.constant 4 : i32
      %add3A_1813 = arith.addi %add3A_1790, %add3A_1812 : i32
      %mul3A_1814 = arith.constant 128 : i32
      %mul3A_1815 = arith.muli %add3A_1813, %mul3A_1814 : i32
      %dma_start3A_1816 = arith.constant 7 : i32
      %dma_start3A_1817 = arith.constant 7 : i32
      %dma_start3A_1818 = arith.constant 0 : i32
      %dma_start3A_1819 = arith.constant 0 : i32
      %dma_start3A_1820 = tpu.memref_slice %arg6[%dma_start3A_1816, %dma_start3A_1818, %dma_start3A_1819] : memref<8x128x32xf32, #tpu.memory_space<vmem>> -> memref<1x128x32xf32, #tpu.memory_space<vmem>>
      %dma_start3A_1821 = tpu.memref_squeeze %dma_start3A_1820 : memref<1x128x32xf32, #tpu.memory_space<vmem>> -> memref<128x32xf32, #tpu.memory_space<vmem>>
      %dma_start3A_1822 = tpu.memref_slice %arg5[%mul3A_1815] : memref<25600xi32, #tpu.memory_space<vmem>> -> memref<128xi32, #tpu.memory_space<vmem>>
      %dma_start3A_1823 = arith.constant 0 : i32
      %dma_start3A_1824 = arith.constant 0 : i32
      %dma_start3A_1825 = tpu.memref_slice %arg3[%dma_start3A_1823, %dma_start3A_1824] : memref<1001472x32xf32, #tpu.memory_space<hbm>> -> memref<1001472x32xf32, #tpu.memory_space<hbm>>
      %dma_start3A_1826 = tpu.memref_slice %arg7[%dma_start3A_1817] : memref<8x!tpu.dma_semaphore, #tpu.memory_space<semaphore_mem>> -> memref<1x!tpu.dma_semaphore, #tpu.memory_space<semaphore_mem>>
      %dma_start3A_1827 = tpu.memref_squeeze %dma_start3A_1826 : memref<1x!tpu.dma_semaphore, #tpu.memory_space<semaphore_mem>> -> memref<!tpu.dma_semaphore, #tpu.memory_space<semaphore_mem>>
      tpu.enqueue_indirect_dma source(%dma_start3A_1825 : memref<1001472x32xf32, #tpu.memory_space<hbm>>) target(%dma_start3A_1821 : memref<128x32xf32, #tpu.memory_space<vmem>>) offsets(%dma_start3A_1822 : memref<128xi32, #tpu.memory_space<vmem>>) semaphore(%dma_start3A_1827 : memref<!tpu.dma_semaphore, #tpu.memory_space<semaphore_mem>>)
      %dma_wait3A_1828 = arith.constant 0 : i32
      %dma_wait3A_1829 = arith.constant 3 : i32
      %dma_wait3A_1830 = arith.constant 3 : i32
      %dma_wait3A_1831 = arith.constant 0 : i32
      %dma_wait3A_1832 = arith.constant 0 : i32
      %dma_wait3A_1833 = tpu.memref_slice %arg6[%dma_wait3A_1829, %dma_wait3A_1831, %dma_wait3A_1832] : memref<8x128x32xf32, #tpu.memory_space<vmem>> -> memref<1x128x32xf32, #tpu.memory_space<vmem>>
      %dma_wait3A_1834 = tpu.memref_squeeze %dma_wait3A_1833 : memref<1x128x32xf32, #tpu.memory_space<vmem>> -> memref<128x32xf32, #tpu.memory_space<vmem>>
      %dma_wait3A_1835 = arith.constant 0 : i32
      %dma_wait3A_1836 = arith.constant 0 : i32
      %dma_wait3A_1837 = tpu.memref_slice %arg4[%dma_wait3A_1828, %dma_wait3A_1835, %dma_wait3A_1836] : memref<50x16384x32xf32, #tpu.memory_space<hbm>> -> memref<1x128x32xf32, #tpu.memory_space<hbm>>
      %dma_wait3A_1838 = tpu.memref_squeeze %dma_wait3A_1837 : memref<1x128x32xf32, #tpu.memory_space<hbm>> -> memref<128x32xf32, #tpu.memory_space<hbm>>
      %dma_wait3A_1839 = tpu.memref_slice %arg7[%dma_wait3A_1830] : memref<8x!tpu.dma_semaphore, #tpu.memory_space<semaphore_mem>> -> memref<1x!tpu.dma_semaphore, #tpu.memory_space<semaphore_mem>>
      %dma_wait3A_1840 = tpu.memref_squeeze %dma_wait3A_1839 : memref<1x!tpu.dma_semaphore, #tpu.memory_space<semaphore_mem>> -> memref<!tpu.dma_semaphore, #tpu.memory_space<semaphore_mem>>
      %dma_wait3A_1841 = arith.constant 0 : i32
      %dma_wait3A_1842 = arith.constant 0 : i32
      %dma_wait3A_1843 = tpu.memref_slice %arg6[%dma_wait3A_1829, %dma_wait3A_1841, %dma_wait3A_1842] : memref<8x128x32xf32, #tpu.memory_space<vmem>> -> memref<1x128x32xf32, #tpu.memory_space<vmem>>
      %dma_wait3A_1844 = tpu.memref_squeeze %dma_wait3A_1843 : memref<1x128x32xf32, #tpu.memory_space<vmem>> -> memref<128x32xf32, #tpu.memory_space<vmem>>
      %dma_wait3A_1845 = arith.constant 0 : i32
      %dma_wait3A_1846 = arith.constant 0 : i32
      %dma_wait3A_1847 = tpu.memref_slice %arg4[%dma_wait3A_1828, %dma_wait3A_1845, %dma_wait3A_1846] : memref<50x16384x32xf32, #tpu.memory_space<hbm>> -> memref<1x128x32xf32, #tpu.memory_space<hbm>>
      %dma_wait3A_1848 = tpu.memref_squeeze %dma_wait3A_1847 : memref<1x128x32xf32, #tpu.memory_space<hbm>> -> memref<128x32xf32, #tpu.memory_space<hbm>>
      tpu.wait_dma2 semaphore(%dma_wait3A_1840 : memref<!tpu.dma_semaphore, #tpu.memory_space<semaphore_mem>>) src(%dma_wait3A_1848 : memref<128x32xf32, #tpu.memory_space<hbm>>) dst(%dma_wait3A_1844 : memref<128x32xf32, #tpu.memory_space<vmem>>)
      %add3A_1849 = arith.addi %mul3A_2, %add3A_1790 : i32
      %jit3A_1850 = arith.constant 128 : i32
      %div3A_1851 = arith.divsi %add3A_1849, %jit3A_1850 : i32
      %sign3A_1852 = arith.constant 0 : i32
      %sign3A_1853 = arith.cmpi sgt, %add3A_1849, %sign3A_1852 : i32
      %sign3A_1854 = arith.extui %sign3A_1853 : i1 to i32
      %sign3A_1855 = arith.constant 0 : i32
      %sign3A_1856 = arith.cmpi slt, %add3A_1849, %sign3A_1855 : i32
      %sign3A_1857 = arith.extui %sign3A_1856 : i1 to i32
      %sign3A_1858 = arith.subi %sign3A_1854, %sign3A_1857 : i32
      %sign3A_1859 = arith.constant 0 : i32
      %sign3A_1860 = arith.cmpi sgt, %jit3A_1850, %sign3A_1859 : i32
      %sign3A_1861 = arith.extui %sign3A_1860 : i1 to i32
      %sign3A_1862 = arith.constant 0 : i32
      %sign3A_1863 = arith.cmpi slt, %jit3A_1850, %sign3A_1862 : i32
      %sign3A_1864 = arith.extui %sign3A_1863 : i1 to i32
      %sign3A_1865 = arith.subi %sign3A_1861, %sign3A_1864 : i32
      %ne3A_1866 = arith.cmpi ne, %sign3A_1858, %sign3A_1865 : i32
      %rem3A_1867 = arith.remsi %add3A_1849, %jit3A_1850 : i32
      %ne3A_1868 = arith.constant 0 : i32
      %ne3A_1869 = arith.cmpi ne, %rem3A_1867, %ne3A_1868 : i32
      %and3A_1870 = arith.andi %ne3A_1866, %ne3A_1869 : i1
      %sub3A_1871 = arith.constant 1 : i32
      %sub3A_1872 = arith.subi %div3A_1851, %sub3A_1871 : i32
      %select_n3A_1873 = arith.select %and3A_1870, %sub3A_1872, %div3A_1851 : i32
      %jit3A_1874 = arith.constant 128 : i32
      %eq3A_1875 = arith.constant 0 : i32
      %eq3A_1876 = arith.cmpi eq, %jit3A_1874, %eq3A_1875 : i32
      %jit3A_1877 = arith.constant 1 : i32
      %select_n3A_1878 = arith.select %eq3A_1876, %jit3A_1877, %jit3A_1874 : i32
      %rem3A_1879 = arith.remsi %add3A_1849, %select_n3A_1878 : i32
      %ne3A_1880 = arith.constant 0 : i32
      %ne3A_1881 = arith.cmpi ne, %rem3A_1879, %ne3A_1880 : i32
      %lt3A_1882 = arith.constant 0 : i32
      %lt3A_1883 = arith.cmpi slt, %rem3A_1879, %lt3A_1882 : i32
      %lt3A_1884 = arith.constant 0 : i32
      %lt3A_1885 = arith.cmpi slt, %select_n3A_1878, %lt3A_1884 : i32
      %ne3A_1886 = arith.xori %lt3A_1883, %lt3A_1885 : i1
      %and3A_1887 = arith.andi %ne3A_1886, %ne3A_1881 : i1
      %add3A_1888 = arith.addi %rem3A_1879, %select_n3A_1878 : i32
      %select_n3A_1889 = arith.select %and3A_1887, %add3A_1888, %rem3A_1879 : i32
      %mul3A_1890 = arith.constant 128 : i32
      %mul3A_1891 = arith.muli %select_n3A_1889, %mul3A_1890 : i32
      %dma_start3A_1892 = arith.constant 3 : i32
      %dma_start3A_1893 = arith.constant 3 : i32
      %dma_start3A_1894 = arith.constant 0 : i32
      %dma_start3A_1895 = arith.constant 0 : i32
      %dma_start3A_1896 = tpu.memref_slice %arg6[%dma_start3A_1892, %dma_start3A_1894, %dma_start3A_1895] : memref<8x128x32xf32, #tpu.memory_space<vmem>> -> memref<1x128x32xf32, #tpu.memory_space<vmem>>
      %dma_start3A_1897 = tpu.memref_squeeze %dma_start3A_1896 : memref<1x128x32xf32, #tpu.memory_space<vmem>> -> memref<128x32xf32, #tpu.memory_space<vmem>>
      %dma_start3A_1898 = arith.constant 0 : i32
      %dma_start3A_1899 = tpu.memref_slice %arg4[%select_n3A_1873, %mul3A_1891, %dma_start3A_1898] : memref<50x16384x32xf32, #tpu.memory_space<hbm>> -> memref<1x128x32xf32, #tpu.memory_space<hbm>>
      %dma_start3A_1900 = tpu.memref_squeeze %dma_start3A_1899 : memref<1x128x32xf32, #tpu.memory_space<hbm>> -> memref<128x32xf32, #tpu.memory_space<hbm>>
      %dma_start3A_1901 = tpu.memref_slice %arg8[%dma_start3A_1893] : memref<8x!tpu.dma_semaphore, #tpu.memory_space<semaphore_mem>> -> memref<1x!tpu.dma_semaphore, #tpu.memory_space<semaphore_mem>>
      %dma_start3A_1902 = tpu.memref_squeeze %dma_start3A_1901 : memref<1x!tpu.dma_semaphore, #tpu.memory_space<semaphore_mem>> -> memref<!tpu.dma_semaphore, #tpu.memory_space<semaphore_mem>>
      %dma_start3A_1903 = arith.constant 0 : i32
      %dma_start3A_1904 = tpu.memref_slice %arg4[%select_n3A_1873, %mul3A_1891, %dma_start3A_1903] : memref<50x16384x32xf32, #tpu.memory_space<hbm>> -> memref<1x128x32xf32, #tpu.memory_space<hbm>>
      %dma_start3A_1905 = tpu.memref_squeeze %dma_start3A_1904 : memref<1x128x32xf32, #tpu.memory_space<hbm>> -> memref<128x32xf32, #tpu.memory_space<hbm>>
      %dma_start3A_1906 = arith.constant 0 : i32
      %dma_start3A_1907 = arith.constant 0 : i32
      %dma_start3A_1908 = tpu.memref_slice %arg6[%dma_start3A_1892, %dma_start3A_1906, %dma_start3A_1907] : memref<8x128x32xf32, #tpu.memory_space<vmem>> -> memref<1x128x32xf32, #tpu.memory_space<vmem>>
      %dma_start3A_1909 = tpu.memref_squeeze %dma_start3A_1908 : memref<1x128x32xf32, #tpu.memory_space<vmem>> -> memref<128x32xf32, #tpu.memory_space<vmem>>
      tpu.enqueue_dma source(%dma_start3A_1909 : memref<128x32xf32, #tpu.memory_space<vmem>>) target(%dma_start3A_1905 : memref<128x32xf32, #tpu.memory_space<hbm>>) target_semaphore(%dma_start3A_1902 : memref<!tpu.dma_semaphore, #tpu.memory_space<semaphore_mem>>)
    }
    %scan3A_432 = arith.constant 24 : i32
    %dma_wait3A_433 = arith.constant 0 : i32
    %dma_wait3A_434 = arith.constant 4 : i32
    %dma_wait3A_435 = arith.constant 4 : i32
    %dma_wait3A_436 = arith.constant 0 : i32
    %dma_wait3A_437 = arith.constant 0 : i32
    %dma_wait3A_438 = tpu.memref_slice %arg6[%dma_wait3A_434, %dma_wait3A_436, %dma_wait3A_437] : memref<8x128x32xf32, #tpu.memory_space<vmem>> -> memref<1x128x32xf32, #tpu.memory_space<vmem>>
    %dma_wait3A_439 = tpu.memref_squeeze %dma_wait3A_438 : memref<1x128x32xf32, #tpu.memory_space<vmem>> -> memref<128x32xf32, #tpu.memory_space<vmem>>
    %dma_wait3A_440 = arith.constant 0 : i32
    %dma_wait3A_441 = arith.constant 0 : i32
    %dma_wait3A_442 = tpu.memref_slice %arg4[%dma_wait3A_433, %dma_wait3A_440, %dma_wait3A_441] : memref<50x16384x32xf32, #tpu.memory_space<hbm>> -> memref<1x128x32xf32, #tpu.memory_space<hbm>>
    %dma_wait3A_443 = tpu.memref_squeeze %dma_wait3A_442 : memref<1x128x32xf32, #tpu.memory_space<hbm>> -> memref<128x32xf32, #tpu.memory_space<hbm>>
    %dma_wait3A_444 = tpu.memref_slice %arg7[%dma_wait3A_435] : memref<8x!tpu.dma_semaphore, #tpu.memory_space<semaphore_mem>> -> memref<1x!tpu.dma_semaphore, #tpu.memory_space<semaphore_mem>>
    %dma_wait3A_445 = tpu.memref_squeeze %dma_wait3A_444 : memref<1x!tpu.dma_semaphore, #tpu.memory_space<semaphore_mem>> -> memref<!tpu.dma_semaphore, #tpu.memory_space<semaphore_mem>>
    %dma_wait3A_446 = arith.constant 0 : i32
    %dma_wait3A_447 = arith.constant 0 : i32
    %dma_wait3A_448 = tpu.memref_slice %arg6[%dma_wait3A_434, %dma_wait3A_446, %dma_wait3A_447] : memref<8x128x32xf32, #tpu.memory_space<vmem>> -> memref<1x128x32xf32, #tpu.memory_space<vmem>>
    %dma_wait3A_449 = tpu.memref_squeeze %dma_wait3A_448 : memref<1x128x32xf32, #tpu.memory_space<vmem>> -> memref<128x32xf32, #tpu.memory_space<vmem>>
    %dma_wait3A_450 = arith.constant 0 : i32
    %dma_wait3A_451 = arith.constant 0 : i32
    %dma_wait3A_452 = tpu.memref_slice %arg4[%dma_wait3A_433, %dma_wait3A_450, %dma_wait3A_451] : memref<50x16384x32xf32, #tpu.memory_space<hbm>> -> memref<1x128x32xf32, #tpu.memory_space<hbm>>
    %dma_wait3A_453 = tpu.memref_squeeze %dma_wait3A_452 : memref<1x128x32xf32, #tpu.memory_space<hbm>> -> memref<128x32xf32, #tpu.memory_space<hbm>>
    tpu.wait_dma2 semaphore(%dma_wait3A_445 : memref<!tpu.dma_semaphore, #tpu.memory_space<semaphore_mem>>) src(%dma_wait3A_453 : memref<128x32xf32, #tpu.memory_space<hbm>>) dst(%dma_wait3A_449 : memref<128x32xf32, #tpu.memory_space<vmem>>)
    %add3A_454 = arith.constant 196 : i32
    %add3A_455 = arith.addi %mul3A_2, %add3A_454 : i32
    %jit3A_456 = arith.constant 128 : i32
    %div3A_457 = arith.divsi %add3A_455, %jit3A_456 : i32
    %sign3A_458 = arith.constant 0 : i32
    %sign3A_459 = arith.cmpi sgt, %add3A_455, %sign3A_458 : i32
    %sign3A_460 = arith.extui %sign3A_459 : i1 to i32
    %sign3A_461 = arith.constant 0 : i32
    %sign3A_462 = arith.cmpi slt, %add3A_455, %sign3A_461 : i32
    %sign3A_463 = arith.extui %sign3A_462 : i1 to i32
    %sign3A_464 = arith.subi %sign3A_460, %sign3A_463 : i32
    %sign3A_465 = arith.constant 0 : i32
    %sign3A_466 = arith.cmpi sgt, %jit3A_456, %sign3A_465 : i32
    %sign3A_467 = arith.extui %sign3A_466 : i1 to i32
    %sign3A_468 = arith.constant 0 : i32
    %sign3A_469 = arith.cmpi slt, %jit3A_456, %sign3A_468 : i32
    %sign3A_470 = arith.extui %sign3A_469 : i1 to i32
    %sign3A_471 = arith.subi %sign3A_467, %sign3A_470 : i32
    %ne3A_472 = arith.cmpi ne, %sign3A_464, %sign3A_471 : i32
    %rem3A_473 = arith.remsi %add3A_455, %jit3A_456 : i32
    %ne3A_474 = arith.constant 0 : i32
    %ne3A_475 = arith.cmpi ne, %rem3A_473, %ne3A_474 : i32
    %and3A_476 = arith.andi %ne3A_472, %ne3A_475 : i1
    %sub3A_477 = arith.constant 1 : i32
    %sub3A_478 = arith.subi %div3A_457, %sub3A_477 : i32
    %select_n3A_479 = arith.select %and3A_476, %sub3A_478, %div3A_457 : i32
    %jit3A_480 = arith.constant 128 : i32
    %eq3A_481 = arith.constant 0 : i32
    %eq3A_482 = arith.cmpi eq, %jit3A_480, %eq3A_481 : i32
    %jit3A_483 = arith.constant 1 : i32
    %select_n3A_484 = arith.select %eq3A_482, %jit3A_483, %jit3A_480 : i32
    %rem3A_485 = arith.remsi %add3A_455, %select_n3A_484 : i32
    %ne3A_486 = arith.constant 0 : i32
    %ne3A_487 = arith.cmpi ne, %rem3A_485, %ne3A_486 : i32
    %lt3A_488 = arith.constant 0 : i32
    %lt3A_489 = arith.cmpi slt, %rem3A_485, %lt3A_488 : i32
    %lt3A_490 = arith.constant 0 : i32
    %lt3A_491 = arith.cmpi slt, %select_n3A_484, %lt3A_490 : i32
    %ne3A_492 = arith.xori %lt3A_489, %lt3A_491 : i1
    %and3A_493 = arith.andi %ne3A_492, %ne3A_487 : i1
    %add3A_494 = arith.addi %rem3A_485, %select_n3A_484 : i32
    %select_n3A_495 = arith.select %and3A_493, %add3A_494, %rem3A_485 : i32
    %mul3A_496 = arith.constant 128 : i32
    %mul3A_497 = arith.muli %select_n3A_495, %mul3A_496 : i32
    %dma_start3A_498 = arith.constant 4 : i32
    %dma_start3A_499 = arith.constant 4 : i32
    %dma_start3A_500 = arith.constant 0 : i32
    %dma_start3A_501 = arith.constant 0 : i32
    %dma_start3A_502 = tpu.memref_slice %arg6[%dma_start3A_498, %dma_start3A_500, %dma_start3A_501] : memref<8x128x32xf32, #tpu.memory_space<vmem>> -> memref<1x128x32xf32, #tpu.memory_space<vmem>>
    %dma_start3A_503 = tpu.memref_squeeze %dma_start3A_502 : memref<1x128x32xf32, #tpu.memory_space<vmem>> -> memref<128x32xf32, #tpu.memory_space<vmem>>
    %dma_start3A_504 = arith.constant 0 : i32
    %dma_start3A_505 = tpu.memref_slice %arg4[%select_n3A_479, %mul3A_497, %dma_start3A_504] : memref<50x16384x32xf32, #tpu.memory_space<hbm>> -> memref<1x128x32xf32, #tpu.memory_space<hbm>>
    %dma_start3A_506 = tpu.memref_squeeze %dma_start3A_505 : memref<1x128x32xf32, #tpu.memory_space<hbm>> -> memref<128x32xf32, #tpu.memory_space<hbm>>
    %dma_start3A_507 = tpu.memref_slice %arg8[%dma_start3A_499] : memref<8x!tpu.dma_semaphore, #tpu.memory_space<semaphore_mem>> -> memref<1x!tpu.dma_semaphore, #tpu.memory_space<semaphore_mem>>
    %dma_start3A_508 = tpu.memref_squeeze %dma_start3A_507 : memref<1x!tpu.dma_semaphore, #tpu.memory_space<semaphore_mem>> -> memref<!tpu.dma_semaphore, #tpu.memory_space<semaphore_mem>>
    %dma_start3A_509 = arith.constant 0 : i32
    %dma_start3A_510 = tpu.memref_slice %arg4[%select_n3A_479, %mul3A_497, %dma_start3A_509] : memref<50x16384x32xf32, #tpu.memory_space<hbm>> -> memref<1x128x32xf32, #tpu.memory_space<hbm>>
    %dma_start3A_511 = tpu.memref_squeeze %dma_start3A_510 : memref<1x128x32xf32, #tpu.memory_space<hbm>> -> memref<128x32xf32, #tpu.memory_space<hbm>>
    %dma_start3A_512 = arith.constant 0 : i32
    %dma_start3A_513 = arith.constant 0 : i32
    %dma_start3A_514 = tpu.memref_slice %arg6[%dma_start3A_498, %dma_start3A_512, %dma_start3A_513] : memref<8x128x32xf32, #tpu.memory_space<vmem>> -> memref<1x128x32xf32, #tpu.memory_space<vmem>>
    %dma_start3A_515 = tpu.memref_squeeze %dma_start3A_514 : memref<1x128x32xf32, #tpu.memory_space<vmem>> -> memref<128x32xf32, #tpu.memory_space<vmem>>
    tpu.enqueue_dma source(%dma_start3A_515 : memref<128x32xf32, #tpu.memory_space<vmem>>) target(%dma_start3A_511 : memref<128x32xf32, #tpu.memory_space<hbm>>) target_semaphore(%dma_start3A_508 : memref<!tpu.dma_semaphore, #tpu.memory_space<semaphore_mem>>)
    %dma_wait3A_516 = arith.constant 0 : i32
    %dma_wait3A_517 = arith.constant 5 : i32
    %dma_wait3A_518 = arith.constant 5 : i32
    %dma_wait3A_519 = arith.constant 0 : i32
    %dma_wait3A_520 = arith.constant 0 : i32
    %dma_wait3A_521 = tpu.memref_slice %arg6[%dma_wait3A_517, %dma_wait3A_519, %dma_wait3A_520] : memref<8x128x32xf32, #tpu.memory_space<vmem>> -> memref<1x128x32xf32, #tpu.memory_space<vmem>>
    %dma_wait3A_522 = tpu.memref_squeeze %dma_wait3A_521 : memref<1x128x32xf32, #tpu.memory_space<vmem>> -> memref<128x32xf32, #tpu.memory_space<vmem>>
    %dma_wait3A_523 = arith.constant 0 : i32
    %dma_wait3A_524 = arith.constant 0 : i32
    %dma_wait3A_525 = tpu.memref_slice %arg4[%dma_wait3A_516, %dma_wait3A_523, %dma_wait3A_524] : memref<50x16384x32xf32, #tpu.memory_space<hbm>> -> memref<1x128x32xf32, #tpu.memory_space<hbm>>
    %dma_wait3A_526 = tpu.memref_squeeze %dma_wait3A_525 : memref<1x128x32xf32, #tpu.memory_space<hbm>> -> memref<128x32xf32, #tpu.memory_space<hbm>>
    %dma_wait3A_527 = tpu.memref_slice %arg7[%dma_wait3A_518] : memref<8x!tpu.dma_semaphore, #tpu.memory_space<semaphore_mem>> -> memref<1x!tpu.dma_semaphore, #tpu.memory_space<semaphore_mem>>
    %dma_wait3A_528 = tpu.memref_squeeze %dma_wait3A_527 : memref<1x!tpu.dma_semaphore, #tpu.memory_space<semaphore_mem>> -> memref<!tpu.dma_semaphore, #tpu.memory_space<semaphore_mem>>
    %dma_wait3A_529 = arith.constant 0 : i32
    %dma_wait3A_530 = arith.constant 0 : i32
    %dma_wait3A_531 = tpu.memref_slice %arg6[%dma_wait3A_517, %dma_wait3A_529, %dma_wait3A_530] : memref<8x128x32xf32, #tpu.memory_space<vmem>> -> memref<1x128x32xf32, #tpu.memory_space<vmem>>
    %dma_wait3A_532 = tpu.memref_squeeze %dma_wait3A_531 : memref<1x128x32xf32, #tpu.memory_space<vmem>> -> memref<128x32xf32, #tpu.memory_space<vmem>>
    %dma_wait3A_533 = arith.constant 0 : i32
    %dma_wait3A_534 = arith.constant 0 : i32
    %dma_wait3A_535 = tpu.memref_slice %arg4[%dma_wait3A_516, %dma_wait3A_533, %dma_wait3A_534] : memref<50x16384x32xf32, #tpu.memory_space<hbm>> -> memref<1x128x32xf32, #tpu.memory_space<hbm>>
    %dma_wait3A_536 = tpu.memref_squeeze %dma_wait3A_535 : memref<1x128x32xf32, #tpu.memory_space<hbm>> -> memref<128x32xf32, #tpu.memory_space<hbm>>
    tpu.wait_dma2 semaphore(%dma_wait3A_528 : memref<!tpu.dma_semaphore, #tpu.memory_space<semaphore_mem>>) src(%dma_wait3A_536 : memref<128x32xf32, #tpu.memory_space<hbm>>) dst(%dma_wait3A_532 : memref<128x32xf32, #tpu.memory_space<vmem>>)
    %add3A_537 = arith.constant 197 : i32
    %add3A_538 = arith.addi %mul3A_2, %add3A_537 : i32
    %jit3A_539 = arith.constant 128 : i32
    %div3A_540 = arith.divsi %add3A_538, %jit3A_539 : i32
    %sign3A_541 = arith.constant 0 : i32
    %sign3A_542 = arith.cmpi sgt, %add3A_538, %sign3A_541 : i32
    %sign3A_543 = arith.extui %sign3A_542 : i1 to i32
    %sign3A_544 = arith.constant 0 : i32
    %sign3A_545 = arith.cmpi slt, %add3A_538, %sign3A_544 : i32
    %sign3A_546 = arith.extui %sign3A_545 : i1 to i32
    %sign3A_547 = arith.subi %sign3A_543, %sign3A_546 : i32
    %sign3A_548 = arith.constant 0 : i32
    %sign3A_549 = arith.cmpi sgt, %jit3A_539, %sign3A_548 : i32
    %sign3A_550 = arith.extui %sign3A_549 : i1 to i32
    %sign3A_551 = arith.constant 0 : i32
    %sign3A_552 = arith.cmpi slt, %jit3A_539, %sign3A_551 : i32
    %sign3A_553 = arith.extui %sign3A_552 : i1 to i32
    %sign3A_554 = arith.subi %sign3A_550, %sign3A_553 : i32
    %ne3A_555 = arith.cmpi ne, %sign3A_547, %sign3A_554 : i32
    %rem3A_556 = arith.remsi %add3A_538, %jit3A_539 : i32
    %ne3A_557 = arith.constant 0 : i32
    %ne3A_558 = arith.cmpi ne, %rem3A_556, %ne3A_557 : i32
    %and3A_559 = arith.andi %ne3A_555, %ne3A_558 : i1
    %sub3A_560 = arith.constant 1 : i32
    %sub3A_561 = arith.subi %div3A_540, %sub3A_560 : i32
    %select_n3A_562 = arith.select %and3A_559, %sub3A_561, %div3A_540 : i32
    %jit3A_563 = arith.constant 128 : i32
    %eq3A_564 = arith.constant 0 : i32
    %eq3A_565 = arith.cmpi eq, %jit3A_563, %eq3A_564 : i32
    %jit3A_566 = arith.constant 1 : i32
    %select_n3A_567 = arith.select %eq3A_565, %jit3A_566, %jit3A_563 : i32
    %rem3A_568 = arith.remsi %add3A_538, %select_n3A_567 : i32
    %ne3A_569 = arith.constant 0 : i32
    %ne3A_570 = arith.cmpi ne, %rem3A_568, %ne3A_569 : i32
    %lt3A_571 = arith.constant 0 : i32
    %lt3A_572 = arith.cmpi slt, %rem3A_568, %lt3A_571 : i32
    %lt3A_573 = arith.constant 0 : i32
    %lt3A_574 = arith.cmpi slt, %select_n3A_567, %lt3A_573 : i32
    %ne3A_575 = arith.xori %lt3A_572, %lt3A_574 : i1
    %and3A_576 = arith.andi %ne3A_575, %ne3A_570 : i1
    %add3A_577 = arith.addi %rem3A_568, %select_n3A_567 : i32
    %select_n3A_578 = arith.select %and3A_576, %add3A_577, %rem3A_568 : i32
    %mul3A_579 = arith.constant 128 : i32
    %mul3A_580 = arith.muli %select_n3A_578, %mul3A_579 : i32
    %dma_start3A_581 = arith.constant 5 : i32
    %dma_start3A_582 = arith.constant 5 : i32
    %dma_start3A_583 = arith.constant 0 : i32
    %dma_start3A_584 = arith.constant 0 : i32
    %dma_start3A_585 = tpu.memref_slice %arg6[%dma_start3A_581, %dma_start3A_583, %dma_start3A_584] : memref<8x128x32xf32, #tpu.memory_space<vmem>> -> memref<1x128x32xf32, #tpu.memory_space<vmem>>
    %dma_start3A_586 = tpu.memref_squeeze %dma_start3A_585 : memref<1x128x32xf32, #tpu.memory_space<vmem>> -> memref<128x32xf32, #tpu.memory_space<vmem>>
    %dma_start3A_587 = arith.constant 0 : i32
    %dma_start3A_588 = tpu.memref_slice %arg4[%select_n3A_562, %mul3A_580, %dma_start3A_587] : memref<50x16384x32xf32, #tpu.memory_space<hbm>> -> memref<1x128x32xf32, #tpu.memory_space<hbm>>
    %dma_start3A_589 = tpu.memref_squeeze %dma_start3A_588 : memref<1x128x32xf32, #tpu.memory_space<hbm>> -> memref<128x32xf32, #tpu.memory_space<hbm>>
    %dma_start3A_590 = tpu.memref_slice %arg8[%dma_start3A_582] : memref<8x!tpu.dma_semaphore, #tpu.memory_space<semaphore_mem>> -> memref<1x!tpu.dma_semaphore, #tpu.memory_space<semaphore_mem>>
    %dma_start3A_591 = tpu.memref_squeeze %dma_start3A_590 : memref<1x!tpu.dma_semaphore, #tpu.memory_space<semaphore_mem>> -> memref<!tpu.dma_semaphore, #tpu.memory_space<semaphore_mem>>
    %dma_start3A_592 = arith.constant 0 : i32
    %dma_start3A_593 = tpu.memref_slice %arg4[%select_n3A_562, %mul3A_580, %dma_start3A_592] : memref<50x16384x32xf32, #tpu.memory_space<hbm>> -> memref<1x128x32xf32, #tpu.memory_space<hbm>>
    %dma_start3A_594 = tpu.memref_squeeze %dma_start3A_593 : memref<1x128x32xf32, #tpu.memory_space<hbm>> -> memref<128x32xf32, #tpu.memory_space<hbm>>
    %dma_start3A_595 = arith.constant 0 : i32
    %dma_start3A_596 = arith.constant 0 : i32
    %dma_start3A_597 = tpu.memref_slice %arg6[%dma_start3A_581, %dma_start3A_595, %dma_start3A_596] : memref<8x128x32xf32, #tpu.memory_space<vmem>> -> memref<1x128x32xf32, #tpu.memory_space<vmem>>
    %dma_start3A_598 = tpu.memref_squeeze %dma_start3A_597 : memref<1x128x32xf32, #tpu.memory_space<vmem>> -> memref<128x32xf32, #tpu.memory_space<vmem>>
    tpu.enqueue_dma source(%dma_start3A_598 : memref<128x32xf32, #tpu.memory_space<vmem>>) target(%dma_start3A_594 : memref<128x32xf32, #tpu.memory_space<hbm>>) target_semaphore(%dma_start3A_591 : memref<!tpu.dma_semaphore, #tpu.memory_space<semaphore_mem>>)
    %dma_wait3A_599 = arith.constant 0 : i32
    %dma_wait3A_600 = arith.constant 6 : i32
    %dma_wait3A_601 = arith.constant 6 : i32
    %dma_wait3A_602 = arith.constant 0 : i32
    %dma_wait3A_603 = arith.constant 0 : i32
    %dma_wait3A_604 = tpu.memref_slice %arg6[%dma_wait3A_600, %dma_wait3A_602, %dma_wait3A_603] : memref<8x128x32xf32, #tpu.memory_space<vmem>> -> memref<1x128x32xf32, #tpu.memory_space<vmem>>
    %dma_wait3A_605 = tpu.memref_squeeze %dma_wait3A_604 : memref<1x128x32xf32, #tpu.memory_space<vmem>> -> memref<128x32xf32, #tpu.memory_space<vmem>>
    %dma_wait3A_606 = arith.constant 0 : i32
    %dma_wait3A_607 = arith.constant 0 : i32
    %dma_wait3A_608 = tpu.memref_slice %arg4[%dma_wait3A_599, %dma_wait3A_606, %dma_wait3A_607] : memref<50x16384x32xf32, #tpu.memory_space<hbm>> -> memref<1x128x32xf32, #tpu.memory_space<hbm>>
    %dma_wait3A_609 = tpu.memref_squeeze %dma_wait3A_608 : memref<1x128x32xf32, #tpu.memory_space<hbm>> -> memref<128x32xf32, #tpu.memory_space<hbm>>
    %dma_wait3A_610 = tpu.memref_slice %arg7[%dma_wait3A_601] : memref<8x!tpu.dma_semaphore, #tpu.memory_space<semaphore_mem>> -> memref<1x!tpu.dma_semaphore, #tpu.memory_space<semaphore_mem>>
    %dma_wait3A_611 = tpu.memref_squeeze %dma_wait3A_610 : memref<1x!tpu.dma_semaphore, #tpu.memory_space<semaphore_mem>> -> memref<!tpu.dma_semaphore, #tpu.memory_space<semaphore_mem>>
    %dma_wait3A_612 = arith.constant 0 : i32
    %dma_wait3A_613 = arith.constant 0 : i32
    %dma_wait3A_614 = tpu.memref_slice %arg6[%dma_wait3A_600, %dma_wait3A_612, %dma_wait3A_613] : memref<8x128x32xf32, #tpu.memory_space<vmem>> -> memref<1x128x32xf32, #tpu.memory_space<vmem>>
    %dma_wait3A_615 = tpu.memref_squeeze %dma_wait3A_614 : memref<1x128x32xf32, #tpu.memory_space<vmem>> -> memref<128x32xf32, #tpu.memory_space<vmem>>
    %dma_wait3A_616 = arith.constant 0 : i32
    %dma_wait3A_617 = arith.constant 0 : i32
    %dma_wait3A_618 = tpu.memref_slice %arg4[%dma_wait3A_599, %dma_wait3A_616, %dma_wait3A_617] : memref<50x16384x32xf32, #tpu.memory_space<hbm>> -> memref<1x128x32xf32, #tpu.memory_space<hbm>>
    %dma_wait3A_619 = tpu.memref_squeeze %dma_wait3A_618 : memref<1x128x32xf32, #tpu.memory_space<hbm>> -> memref<128x32xf32, #tpu.memory_space<hbm>>
    tpu.wait_dma2 semaphore(%dma_wait3A_611 : memref<!tpu.dma_semaphore, #tpu.memory_space<semaphore_mem>>) src(%dma_wait3A_619 : memref<128x32xf32, #tpu.memory_space<hbm>>) dst(%dma_wait3A_615 : memref<128x32xf32, #tpu.memory_space<vmem>>)
    %add3A_620 = arith.constant 198 : i32
    %add3A_621 = arith.addi %mul3A_2, %add3A_620 : i32
    %jit3A_622 = arith.constant 128 : i32
    %div3A_623 = arith.divsi %add3A_621, %jit3A_622 : i32
    %sign3A_624 = arith.constant 0 : i32
    %sign3A_625 = arith.cmpi sgt, %add3A_621, %sign3A_624 : i32
    %sign3A_626 = arith.extui %sign3A_625 : i1 to i32
    %sign3A_627 = arith.constant 0 : i32
    %sign3A_628 = arith.cmpi slt, %add3A_621, %sign3A_627 : i32
    %sign3A_629 = arith.extui %sign3A_628 : i1 to i32
    %sign3A_630 = arith.subi %sign3A_626, %sign3A_629 : i32
    %sign3A_631 = arith.constant 0 : i32
    %sign3A_632 = arith.cmpi sgt, %jit3A_622, %sign3A_631 : i32
    %sign3A_633 = arith.extui %sign3A_632 : i1 to i32
    %sign3A_634 = arith.constant 0 : i32
    %sign3A_635 = arith.cmpi slt, %jit3A_622, %sign3A_634 : i32
    %sign3A_636 = arith.extui %sign3A_635 : i1 to i32
    %sign3A_637 = arith.subi %sign3A_633, %sign3A_636 : i32
    %ne3A_638 = arith.cmpi ne, %sign3A_630, %sign3A_637 : i32
    %rem3A_639 = arith.remsi %add3A_621, %jit3A_622 : i32
    %ne3A_640 = arith.constant 0 : i32
    %ne3A_641 = arith.cmpi ne, %rem3A_639, %ne3A_640 : i32
    %and3A_642 = arith.andi %ne3A_638, %ne3A_641 : i1
    %sub3A_643 = arith.constant 1 : i32
    %sub3A_644 = arith.subi %div3A_623, %sub3A_643 : i32
    %select_n3A_645 = arith.select %and3A_642, %sub3A_644, %div3A_623 : i32
    %jit3A_646 = arith.constant 128 : i32
    %eq3A_647 = arith.constant 0 : i32
    %eq3A_648 = arith.cmpi eq, %jit3A_646, %eq3A_647 : i32
    %jit3A_649 = arith.constant 1 : i32
    %select_n3A_650 = arith.select %eq3A_648, %jit3A_649, %jit3A_646 : i32
    %rem3A_651 = arith.remsi %add3A_621, %select_n3A_650 : i32
    %ne3A_652 = arith.constant 0 : i32
    %ne3A_653 = arith.cmpi ne, %rem3A_651, %ne3A_652 : i32
    %lt3A_654 = arith.constant 0 : i32
    %lt3A_655 = arith.cmpi slt, %rem3A_651, %lt3A_654 : i32
    %lt3A_656 = arith.constant 0 : i32
    %lt3A_657 = arith.cmpi slt, %select_n3A_650, %lt3A_656 : i32
    %ne3A_658 = arith.xori %lt3A_655, %lt3A_657 : i1
    %and3A_659 = arith.andi %ne3A_658, %ne3A_653 : i1
    %add3A_660 = arith.addi %rem3A_651, %select_n3A_650 : i32
    %select_n3A_661 = arith.select %and3A_659, %add3A_660, %rem3A_651 : i32
    %mul3A_662 = arith.constant 128 : i32
    %mul3A_663 = arith.muli %select_n3A_661, %mul3A_662 : i32
    %dma_start3A_664 = arith.constant 6 : i32
    %dma_start3A_665 = arith.constant 6 : i32
    %dma_start3A_666 = arith.constant 0 : i32
    %dma_start3A_667 = arith.constant 0 : i32
    %dma_start3A_668 = tpu.memref_slice %arg6[%dma_start3A_664, %dma_start3A_666, %dma_start3A_667] : memref<8x128x32xf32, #tpu.memory_space<vmem>> -> memref<1x128x32xf32, #tpu.memory_space<vmem>>
    %dma_start3A_669 = tpu.memref_squeeze %dma_start3A_668 : memref<1x128x32xf32, #tpu.memory_space<vmem>> -> memref<128x32xf32, #tpu.memory_space<vmem>>
    %dma_start3A_670 = arith.constant 0 : i32
    %dma_start3A_671 = tpu.memref_slice %arg4[%select_n3A_645, %mul3A_663, %dma_start3A_670] : memref<50x16384x32xf32, #tpu.memory_space<hbm>> -> memref<1x128x32xf32, #tpu.memory_space<hbm>>
    %dma_start3A_672 = tpu.memref_squeeze %dma_start3A_671 : memref<1x128x32xf32, #tpu.memory_space<hbm>> -> memref<128x32xf32, #tpu.memory_space<hbm>>
    %dma_start3A_673 = tpu.memref_slice %arg8[%dma_start3A_665] : memref<8x!tpu.dma_semaphore, #tpu.memory_space<semaphore_mem>> -> memref<1x!tpu.dma_semaphore, #tpu.memory_space<semaphore_mem>>
    %dma_start3A_674 = tpu.memref_squeeze %dma_start3A_673 : memref<1x!tpu.dma_semaphore, #tpu.memory_space<semaphore_mem>> -> memref<!tpu.dma_semaphore, #tpu.memory_space<semaphore_mem>>
    %dma_start3A_675 = arith.constant 0 : i32
    %dma_start3A_676 = tpu.memref_slice %arg4[%select_n3A_645, %mul3A_663, %dma_start3A_675] : memref<50x16384x32xf32, #tpu.memory_space<hbm>> -> memref<1x128x32xf32, #tpu.memory_space<hbm>>
    %dma_start3A_677 = tpu.memref_squeeze %dma_start3A_676 : memref<1x128x32xf32, #tpu.memory_space<hbm>> -> memref<128x32xf32, #tpu.memory_space<hbm>>
    %dma_start3A_678 = arith.constant 0 : i32
    %dma_start3A_679 = arith.constant 0 : i32
    %dma_start3A_680 = tpu.memref_slice %arg6[%dma_start3A_664, %dma_start3A_678, %dma_start3A_679] : memref<8x128x32xf32, #tpu.memory_space<vmem>> -> memref<1x128x32xf32, #tpu.memory_space<vmem>>
    %dma_start3A_681 = tpu.memref_squeeze %dma_start3A_680 : memref<1x128x32xf32, #tpu.memory_space<vmem>> -> memref<128x32xf32, #tpu.memory_space<vmem>>
    tpu.enqueue_dma source(%dma_start3A_681 : memref<128x32xf32, #tpu.memory_space<vmem>>) target(%dma_start3A_677 : memref<128x32xf32, #tpu.memory_space<hbm>>) target_semaphore(%dma_start3A_674 : memref<!tpu.dma_semaphore, #tpu.memory_space<semaphore_mem>>)
    %dma_wait3A_682 = arith.constant 0 : i32
    %dma_wait3A_683 = arith.constant 7 : i32
    %dma_wait3A_684 = arith.constant 7 : i32
    %dma_wait3A_685 = arith.constant 0 : i32
    %dma_wait3A_686 = arith.constant 0 : i32
    %dma_wait3A_687 = tpu.memref_slice %arg6[%dma_wait3A_683, %dma_wait3A_685, %dma_wait3A_686] : memref<8x128x32xf32, #tpu.memory_space<vmem>> -> memref<1x128x32xf32, #tpu.memory_space<vmem>>
    %dma_wait3A_688 = tpu.memref_squeeze %dma_wait3A_687 : memref<1x128x32xf32, #tpu.memory_space<vmem>> -> memref<128x32xf32, #tpu.memory_space<vmem>>
    %dma_wait3A_689 = arith.constant 0 : i32
    %dma_wait3A_690 = arith.constant 0 : i32
    %dma_wait3A_691 = tpu.memref_slice %arg4[%dma_wait3A_682, %dma_wait3A_689, %dma_wait3A_690] : memref<50x16384x32xf32, #tpu.memory_space<hbm>> -> memref<1x128x32xf32, #tpu.memory_space<hbm>>
    %dma_wait3A_692 = tpu.memref_squeeze %dma_wait3A_691 : memref<1x128x32xf32, #tpu.memory_space<hbm>> -> memref<128x32xf32, #tpu.memory_space<hbm>>
    %dma_wait3A_693 = tpu.memref_slice %arg7[%dma_wait3A_684] : memref<8x!tpu.dma_semaphore, #tpu.memory_space<semaphore_mem>> -> memref<1x!tpu.dma_semaphore, #tpu.memory_space<semaphore_mem>>
    %dma_wait3A_694 = tpu.memref_squeeze %dma_wait3A_693 : memref<1x!tpu.dma_semaphore, #tpu.memory_space<semaphore_mem>> -> memref<!tpu.dma_semaphore, #tpu.memory_space<semaphore_mem>>
    %dma_wait3A_695 = arith.constant 0 : i32
    %dma_wait3A_696 = arith.constant 0 : i32
    %dma_wait3A_697 = tpu.memref_slice %arg6[%dma_wait3A_683, %dma_wait3A_695, %dma_wait3A_696] : memref<8x128x32xf32, #tpu.memory_space<vmem>> -> memref<1x128x32xf32, #tpu.memory_space<vmem>>
    %dma_wait3A_698 = tpu.memref_squeeze %dma_wait3A_697 : memref<1x128x32xf32, #tpu.memory_space<vmem>> -> memref<128x32xf32, #tpu.memory_space<vmem>>
    %dma_wait3A_699 = arith.constant 0 : i32
    %dma_wait3A_700 = arith.constant 0 : i32
    %dma_wait3A_701 = tpu.memref_slice %arg4[%dma_wait3A_682, %dma_wait3A_699, %dma_wait3A_700] : memref<50x16384x32xf32, #tpu.memory_space<hbm>> -> memref<1x128x32xf32, #tpu.memory_space<hbm>>
    %dma_wait3A_702 = tpu.memref_squeeze %dma_wait3A_701 : memref<1x128x32xf32, #tpu.memory_space<hbm>> -> memref<128x32xf32, #tpu.memory_space<hbm>>
    tpu.wait_dma2 semaphore(%dma_wait3A_694 : memref<!tpu.dma_semaphore, #tpu.memory_space<semaphore_mem>>) src(%dma_wait3A_702 : memref<128x32xf32, #tpu.memory_space<hbm>>) dst(%dma_wait3A_698 : memref<128x32xf32, #tpu.memory_space<vmem>>)
    %add3A_703 = arith.constant 199 : i32
    %add3A_704 = arith.addi %mul3A_2, %add3A_703 : i32
    %jit3A_705 = arith.constant 128 : i32
    %div3A_706 = arith.divsi %add3A_704, %jit3A_705 : i32
    %sign3A_707 = arith.constant 0 : i32
    %sign3A_708 = arith.cmpi sgt, %add3A_704, %sign3A_707 : i32
    %sign3A_709 = arith.extui %sign3A_708 : i1 to i32
    %sign3A_710 = arith.constant 0 : i32
    %sign3A_711 = arith.cmpi slt, %add3A_704, %sign3A_710 : i32
    %sign3A_712 = arith.extui %sign3A_711 : i1 to i32
    %sign3A_713 = arith.subi %sign3A_709, %sign3A_712 : i32
    %sign3A_714 = arith.constant 0 : i32
    %sign3A_715 = arith.cmpi sgt, %jit3A_705, %sign3A_714 : i32
    %sign3A_716 = arith.extui %sign3A_715 : i1 to i32
    %sign3A_717 = arith.constant 0 : i32
    %sign3A_718 = arith.cmpi slt, %jit3A_705, %sign3A_717 : i32
    %sign3A_719 = arith.extui %sign3A_718 : i1 to i32
    %sign3A_720 = arith.subi %sign3A_716, %sign3A_719 : i32
    %ne3A_721 = arith.cmpi ne, %sign3A_713, %sign3A_720 : i32
    %rem3A_722 = arith.remsi %add3A_704, %jit3A_705 : i32
    %ne3A_723 = arith.constant 0 : i32
    %ne3A_724 = arith.cmpi ne, %rem3A_722, %ne3A_723 : i32
    %and3A_725 = arith.andi %ne3A_721, %ne3A_724 : i1
    %sub3A_726 = arith.constant 1 : i32
    %sub3A_727 = arith.subi %div3A_706, %sub3A_726 : i32
    %select_n3A_728 = arith.select %and3A_725, %sub3A_727, %div3A_706 : i32
    %jit3A_729 = arith.constant 128 : i32
    %eq3A_730 = arith.constant 0 : i32
    %eq3A_731 = arith.cmpi eq, %jit3A_729, %eq3A_730 : i32
    %jit3A_732 = arith.constant 1 : i32
    %select_n3A_733 = arith.select %eq3A_731, %jit3A_732, %jit3A_729 : i32
    %rem3A_734 = arith.remsi %add3A_704, %select_n3A_733 : i32
    %ne3A_735 = arith.constant 0 : i32
    %ne3A_736 = arith.cmpi ne, %rem3A_734, %ne3A_735 : i32
    %lt3A_737 = arith.constant 0 : i32
    %lt3A_738 = arith.cmpi slt, %rem3A_734, %lt3A_737 : i32
    %lt3A_739 = arith.constant 0 : i32
    %lt3A_740 = arith.cmpi slt, %select_n3A_733, %lt3A_739 : i32
    %ne3A_741 = arith.xori %lt3A_738, %lt3A_740 : i1
    %and3A_742 = arith.andi %ne3A_741, %ne3A_736 : i1
    %add3A_743 = arith.addi %rem3A_734, %select_n3A_733 : i32
    %select_n3A_744 = arith.select %and3A_742, %add3A_743, %rem3A_734 : i32
    %mul3A_745 = arith.constant 128 : i32
    %mul3A_746 = arith.muli %select_n3A_744, %mul3A_745 : i32
    %dma_start3A_747 = arith.constant 7 : i32
    %dma_start3A_748 = arith.constant 7 : i32
    %dma_start3A_749 = arith.constant 0 : i32
    %dma_start3A_750 = arith.constant 0 : i32
    %dma_start3A_751 = tpu.memref_slice %arg6[%dma_start3A_747, %dma_start3A_749, %dma_start3A_750] : memref<8x128x32xf32, #tpu.memory_space<vmem>> -> memref<1x128x32xf32, #tpu.memory_space<vmem>>
    %dma_start3A_752 = tpu.memref_squeeze %dma_start3A_751 : memref<1x128x32xf32, #tpu.memory_space<vmem>> -> memref<128x32xf32, #tpu.memory_space<vmem>>
    %dma_start3A_753 = arith.constant 0 : i32
    %dma_start3A_754 = tpu.memref_slice %arg4[%select_n3A_728, %mul3A_746, %dma_start3A_753] : memref<50x16384x32xf32, #tpu.memory_space<hbm>> -> memref<1x128x32xf32, #tpu.memory_space<hbm>>
    %dma_start3A_755 = tpu.memref_squeeze %dma_start3A_754 : memref<1x128x32xf32, #tpu.memory_space<hbm>> -> memref<128x32xf32, #tpu.memory_space<hbm>>
    %dma_start3A_756 = tpu.memref_slice %arg8[%dma_start3A_748] : memref<8x!tpu.dma_semaphore, #tpu.memory_space<semaphore_mem>> -> memref<1x!tpu.dma_semaphore, #tpu.memory_space<semaphore_mem>>
    %dma_start3A_757 = tpu.memref_squeeze %dma_start3A_756 : memref<1x!tpu.dma_semaphore, #tpu.memory_space<semaphore_mem>> -> memref<!tpu.dma_semaphore, #tpu.memory_space<semaphore_mem>>
    %dma_start3A_758 = arith.constant 0 : i32
    %dma_start3A_759 = tpu.memref_slice %arg4[%select_n3A_728, %mul3A_746, %dma_start3A_758] : memref<50x16384x32xf32, #tpu.memory_space<hbm>> -> memref<1x128x32xf32, #tpu.memory_space<hbm>>
    %dma_start3A_760 = tpu.memref_squeeze %dma_start3A_759 : memref<1x128x32xf32, #tpu.memory_space<hbm>> -> memref<128x32xf32, #tpu.memory_space<hbm>>
    %dma_start3A_761 = arith.constant 0 : i32
    %dma_start3A_762 = arith.constant 0 : i32
    %dma_start3A_763 = tpu.memref_slice %arg6[%dma_start3A_747, %dma_start3A_761, %dma_start3A_762] : memref<8x128x32xf32, #tpu.memory_space<vmem>> -> memref<1x128x32xf32, #tpu.memory_space<vmem>>
    %dma_start3A_764 = tpu.memref_squeeze %dma_start3A_763 : memref<1x128x32xf32, #tpu.memory_space<vmem>> -> memref<128x32xf32, #tpu.memory_space<vmem>>
    tpu.enqueue_dma source(%dma_start3A_764 : memref<128x32xf32, #tpu.memory_space<vmem>>) target(%dma_start3A_760 : memref<128x32xf32, #tpu.memory_space<hbm>>) target_semaphore(%dma_start3A_757 : memref<!tpu.dma_semaphore, #tpu.memory_space<semaphore_mem>>)
    %dma_wait3A_765 = arith.constant 0 : i32
    %dma_wait3A_766 = arith.constant 0 : i32
    %dma_wait3A_767 = arith.constant 0 : i32
    %dma_wait3A_768 = arith.constant 0 : i32
    %dma_wait3A_769 = arith.constant 0 : i32
    %dma_wait3A_770 = tpu.memref_slice %arg6[%dma_wait3A_765, %dma_wait3A_768, %dma_wait3A_769] : memref<8x128x32xf32, #tpu.memory_space<vmem>> -> memref<1x128x32xf32, #tpu.memory_space<vmem>>
    %dma_wait3A_771 = tpu.memref_squeeze %dma_wait3A_770 : memref<1x128x32xf32, #tpu.memory_space<vmem>> -> memref<128x32xf32, #tpu.memory_space<vmem>>
    %dma_wait3A_772 = arith.constant 0 : i32
    %dma_wait3A_773 = arith.constant 0 : i32
    %dma_wait3A_774 = tpu.memref_slice %arg4[%dma_wait3A_766, %dma_wait3A_772, %dma_wait3A_773] : memref<50x16384x32xf32, #tpu.memory_space<hbm>> -> memref<1x128x32xf32, #tpu.memory_space<hbm>>
    %dma_wait3A_775 = tpu.memref_squeeze %dma_wait3A_774 : memref<1x128x32xf32, #tpu.memory_space<hbm>> -> memref<128x32xf32, #tpu.memory_space<hbm>>
    %dma_wait3A_776 = tpu.memref_slice %arg8[%dma_wait3A_767] : memref<8x!tpu.dma_semaphore, #tpu.memory_space<semaphore_mem>> -> memref<1x!tpu.dma_semaphore, #tpu.memory_space<semaphore_mem>>
    %dma_wait3A_777 = tpu.memref_squeeze %dma_wait3A_776 : memref<1x!tpu.dma_semaphore, #tpu.memory_space<semaphore_mem>> -> memref<!tpu.dma_semaphore, #tpu.memory_space<semaphore_mem>>
    %dma_wait3A_778 = arith.constant 0 : i32
    %dma_wait3A_779 = arith.constant 0 : i32
    %dma_wait3A_780 = tpu.memref_slice %arg4[%dma_wait3A_766, %dma_wait3A_778, %dma_wait3A_779] : memref<50x16384x32xf32, #tpu.memory_space<hbm>> -> memref<1x128x32xf32, #tpu.memory_space<hbm>>
    %dma_wait3A_781 = tpu.memref_squeeze %dma_wait3A_780 : memref<1x128x32xf32, #tpu.memory_space<hbm>> -> memref<128x32xf32, #tpu.memory_space<hbm>>
    %dma_wait3A_782 = arith.constant 0 : i32
    %dma_wait3A_783 = arith.constant 0 : i32
    %dma_wait3A_784 = tpu.memref_slice %arg6[%dma_wait3A_765, %dma_wait3A_782, %dma_wait3A_783] : memref<8x128x32xf32, #tpu.memory_space<vmem>> -> memref<1x128x32xf32, #tpu.memory_space<vmem>>
    %dma_wait3A_785 = tpu.memref_squeeze %dma_wait3A_784 : memref<1x128x32xf32, #tpu.memory_space<vmem>> -> memref<128x32xf32, #tpu.memory_space<vmem>>
    tpu.wait_dma2 semaphore(%dma_wait3A_777 : memref<!tpu.dma_semaphore, #tpu.memory_space<semaphore_mem>>) src(%dma_wait3A_785 : memref<128x32xf32, #tpu.memory_space<vmem>>) dst(%dma_wait3A_781 : memref<128x32xf32, #tpu.memory_space<hbm>>)
    %dma_wait3A_786 = arith.constant 1 : i32
    %dma_wait3A_787 = arith.constant 0 : i32
    %dma_wait3A_788 = arith.constant 1 : i32
    %dma_wait3A_789 = arith.constant 0 : i32
    %dma_wait3A_790 = arith.constant 0 : i32
    %dma_wait3A_791 = tpu.memref_slice %arg6[%dma_wait3A_786, %dma_wait3A_789, %dma_wait3A_790] : memref<8x128x32xf32, #tpu.memory_space<vmem>> -> memref<1x128x32xf32, #tpu.memory_space<vmem>>
    %dma_wait3A_792 = tpu.memref_squeeze %dma_wait3A_791 : memref<1x128x32xf32, #tpu.memory_space<vmem>> -> memref<128x32xf32, #tpu.memory_space<vmem>>
    %dma_wait3A_793 = arith.constant 0 : i32
    %dma_wait3A_794 = arith.constant 0 : i32
    %dma_wait3A_795 = tpu.memref_slice %arg4[%dma_wait3A_787, %dma_wait3A_793, %dma_wait3A_794] : memref<50x16384x32xf32, #tpu.memory_space<hbm>> -> memref<1x128x32xf32, #tpu.memory_space<hbm>>
    %dma_wait3A_796 = tpu.memref_squeeze %dma_wait3A_795 : memref<1x128x32xf32, #tpu.memory_space<hbm>> -> memref<128x32xf32, #tpu.memory_space<hbm>>
    %dma_wait3A_797 = tpu.memref_slice %arg8[%dma_wait3A_788] : memref<8x!tpu.dma_semaphore, #tpu.memory_space<semaphore_mem>> -> memref<1x!tpu.dma_semaphore, #tpu.memory_space<semaphore_mem>>
    %dma_wait3A_798 = tpu.memref_squeeze %dma_wait3A_797 : memref<1x!tpu.dma_semaphore, #tpu.memory_space<semaphore_mem>> -> memref<!tpu.dma_semaphore, #tpu.memory_space<semaphore_mem>>
    %dma_wait3A_799 = arith.constant 0 : i32
    %dma_wait3A_800 = arith.constant 0 : i32
    %dma_wait3A_801 = tpu.memref_slice %arg4[%dma_wait3A_787, %dma_wait3A_799, %dma_wait3A_800] : memref<50x16384x32xf32, #tpu.memory_space<hbm>> -> memref<1x128x32xf32, #tpu.memory_space<hbm>>
    %dma_wait3A_802 = tpu.memref_squeeze %dma_wait3A_801 : memref<1x128x32xf32, #tpu.memory_space<hbm>> -> memref<128x32xf32, #tpu.memory_space<hbm>>
    %dma_wait3A_803 = arith.constant 0 : i32
    %dma_wait3A_804 = arith.constant 0 : i32
    %dma_wait3A_805 = tpu.memref_slice %arg6[%dma_wait3A_786, %dma_wait3A_803, %dma_wait3A_804] : memref<8x128x32xf32, #tpu.memory_space<vmem>> -> memref<1x128x32xf32, #tpu.memory_space<vmem>>
    %dma_wait3A_806 = tpu.memref_squeeze %dma_wait3A_805 : memref<1x128x32xf32, #tpu.memory_space<vmem>> -> memref<128x32xf32, #tpu.memory_space<vmem>>
    tpu.wait_dma2 semaphore(%dma_wait3A_798 : memref<!tpu.dma_semaphore, #tpu.memory_space<semaphore_mem>>) src(%dma_wait3A_806 : memref<128x32xf32, #tpu.memory_space<vmem>>) dst(%dma_wait3A_802 : memref<128x32xf32, #tpu.memory_space<hbm>>)
    %dma_wait3A_807 = arith.constant 2 : i32
    %dma_wait3A_808 = arith.constant 0 : i32
    %dma_wait3A_809 = arith.constant 2 : i32
    %dma_wait3A_810 = arith.constant 0 : i32
    %dma_wait3A_811 = arith.constant 0 : i32
    %dma_wait3A_812 = tpu.memref_slice %arg6[%dma_wait3A_807, %dma_wait3A_810, %dma_wait3A_811] : memref<8x128x32xf32, #tpu.memory_space<vmem>> -> memref<1x128x32xf32, #tpu.memory_space<vmem>>
    %dma_wait3A_813 = tpu.memref_squeeze %dma_wait3A_812 : memref<1x128x32xf32, #tpu.memory_space<vmem>> -> memref<128x32xf32, #tpu.memory_space<vmem>>
    %dma_wait3A_814 = arith.constant 0 : i32
    %dma_wait3A_815 = arith.constant 0 : i32
    %dma_wait3A_816 = tpu.memref_slice %arg4[%dma_wait3A_808, %dma_wait3A_814, %dma_wait3A_815] : memref<50x16384x32xf32, #tpu.memory_space<hbm>> -> memref<1x128x32xf32, #tpu.memory_space<hbm>>
    %dma_wait3A_817 = tpu.memref_squeeze %dma_wait3A_816 : memref<1x128x32xf32, #tpu.memory_space<hbm>> -> memref<128x32xf32, #tpu.memory_space<hbm>>
    %dma_wait3A_818 = tpu.memref_slice %arg8[%dma_wait3A_809] : memref<8x!tpu.dma_semaphore, #tpu.memory_space<semaphore_mem>> -> memref<1x!tpu.dma_semaphore, #tpu.memory_space<semaphore_mem>>
    %dma_wait3A_819 = tpu.memref_squeeze %dma_wait3A_818 : memref<1x!tpu.dma_semaphore, #tpu.memory_space<semaphore_mem>> -> memref<!tpu.dma_semaphore, #tpu.memory_space<semaphore_mem>>
    %dma_wait3A_820 = arith.constant 0 : i32
    %dma_wait3A_821 = arith.constant 0 : i32
    %dma_wait3A_822 = tpu.memref_slice %arg4[%dma_wait3A_808, %dma_wait3A_820, %dma_wait3A_821] : memref<50x16384x32xf32, #tpu.memory_space<hbm>> -> memref<1x128x32xf32, #tpu.memory_space<hbm>>
    %dma_wait3A_823 = tpu.memref_squeeze %dma_wait3A_822 : memref<1x128x32xf32, #tpu.memory_space<hbm>> -> memref<128x32xf32, #tpu.memory_space<hbm>>
    %dma_wait3A_824 = arith.constant 0 : i32
    %dma_wait3A_825 = arith.constant 0 : i32
    %dma_wait3A_826 = tpu.memref_slice %arg6[%dma_wait3A_807, %dma_wait3A_824, %dma_wait3A_825] : memref<8x128x32xf32, #tpu.memory_space<vmem>> -> memref<1x128x32xf32, #tpu.memory_space<vmem>>
    %dma_wait3A_827 = tpu.memref_squeeze %dma_wait3A_826 : memref<1x128x32xf32, #tpu.memory_space<vmem>> -> memref<128x32xf32, #tpu.memory_space<vmem>>
    tpu.wait_dma2 semaphore(%dma_wait3A_819 : memref<!tpu.dma_semaphore, #tpu.memory_space<semaphore_mem>>) src(%dma_wait3A_827 : memref<128x32xf32, #tpu.memory_space<vmem>>) dst(%dma_wait3A_823 : memref<128x32xf32, #tpu.memory_space<hbm>>)
    %dma_wait3A_828 = arith.constant 3 : i32
    %dma_wait3A_829 = arith.constant 0 : i32
    %dma_wait3A_830 = arith.constant 3 : i32
    %dma_wait3A_831 = arith.constant 0 : i32
    %dma_wait3A_832 = arith.constant 0 : i32
    %dma_wait3A_833 = tpu.memref_slice %arg6[%dma_wait3A_828, %dma_wait3A_831, %dma_wait3A_832] : memref<8x128x32xf32, #tpu.memory_space<vmem>> -> memref<1x128x32xf32, #tpu.memory_space<vmem>>
    %dma_wait3A_834 = tpu.memref_squeeze %dma_wait3A_833 : memref<1x128x32xf32, #tpu.memory_space<vmem>> -> memref<128x32xf32, #tpu.memory_space<vmem>>
    %dma_wait3A_835 = arith.constant 0 : i32
    %dma_wait3A_836 = arith.constant 0 : i32
    %dma_wait3A_837 = tpu.memref_slice %arg4[%dma_wait3A_829, %dma_wait3A_835, %dma_wait3A_836] : memref<50x16384x32xf32, #tpu.memory_space<hbm>> -> memref<1x128x32xf32, #tpu.memory_space<hbm>>
    %dma_wait3A_838 = tpu.memref_squeeze %dma_wait3A_837 : memref<1x128x32xf32, #tpu.memory_space<hbm>> -> memref<128x32xf32, #tpu.memory_space<hbm>>
    %dma_wait3A_839 = tpu.memref_slice %arg8[%dma_wait3A_830] : memref<8x!tpu.dma_semaphore, #tpu.memory_space<semaphore_mem>> -> memref<1x!tpu.dma_semaphore, #tpu.memory_space<semaphore_mem>>
    %dma_wait3A_840 = tpu.memref_squeeze %dma_wait3A_839 : memref<1x!tpu.dma_semaphore, #tpu.memory_space<semaphore_mem>> -> memref<!tpu.dma_semaphore, #tpu.memory_space<semaphore_mem>>
    %dma_wait3A_841 = arith.constant 0 : i32
    %dma_wait3A_842 = arith.constant 0 : i32
    %dma_wait3A_843 = tpu.memref_slice %arg4[%dma_wait3A_829, %dma_wait3A_841, %dma_wait3A_842] : memref<50x16384x32xf32, #tpu.memory_space<hbm>> -> memref<1x128x32xf32, #tpu.memory_space<hbm>>
    %dma_wait3A_844 = tpu.memref_squeeze %dma_wait3A_843 : memref<1x128x32xf32, #tpu.memory_space<hbm>> -> memref<128x32xf32, #tpu.memory_space<hbm>>
    %dma_wait3A_845 = arith.constant 0 : i32
    %dma_wait3A_846 = arith.constant 0 : i32
    %dma_wait3A_847 = tpu.memref_slice %arg6[%dma_wait3A_828, %dma_wait3A_845, %dma_wait3A_846] : memref<8x128x32xf32, #tpu.memory_space<vmem>> -> memref<1x128x32xf32, #tpu.memory_space<vmem>>
    %dma_wait3A_848 = tpu.memref_squeeze %dma_wait3A_847 : memref<1x128x32xf32, #tpu.memory_space<vmem>> -> memref<128x32xf32, #tpu.memory_space<vmem>>
    tpu.wait_dma2 semaphore(%dma_wait3A_840 : memref<!tpu.dma_semaphore, #tpu.memory_space<semaphore_mem>>) src(%dma_wait3A_848 : memref<128x32xf32, #tpu.memory_space<vmem>>) dst(%dma_wait3A_844 : memref<128x32xf32, #tpu.memory_space<hbm>>)
    %dma_wait3A_849 = arith.constant 4 : i32
    %dma_wait3A_850 = arith.constant 0 : i32
    %dma_wait3A_851 = arith.constant 4 : i32
    %dma_wait3A_852 = arith.constant 0 : i32
    %dma_wait3A_853 = arith.constant 0 : i32
    %dma_wait3A_854 = tpu.memref_slice %arg6[%dma_wait3A_849, %dma_wait3A_852, %dma_wait3A_853] : memref<8x128x32xf32, #tpu.memory_space<vmem>> -> memref<1x128x32xf32, #tpu.memory_space<vmem>>
    %dma_wait3A_855 = tpu.memref_squeeze %dma_wait3A_854 : memref<1x128x32xf32, #tpu.memory_space<vmem>> -> memref<128x32xf32, #tpu.memory_space<vmem>>
    %dma_wait3A_856 = arith.constant 0 : i32
    %dma_wait3A_857 = arith.constant 0 : i32
    %dma_wait3A_858 = tpu.memref_slice %arg4[%dma_wait3A_850, %dma_wait3A_856, %dma_wait3A_857] : memref<50x16384x32xf32, #tpu.memory_space<hbm>> -> memref<1x128x32xf32, #tpu.memory_space<hbm>>
    %dma_wait3A_859 = tpu.memref_squeeze %dma_wait3A_858 : memref<1x128x32xf32, #tpu.memory_space<hbm>> -> memref<128x32xf32, #tpu.memory_space<hbm>>
    %dma_wait3A_860 = tpu.memref_slice %arg8[%dma_wait3A_851] : memref<8x!tpu.dma_semaphore, #tpu.memory_space<semaphore_mem>> -> memref<1x!tpu.dma_semaphore, #tpu.memory_space<semaphore_mem>>
    %dma_wait3A_861 = tpu.memref_squeeze %dma_wait3A_860 : memref<1x!tpu.dma_semaphore, #tpu.memory_space<semaphore_mem>> -> memref<!tpu.dma_semaphore, #tpu.memory_space<semaphore_mem>>
    %dma_wait3A_862 = arith.constant 0 : i32
    %dma_wait3A_863 = arith.constant 0 : i32
    %dma_wait3A_864 = tpu.memref_slice %arg4[%dma_wait3A_850, %dma_wait3A_862, %dma_wait3A_863] : memref<50x16384x32xf32, #tpu.memory_space<hbm>> -> memref<1x128x32xf32, #tpu.memory_space<hbm>>
    %dma_wait3A_865 = tpu.memref_squeeze %dma_wait3A_864 : memref<1x128x32xf32, #tpu.memory_space<hbm>> -> memref<128x32xf32, #tpu.memory_space<hbm>>
    %dma_wait3A_866 = arith.constant 0 : i32
    %dma_wait3A_867 = arith.constant 0 : i32
    %dma_wait3A_868 = tpu.memref_slice %arg6[%dma_wait3A_849, %dma_wait3A_866, %dma_wait3A_867] : memref<8x128x32xf32, #tpu.memory_space<vmem>> -> memref<1x128x32xf32, #tpu.memory_space<vmem>>
    %dma_wait3A_869 = tpu.memref_squeeze %dma_wait3A_868 : memref<1x128x32xf32, #tpu.memory_space<vmem>> -> memref<128x32xf32, #tpu.memory_space<vmem>>
    tpu.wait_dma2 semaphore(%dma_wait3A_861 : memref<!tpu.dma_semaphore, #tpu.memory_space<semaphore_mem>>) src(%dma_wait3A_869 : memref<128x32xf32, #tpu.memory_space<vmem>>) dst(%dma_wait3A_865 : memref<128x32xf32, #tpu.memory_space<hbm>>)
    %dma_wait3A_870 = arith.constant 5 : i32
    %dma_wait3A_871 = arith.constant 0 : i32
    %dma_wait3A_872 = arith.constant 5 : i32
    %dma_wait3A_873 = arith.constant 0 : i32
    %dma_wait3A_874 = arith.constant 0 : i32
    %dma_wait3A_875 = tpu.memref_slice %arg6[%dma_wait3A_870, %dma_wait3A_873, %dma_wait3A_874] : memref<8x128x32xf32, #tpu.memory_space<vmem>> -> memref<1x128x32xf32, #tpu.memory_space<vmem>>
    %dma_wait3A_876 = tpu.memref_squeeze %dma_wait3A_875 : memref<1x128x32xf32, #tpu.memory_space<vmem>> -> memref<128x32xf32, #tpu.memory_space<vmem>>
    %dma_wait3A_877 = arith.constant 0 : i32
    %dma_wait3A_878 = arith.constant 0 : i32
    %dma_wait3A_879 = tpu.memref_slice %arg4[%dma_wait3A_871, %dma_wait3A_877, %dma_wait3A_878] : memref<50x16384x32xf32, #tpu.memory_space<hbm>> -> memref<1x128x32xf32, #tpu.memory_space<hbm>>
    %dma_wait3A_880 = tpu.memref_squeeze %dma_wait3A_879 : memref<1x128x32xf32, #tpu.memory_space<hbm>> -> memref<128x32xf32, #tpu.memory_space<hbm>>
    %dma_wait3A_881 = tpu.memref_slice %arg8[%dma_wait3A_872] : memref<8x!tpu.dma_semaphore, #tpu.memory_space<semaphore_mem>> -> memref<1x!tpu.dma_semaphore, #tpu.memory_space<semaphore_mem>>
    %dma_wait3A_882 = tpu.memref_squeeze %dma_wait3A_881 : memref<1x!tpu.dma_semaphore, #tpu.memory_space<semaphore_mem>> -> memref<!tpu.dma_semaphore, #tpu.memory_space<semaphore_mem>>
    %dma_wait3A_883 = arith.constant 0 : i32
    %dma_wait3A_884 = arith.constant 0 : i32
    %dma_wait3A_885 = tpu.memref_slice %arg4[%dma_wait3A_871, %dma_wait3A_883, %dma_wait3A_884] : memref<50x16384x32xf32, #tpu.memory_space<hbm>> -> memref<1x128x32xf32, #tpu.memory_space<hbm>>
    %dma_wait3A_886 = tpu.memref_squeeze %dma_wait3A_885 : memref<1x128x32xf32, #tpu.memory_space<hbm>> -> memref<128x32xf32, #tpu.memory_space<hbm>>
    %dma_wait3A_887 = arith.constant 0 : i32
    %dma_wait3A_888 = arith.constant 0 : i32
    %dma_wait3A_889 = tpu.memref_slice %arg6[%dma_wait3A_870, %dma_wait3A_887, %dma_wait3A_888] : memref<8x128x32xf32, #tpu.memory_space<vmem>> -> memref<1x128x32xf32, #tpu.memory_space<vmem>>
    %dma_wait3A_890 = tpu.memref_squeeze %dma_wait3A_889 : memref<1x128x32xf32, #tpu.memory_space<vmem>> -> memref<128x32xf32, #tpu.memory_space<vmem>>
    tpu.wait_dma2 semaphore(%dma_wait3A_882 : memref<!tpu.dma_semaphore, #tpu.memory_space<semaphore_mem>>) src(%dma_wait3A_890 : memref<128x32xf32, #tpu.memory_space<vmem>>) dst(%dma_wait3A_886 : memref<128x32xf32, #tpu.memory_space<hbm>>)
    %dma_wait3A_891 = arith.constant 6 : i32
    %dma_wait3A_892 = arith.constant 0 : i32
    %dma_wait3A_893 = arith.constant 6 : i32
    %dma_wait3A_894 = arith.constant 0 : i32
    %dma_wait3A_895 = arith.constant 0 : i32
    %dma_wait3A_896 = tpu.memref_slice %arg6[%dma_wait3A_891, %dma_wait3A_894, %dma_wait3A_895] : memref<8x128x32xf32, #tpu.memory_space<vmem>> -> memref<1x128x32xf32, #tpu.memory_space<vmem>>
    %dma_wait3A_897 = tpu.memref_squeeze %dma_wait3A_896 : memref<1x128x32xf32, #tpu.memory_space<vmem>> -> memref<128x32xf32, #tpu.memory_space<vmem>>
    %dma_wait3A_898 = arith.constant 0 : i32
    %dma_wait3A_899 = arith.constant 0 : i32
    %dma_wait3A_900 = tpu.memref_slice %arg4[%dma_wait3A_892, %dma_wait3A_898, %dma_wait3A_899] : memref<50x16384x32xf32, #tpu.memory_space<hbm>> -> memref<1x128x32xf32, #tpu.memory_space<hbm>>
    %dma_wait3A_901 = tpu.memref_squeeze %dma_wait3A_900 : memref<1x128x32xf32, #tpu.memory_space<hbm>> -> memref<128x32xf32, #tpu.memory_space<hbm>>
    %dma_wait3A_902 = tpu.memref_slice %arg8[%dma_wait3A_893] : memref<8x!tpu.dma_semaphore, #tpu.memory_space<semaphore_mem>> -> memref<1x!tpu.dma_semaphore, #tpu.memory_space<semaphore_mem>>
    %dma_wait3A_903 = tpu.memref_squeeze %dma_wait3A_902 : memref<1x!tpu.dma_semaphore, #tpu.memory_space<semaphore_mem>> -> memref<!tpu.dma_semaphore, #tpu.memory_space<semaphore_mem>>
    %dma_wait3A_904 = arith.constant 0 : i32
    %dma_wait3A_905 = arith.constant 0 : i32
    %dma_wait3A_906 = tpu.memref_slice %arg4[%dma_wait3A_892, %dma_wait3A_904, %dma_wait3A_905] : memref<50x16384x32xf32, #tpu.memory_space<hbm>> -> memref<1x128x32xf32, #tpu.memory_space<hbm>>
    %dma_wait3A_907 = tpu.memref_squeeze %dma_wait3A_906 : memref<1x128x32xf32, #tpu.memory_space<hbm>> -> memref<128x32xf32, #tpu.memory_space<hbm>>
    %dma_wait3A_908 = arith.constant 0 : i32
    %dma_wait3A_909 = arith.constant 0 : i32
    %dma_wait3A_910 = tpu.memref_slice %arg6[%dma_wait3A_891, %dma_wait3A_908, %dma_wait3A_909] : memref<8x128x32xf32, #tpu.memory_space<vmem>> -> memref<1x128x32xf32, #tpu.memory_space<vmem>>
    %dma_wait3A_911 = tpu.memref_squeeze %dma_wait3A_910 : memref<1x128x32xf32, #tpu.memory_space<vmem>> -> memref<128x32xf32, #tpu.memory_space<vmem>>
    tpu.wait_dma2 semaphore(%dma_wait3A_903 : memref<!tpu.dma_semaphore, #tpu.memory_space<semaphore_mem>>) src(%dma_wait3A_911 : memref<128x32xf32, #tpu.memory_space<vmem>>) dst(%dma_wait3A_907 : memref<128x32xf32, #tpu.memory_space<hbm>>)
    %dma_wait3A_912 = arith.constant 7 : i32
    %dma_wait3A_913 = arith.constant 0 : i32
    %dma_wait3A_914 = arith.constant 7 : i32
    %dma_wait3A_915 = arith.constant 0 : i32
    %dma_wait3A_916 = arith.constant 0 : i32
    %dma_wait3A_917 = tpu.memref_slice %arg6[%dma_wait3A_912, %dma_wait3A_915, %dma_wait3A_916] : memref<8x128x32xf32, #tpu.memory_space<vmem>> -> memref<1x128x32xf32, #tpu.memory_space<vmem>>
    %dma_wait3A_918 = tpu.memref_squeeze %dma_wait3A_917 : memref<1x128x32xf32, #tpu.memory_space<vmem>> -> memref<128x32xf32, #tpu.memory_space<vmem>>
    %dma_wait3A_919 = arith.constant 0 : i32
    %dma_wait3A_920 = arith.constant 0 : i32
    %dma_wait3A_921 = tpu.memref_slice %arg4[%dma_wait3A_913, %dma_wait3A_919, %dma_wait3A_920] : memref<50x16384x32xf32, #tpu.memory_space<hbm>> -> memref<1x128x32xf32, #tpu.memory_space<hbm>>
    %dma_wait3A_922 = tpu.memref_squeeze %dma_wait3A_921 : memref<1x128x32xf32, #tpu.memory_space<hbm>> -> memref<128x32xf32, #tpu.memory_space<hbm>>
    %dma_wait3A_923 = tpu.memref_slice %arg8[%dma_wait3A_914] : memref<8x!tpu.dma_semaphore, #tpu.memory_space<semaphore_mem>> -> memref<1x!tpu.dma_semaphore, #tpu.memory_space<semaphore_mem>>
    %dma_wait3A_924 = tpu.memref_squeeze %dma_wait3A_923 : memref<1x!tpu.dma_semaphore, #tpu.memory_space<semaphore_mem>> -> memref<!tpu.dma_semaphore, #tpu.memory_space<semaphore_mem>>
    %dma_wait3A_925 = arith.constant 0 : i32
    %dma_wait3A_926 = arith.constant 0 : i32
    %dma_wait3A_927 = tpu.memref_slice %arg4[%dma_wait3A_913, %dma_wait3A_925, %dma_wait3A_926] : memref<50x16384x32xf32, #tpu.memory_space<hbm>> -> memref<1x128x32xf32, #tpu.memory_space<hbm>>
    %dma_wait3A_928 = tpu.memref_squeeze %dma_wait3A_927 : memref<1x128x32xf32, #tpu.memory_space<hbm>> -> memref<128x32xf32, #tpu.memory_space<hbm>>
    %dma_wait3A_929 = arith.constant 0 : i32
    %dma_wait3A_930 = arith.constant 0 : i32
    %dma_wait3A_931 = tpu.memref_slice %arg6[%dma_wait3A_912, %dma_wait3A_929, %dma_wait3A_930] : memref<8x128x32xf32, #tpu.memory_space<vmem>> -> memref<1x128x32xf32, #tpu.memory_space<vmem>>
    %dma_wait3A_932 = tpu.memref_squeeze %dma_wait3A_931 : memref<1x128x32xf32, #tpu.memory_space<vmem>> -> memref<128x32xf32, #tpu.memory_space<vmem>>
    tpu.wait_dma2 semaphore(%dma_wait3A_924 : memref<!tpu.dma_semaphore, #tpu.memory_space<semaphore_mem>>) src(%dma_wait3A_932 : memref<128x32xf32, #tpu.memory_space<vmem>>) dst(%dma_wait3A_928 : memref<128x32xf32, #tpu.memory_space<hbm>>)
    return
  }
}

module attributes {stable_mosaic.version = 14 : i64} {
  func.func @body(%arg0: i32, %arg1: memref<8x16384xi32, #tpu.memory_space<vmem>>, %arg2: memref<131072xi32, #tpu.memory_space<vmem>>) attributes {dimension_semantics = [#tpu.dimension_semantics<arbitrary>], iteration_bounds = array<i64: 7>, scalar_prefetch = 0 : i64, scratch_operands = 0 : i64, tpu.core_type = #tpu.core_type<tc>, window_params = [{transform_indices = @transform_0, window_bounds = array<i64: 8, 16384>}, {transform_indices = @transform_1, window_bounds = array<i64: 131072>}]} {
    %get3A = arith.constant 0 : index
    %get3A_0 = arith.constant 0 : index
    %get3A_1 = vector.load %arg1[%get3A, %get3A_0] : memref<8x16384xi32, #tpu.memory_space<vmem>>, vector<8x16384xi32>
    %and3A = arith.constant -2048 : i32
    %and3A_2 = vector.broadcast %and3A : i32 to vector<8x16384xi32>
    %and3A_3 = arith.andi %get3A_1, %and3A_2 : vector<8x16384xi32>
    %and3A_4 = arith.constant 511 : i32
    %and3A_5 = vector.broadcast %and3A_4 : i32 to vector<8x16384xi32>
    %and3A_6 = arith.andi %get3A_1, %and3A_5 : vector<8x16384xi32>
    %shift_left3A = arith.constant 2 : i32
    %shift_left3A_7 = vector.broadcast %shift_left3A : i32 to vector<8x16384xi32>
    %shift_left3A_8 = arith.shli %and3A_6, %shift_left3A_7 : vector<8x16384xi32>
    %add3A = arith.addi %and3A_3, %shift_left3A_8 : vector<8x16384xi32>
    %and3A_9 = arith.constant 2047 : i32
    %and3A_10 = vector.broadcast %and3A_9 : i32 to vector<8x16384xi32>
    %and3A_11 = arith.andi %get3A_1, %and3A_10 : vector<8x16384xi32>
    %shift_right_arithmetic3A = arith.constant 9 : i32
    %shift_right_arithmetic3A_12 = vector.broadcast %shift_right_arithmetic3A : i32 to vector<8x16384xi32>
    %shift_right_arithmetic3A_13 = arith.shrsi %and3A_11, %shift_right_arithmetic3A_12 : vector<8x16384xi32>
    %add3A_14 = arith.addi %add3A, %shift_right_arithmetic3A_13 : vector<8x16384xi32>
    %reshape3A = vector.shape_cast %add3A_14 : vector<8x16384xi32> to vector<131072xi32>
    %swap3A = arith.constant 0 : index
    %swap3A_15 = vector.load %arg2[%swap3A] : memref<131072xi32, #tpu.memory_space<vmem>>, vector<131072xi32>
    tpu.vector_store %arg2[%swap3A], %reshape3A {strides = array<i32>} : memref<131072xi32, #tpu.memory_space<vmem>>, vector<131072xi32>,
    return
  }
  func.func @transform_0(%arg0: i32) -> (i32, i32) {
    %c0_i32 = arith.constant 0 : i32
    %c0_i32_0 = arith.constant 0 : i32
    return %arg0, %c0_i32 : i32, i32
  }
  func.func @transform_1(%arg0: i32) -> i32 {
    %c0_i32 = arith.constant 0 : i32
    return %arg0 : i32
  }
}

module attributes {stable_mosaic.version = 14 : i64} {
  func.func @body(%arg0: i32, %arg1: memref<32x2048xf32, #tpu.memory_space<vmem>>, %arg2: memref<65536xf32, #tpu.memory_space<vmem>>) attributes {dimension_semantics = [#tpu.dimension_semantics<arbitrary>], iteration_bounds = array<i64: 489>, scalar_prefetch = 0 : i64, scratch_operands = 0 : i64, tpu.core_type = #tpu.core_type<tc>, window_params = [{transform_indices = @transform_0, window_bounds = array<i64: 32, 2048>}, {transform_indices = @transform_1, window_bounds = array<i64: 65536>}]} {
    %get3A = arith.constant 0 : index
    %get3A_0 = arith.constant 0 : index
    %get3A_1 = vector.load %arg1[%get3A, %get3A_0] : memref<32x2048xf32, #tpu.memory_space<vmem>>, vector<32x2048xf32>
    %iota3A = tpu.iota {dimensions = array<i32: 0>} : vector<32x32xi32>
    %iota3A_2 = tpu.iota {dimensions = array<i32: 1>} : vector<32x32xi32>
    %add3A = arith.constant 0 : i32
    %add3A_3 = vector.broadcast %add3A : i32 to vector<32x32xi32>
    %add3A_4 = arith.addi %iota3A, %add3A_3 : vector<32x32xi32>
    %eq3A = arith.cmpi eq, %add3A_4, %iota3A_2 : vector<32x32xi32>
    %convert_element_type3A = arith.extui %eq3A : vector<32x32xi1> to vector<32x32xi32>
    %convert_element_type3A_5 = arith.sitofp %convert_element_type3A : vector<32x32xi32> to vector<32x32xf32>
    %dot_general3A = arith.constant dense<0.000000e+00> : vector<2048x32xf32>
    %dot_general3A_6 = tpu.matmul %get3A_1, %convert_element_type3A_5, %dot_general3A {dimension_numbers = #tpu.dot_dimension_numbers<[0], [0], [1], [1], [0, 1, 1, 1], [], []>, transpose_lhs_hint = false} : vector<32x2048xf32>, vector<32x32xf32>, vector<2048x32xf32> -> vector<2048x32xf32>
    %slice3A = vector.extract_strided_slice %dot_general3A_6 {offsets = [0, 0], sizes = [512, 32], strides = [1, 1]} : vector<2048x32xf32> to vector<512x32xf32>
    %slice3A_7 = vector.extract_strided_slice %dot_general3A_6 {offsets = [512, 0], sizes = [512, 32], strides = [1, 1]} : vector<2048x32xf32> to vector<512x32xf32>
    %slice3A_8 = vector.extract_strided_slice %dot_general3A_6 {offsets = [1024, 0], sizes = [512, 32], strides = [1, 1]} : vector<2048x32xf32> to vector<512x32xf32>
    %slice3A_9 = vector.extract_strided_slice %dot_general3A_6 {offsets = [1536, 0], sizes = [512, 32], strides = [1, 1]} : vector<2048x32xf32> to vector<512x32xf32>
    %concatenate3A = tpu.concatenate %slice3A, %slice3A_7, %slice3A_8, %slice3A_9 in 1 : vector<512x32xf32>, vector<512x32xf32>, vector<512x32xf32>, vector<512x32xf32> -> vector<512x128xf32>
    %reshape3A = vector.shape_cast %concatenate3A : vector<512x128xf32> to vector<65536xf32>
    %swap3A = arith.constant 0 : index
    %swap3A_10 = vector.load %arg2[%swap3A] : memref<65536xf32, #tpu.memory_space<vmem>>, vector<65536xf32>
    tpu.vector_store %arg2[%swap3A], %reshape3A {strides = array<i32>} : memref<65536xf32, #tpu.memory_space<vmem>>, vector<65536xf32>,
    return
  }
  func.func @transform_0(%arg0: i32) -> (i32, i32) {
    %c0_i32 = arith.constant 0 : i32
    %c0_i32_0 = arith.constant 0 : i32
    return %c0_i32, %arg0 : i32, i32
  }
  func.func @transform_1(%arg0: i32) -> i32 {
    %c0_i32 = arith.constant 0 : i32
    return %arg0 : i32
  }
}

</mosaic_0001>

<sc_bundles>
// kernel: kernel.5.cloned.1.call-start
scs
__scs_entry_jumppad:
0x0: {  	(pc) =	sbr.rel $0x88, $3  }
0x1: {  	(tag) =	ssettag $0x0;
	lr =	simm.s32 $0x1  }
0x2: {  	[smem:$0x3F9F] =	sst lr;
	_ =	strace $0xD0000000  }
0x3: {  	_ = 	snop  }
0x4: {  	_ = 	snop  }
0x5: {  	_ = 	snop  }
0x6: {  	_ = 	snop  }
0x7: {  	_ = 	snop  }
__scs_overlays_trampoline_lowered:
0x8: {  	[smem:$0x3FAE] =	sst s0  }
0x9: {  	[smem:$0x3FAF] =	sst s1  }
0xa: {  	[smem:$0x3FB0] =	sst s2  }
0xb: {  	[smem:$0x3FB1] =	sst s3  }
0xc: {  	[smem:$0x3FB2] =	sst s4  }
0xd: {  	[smem:$0x3FB3] =	sst s5  }
0xe: {  	[smem:$0x3FB4] =	sst s6  }
0xf: {  	[smem:$0x3FB5] =	sst s7  }
0x10: {  	[smem:$0x3FB6] =	sst s8  }
0x11: {  	[smem:$0x3FB7] =	sst s9;
	s0 =	simm.s32 @!p0 $0x0  }
0x12: {  	s1 =	sld [smem:$0x3F9D];
	s0 =	simm.s32 @p0 $0x1  }
0x13: {  	[smem:$0x3FB8] =	sst s0;
	s0 =	simm.s32 @!p1 $0x0  }
0x14: {  	s2 =	sld [smem:$0x3F9C];
	s0 =	simm.s32 @p1 $0x1  }
0x15: {  	[smem:$0x3FB9] =	sst s0;
	s0 =	simm.s32 @!p2 $0x0  }
0x16: {  	s3 =	sld [smem:$0x3FDB];
	s0 =	simm.s32 @p2 $0x1  }
0x17: {  	s4 =	simm.s32 $0x1BF5;
	[smem:$0x3FBB] =	sst s0  }
0x18: {  	s0 =	sld [smem:$0x3F9E];
	_ =	swait.ge [sflag:s4], $0x0  }
0x19: {  	s7 =	sld [smem:$0x3F9F]  }
0x1a: {  	s8 =	sadd.s32 $0xFFFFE003, lr  }
0x1b: {  	s9 =	sadd.s32 $0xFFFFFEF7, lr;
	s5 =	simm.s32 $0xFFFFFFFF;
	p2 =	slt.u32 s8, $0xFFFFF086  }
0x1c: {  	p1 =	slt.u32 s9, $0xF7A;
	s5 =	simm.s32 @!p2 $0x0  }
0x1d: {  	s5 =	simm.s32 @p1 $0x1;
	p0 =	seq.s32 s7, s2  }
0x1e: {  	s7 =	smul.u32 @!p0 $0xF7A, s2;
	p2 =	seq.s32 @!p0 s5, $0x0  }
0x1f: {  	s9 =	smul.u32 $0xF7A, s1;
	s8 =	simm.s32 @!p0 $0x1BF5;
	p2 =	por !p2, p0  }
0x20: {  	[sflag:s8] =	ssyncset.s32 @!p0 $0xFFFFF086;
	s6 =	sadd.s32 @!p0 s3, s7;
	s7 =	simm.s32 @!p0 $0x108  }
0x21: {  	s3 =	sadd.s32 s3, s9;
	s6 =	sadd.s32 @!p0 $0x88, s6;
	s7 =	simm.s32 @p2 $0x1082  }
0x22: {  	[simem:s7], [sflag:s8] =	dma.local @!p0 [hbm:s6], $0xF7A  }
0x23: {  	s9 =	sor.u32 $0xD0000000, s2;
	s6 =	simm.s32 $0x108;
	_ =	swait.ge @!p0 [sflag:s8], $0x0  }
0x24: {  	s3 =	sadd.s32 $0x88, s3;
	s6 =	simm.s32 @!p1 $0x1082;
	[sflag:s4] =	ssyncset.s32 $0xFFFFF086  }
0x25: {  	[simem:s6], [sflag:s4] =	dma.local [hbm:s3], $0xF7A  }
0x26: {  	[smem:$0x3F9F] =	sst s1;
	(tag) =	ssettag s2;
	_ =	strace s9  }
0x27: {  	s1 =	sld [smem:$0x3FAF]  }
0x28: {  	s2 =	sld [smem:$0x3FB0]  }
0x29: {  	s4 =	sld [smem:$0x3FB2]  }
0x2a: {  	p0 =	seq.s32 s5, $0x0;
	s5 =	sld [smem:$0x3FB3]  }
0x2b: {  	s6 =	sld [smem:$0x3FB4]  }
0x2c: {  	s7 =	sld [smem:$0x3FB5]  }
0x2d: {  	s3 =	simm.s32 $0x108;
	s8 =	sld [smem:$0x3FB6]  }
0x2e: {  	s3 =	simm.s32 @!p0 $0x1082;
	s9 =	sld [smem:$0x3FB7]  }
0x2f: {  	lr =	sadd.s32 s0, s3;
	s0 =	sld [smem:$0x3FAE]  }
0x30: {  	s3 =	sld [smem:$0x3FB1]  }
0x31: {  	[smem:$0x3FBA] =	sst s10  }
0x32: {  	s10 =	sld [smem:$0x3FB8];
	_ =	sdelay $0x3  }
0x33: {  	p0 =	seq.s32 s10, $0x1;
	s10 =	sld [smem:$0x3FBA];
	_ =	sdelay $0x3  }
0x34: {  	[smem:$0x3FBA] =	sst s10  }
0x35: {  	s10 =	sld [smem:$0x3FB9];
	_ =	sdelay $0x3  }
0x36: {  	p1 =	seq.s32 s10, $0x1;
	s10 =	sld [smem:$0x3FBA];
	_ =	sdelay $0x3  }
0x37: {  	[smem:$0x3FBA] =	sst s10  }
0x38: {  	s10 =	sld [smem:$0x3FBB]  }
0x39: {  	_ = 	snop;
	(pc) =	sbr.ind lr, $3  }
0x3a: {  	_ = 	snop  }
0x3b: {  	_ = 	snop  }
0x3c: {  	p2 =	seq.s32 s10, $0x1;
	s10 =	sld [smem:$0x3FBA]  }
0x3d: {  	_ =	shalt  }
0x3e: {  	_ =	shalt  }
0x3f: {  	_ =	shalt  }
0x40: {  	_ =	shalt  }
0x41: {  	_ =	shalt  }
0x42: {  	_ =	shalt  }
0x43: {  	_ =	shalt  }
0x44: {  	_ =	shalt  }
0x45: {  	_ =	shalt  }
0x46: {  	_ =	shalt  }
0x47: {  	_ =	shalt  }
0x48: {  	_ =	shalt  }
0x49: {  	_ =	shalt  }
0x4a: {  	_ =	shalt  }
0x4b: {  	_ =	shalt  }
0x4c: {  	_ =	shalt  }
0x4d: {  	_ =	shalt  }
0x4e: {  	_ =	shalt  }
0x4f: {  	_ =	shalt  }
0x50: {  	_ =	shalt  }
0x51: {  	_ =	shalt  }
0x52: {  	_ =	shalt  }
0x53: {  	_ =	shalt  }
0x54: {  	_ =	shalt  }
0x55: {  	_ =	shalt  }
0x56: {  	_ =	shalt  }
0x57: {  	_ =	shalt  }
0x58: {  	_ =	shalt  }
0x59: {  	_ =	shalt  }
0x5a: {  	_ =	shalt  }
0x5b: {  	_ =	shalt  }
0x5c: {  	_ =	shalt  }
0x5d: {  	_ =	shalt  }
0x5e: {  	_ =	shalt  }
0x5f: {  	_ =	shalt  }
0x60: {  	_ =	shalt  }
0x61: {  	_ =	shalt  }
0x62: {  	_ =	shalt  }
0x63: {  	_ =	shalt  }
0x64: {  	_ =	shalt  }
0x65: {  	_ =	shalt  }
0x66: {  	_ =	shalt  }
0x67: {  	_ =	shalt  }
0x68: {  	_ =	shalt  }
0x69: {  	_ =	shalt  }
0x6a: {  	_ =	shalt  }
0x6b: {  	_ =	shalt  }
0x6c: {  	_ =	shalt  }
0x6d: {  	_ =	shalt  }
0x6e: {  	_ =	shalt  }
0x6f: {  	_ =	shalt  }
0x70: {  	_ =	shalt  }
0x71: {  	_ =	shalt  }
0x72: {  	_ =	shalt  }
0x73: {  	_ =	shalt  }
0x74: {  	_ =	shalt  }
0x75: {  	_ =	shalt  }
0x76: {  	_ =	shalt  }
0x77: {  	_ =	shalt  }
0x78: {  	_ =	shalt  }
0x79: {  	_ =	shalt  }
0x7a: {  	_ =	shalt  }
0x7b: {  	_ =	shalt  }
0x7c: {  	_ =	shalt  }
0x7d: {  	_ =	shalt  }
0x7e: {  	_ =	shalt  }
0x7f: {  	_ =	shalt  }
0x80: {  	_ =	shalt  }
0x81: {  	_ =	shalt  }
0x82: {  	_ =	shalt  }
0x83: {  	_ =	shalt  }
0x84: {  	_ =	shalt  }
0x85: {  	_ =	shalt  }
0x86: {  	_ =	shalt  }
0x87: {  	_ =	shalt  }
.Lfunc_end0:
.L_simem_size_0:
called_computation.1_lowered:
.L_overlay_start_0:
0x88: {  	s2 =	sld [smem:$0x3FD9]  }
0x89: {  	s3 =	sld [smem:$0x3FFE];
	_ =	sdelay $0x1  }
0x8a: {  	s1 =	srdreg.scid  }
0x8b: {  	s0 =	sand.u32 $0x1, s1  }
0x8c: {  	s17 =	sshll.u32 s0, $0xA;
	s2 =	sadd.s32 s3, s2  }
0x8d: {  	s2 =	sadd.s32 s2, s17  }
0x8e: {  	[smem:$0x3FC6] =	sst s2  }
0x8f: {  	_ = 	snop  }
0x90: {  	s2 =	sld [smem:$0x3FD0];
	(tm) =	ssettm $0x1  }
0x91: {  	s18 =	sld [smem:$0x3FFB];
	_ =	sdelay $0x3  }
0x92: {  	_ =	strace s18  }
0x93: {  	s3 =	sld [smem:$0x3FFC];
	_ =	sdelay $0x3  }
0x94: {  	_ =	strace s3  }
0x95: {  	s3 =	sld [smem:$0x3FFD];
	_ =	sdelay $0x3  }
0x96: {  	_ =	strace s3  }
0x97: {  	_ =	strace $0x8FFFFFFF  }
0x98: {  	s19 =	sld [smem:$0x3FDB];
	_ =	sdelay $0x1  }
0x99: {  	s4 =	simm.s32 $_scs_section_size  }
0x9a: {  	s5 =	simm.s32 $_size__tile_overlayer_lowered;
	s6 =	simm.s32 $_tile_overlayer_lowered  }
0x9b: {  	s22 =	simm.s32 $0x1BFF;
	s21 =	sshll.u32 s6, $0x1;
	s3 =	sadd.s32 s4, s19  }
0x9c: {  	s7 =	simm.s32 $0x0;
	s20 =	sshll.u32 s5, $0x1;
	s5 =	sadd.s32 s21, s3  }
0x9d: {  	[timem:s7], [sflag:s22] =	dma.local [hbm:s5], s20  }
0x9e: {  	_ =	swait.ge [sflag:s22], s20  }
0x9f: {  	s4 =	ssub.s32 $0x0, s20;
	[sflag:s22] =	ssyncset.done $0x0  }
0xa0: {  	[sflag:s22] =	ssyncadd.s32 s4;
	_ =	sdelay $0x1  }
0xa1: {  	s23 =	simm.s32 $0x1B8B  }
0xa2: {  	_ =	swait.ge [sflag:s23], $0x1  }
0xa3: {  	[sflag:s23] =	ssyncset.done $0x0  }
0xa4: {  	s25 =	simm.s32 $0x1B8E;
	s24 =	sld [smem:$0x3FFE];
	[sflag:s23] =	ssyncadd.s32 $0xFFFFFFFF  }
0xa5: {  	s26 =	simm.s32 $execute0_lowered;
	[smem:$0x3FD2] =	sst s25  }
0xa6: {  	s5 =	sshll.u32 s26, $0x1;
	_ =	strace $0x80000046;
	[dreg:$0x1] =	wrdreg $0xFFFFFFFF  }
0xa7: {  	s28 =	simm.s32 $_size_execute0_lowered;
	s3 =	sadd.s32 s3, s5;
	[dreg:$0x0] =	wrdreg $0x0  }
0xa8: {  	s5 =	sshll.u32 s28, $0x1;
	[dreg:$0x2] =	wrdreg s3  }
0xa9: {  	[dreg:$0x3] =	wrdreg s5  }
0xaa: {  	[dreg:$0x4] =	wrdreg $0xC0  }
0xab: {  	_ =	task [dreg:s7], $0x5FFFF  }
0xac: {  	[dreg:$0x1] =	wrdreg $0xFFFFFFFF  }
0xad: {  	[dreg:$0x0] =	wrdreg $0x60  }
0xae: {  	[dreg:$0x2] =	wrdreg s24  }
0xaf: {  	[dreg:$0x3] =	wrdreg s2  }
0xb0: {  	[dreg:$0x4] =	wrdreg $0x9  }
0xb1: {  	_ =	task.clear_ibuf [dreg:s7], $0x5FFFF;
	_ =	strace $0x90000046  }
0xb2: {  	s29 =	simm.s32 $0x9;
	_ =	strace $0x80000048  }
0xb3: {  	_ =	swait.ge [sflag:s29], $0x1  }
0xb4: {  	[sflag:s29] =	ssyncadd.s32 $0xFFFFFFFF  }
0xb5: {  	_ =	strace $0x90000048  }
0xb6: {  	_ =	sfence  }
0xb7: {  	s30 =	sld [smem:$0x0];
	_ =	sdelay $0x2  }
0xb8: {  	s31 =	sshll.u32 s1, $0xD;
	s1 =	sshrl.u32 s1, $0x2  }
0xb9: {  	s3 =	sand.u32 $0x4000, s31;
	s1 =	sadd.s32 s1, s30  }
0xba: {  	s0 =	sor.u32 s3, s0;
	s1 =	sshll.u32 s1, $0x11  }
0xbb: {  	s0 =	sor.u32 s1, s0  }
0xbc: {  	s0 =	sadd.s32 $0x8F2B, s0  }
0xbd: {  	[sflag:s0] =	ssyncadd.remote.s32 $0x1  }
0xbe: {  	_ =	sfence.sel $0xFFFF  }
0xbf: {  	[dreg:$0x0] =	wrdreg $0xFFFFFFFF;
	(pc) =	sbr.abs _section_cstart, $3  }
0xc0: {  	[dreg:$0x1] =	wrdreg $0xFFFFFFFF  }
0xc1: {  	_ =	task.clear_ibuf [dreg:s7], $0x2FFFF;
	_ =	strace $0x9FFFFFFF  }
0xc2: {  	(tm) =	ssettm $0x7FFFFFFF  }
0xc3: {  	_ =	shalt  }
tec
execute0_lowered:
.L_overlay_start_1:
0x0: {  	(tag) =	ssettag $0x1  }
0x1: {  	s0 =	srdreg.scid  }
0x2: {  	s8 =	stileid.u32;
	s3 =	rddreg [dreg:$0x0]  }
0x3: {  	s4 =	rddreg [dreg:$0x1];
	s2 =	simm.s32 $0x0;
	s30 =	simm.s32 $0xA  }
0x4: {  	s10 =	simm.s32 $0xD;
	s11 =	simm.s32 $0xE;
	s12 =	simm.s32 $0xF  }
0x5: {  	s0 =	sand.u32 $0x1, s0;
	s1 =	sshll.u32 s8, $0x1;
	s8 =	smul.u32 $0x190, s8  }
0x6: {  	s1 =	sor.u32 s0, s1;
	s9 =	ssub.s32 $0x2, s0;
	s0 =	smul.u32 $0xC8, s0  }
0x7: {  	s13 =	simm.s32 $0x10;
	[smem:$0x7FF] =	sst s2;
	s5 =	smul.u32 $0xC80, s1  }
0x8: {  	s29 =	simm.s32 $0x1;
	_ =	strace $0x80000047;
	s6 =	smul.u32 $0xC8000, s1  }
0x9: {  	s1 =	smul.u32 $0x48000, s1;
	s14 =	sshrl.u32 s9, $0x1;
	s0 =	sadd.s32 s0, s8  }
0xa: {  	s8 =	simm.s32 $0x6400;
	s5 =	sadd.s32 s5, s3;
	s7 =	sand.u32 $0x1F80000, s6  }
0xb: {  	s1 =	sand.u32 $0x78000, s1;
	s3 =	sadd.s32 $0x1CA00, s3;
	s0 =	sshll.u32 s0, $0x9  }
0xc: {  	s19 =	sshrl.u32 s6, $0x3;
	s6 =	simm.s32 $0x7;
	s1 =	sor.u32 s1, s7  }
0xd: {  	s7 =	ssub.s32 s9, s14;
	s16 =	sadd.s32 $0xA00, s5;
	s21 =	sadd.s32 s4, s19  }
0xe: {  	s5 =	simm.s32 $0xB;
	[dreg:$0x8] =	wrdreg s16;
	s24 =	sadd.s32 $0x18A00, s21  }
0xf: {  	s9 =	simm.s32 $0x8;
	s26 =	sadd.s32 $0x18C00, s21;
	[dreg:$0xd] =	wrdreg s24  }
0x10: {  	s1 =	sshrl.u32 s1, $0x3;
	s31 =	smax.u32 s7, $0x1;
	[dreg:$0xe] =	wrdreg s26  }
0x11: {  	s14 =	simm.s32 $0x0;
	s15 =	sadd.s32 s4, s1;
	[dreg:$0x10] =	wrdreg s31  }
0x12: {  	s16 =	simm.s32 $0x80;
	s17 =	sadd.s32 $0x200, s15;
	[dreg:$0x7] =	wrdreg s15  }
0x13: {  	s7 =	simm.s32 $0xC;
	s18 =	sadd.s32 $0x400, s15;
	[dreg:$0x9] =	wrdreg s17  }
0x14: {  	s24 =	simm.s32 $0x1;
	s20 =	sadd.s32 $0x600, s15;
	[dreg:$0xa] =	wrdreg s18  }
0x15: {  	s17 =	sadd.s32 s0, s4;
	[dreg:$0xb] =	wrdreg s20;
	s4 =	sadd.s32 $0x18800, s21  }
0x16: {  	s1 =	simm.s32 $0x3;
	s0 =	sadd.s32 $0x18E00, s21;
	[dreg:$0xc] =	wrdreg s4  }
0x17: {  	s26 =	simm.s32 $0x5;
	s22 =	sadd.s32 $0xC00, s17;
	[dreg:$0xf] =	wrdreg s0  }
0x18: {  	s15 =	simm.s32 $0x7400;
	s23 =	sadd.s32 $0x800, s17;
	[dreg:$0x3] =	wrdreg s22  }
0x19: {  	s18 =	simm.s32 $0x8400;
	s25 =	sadd.s32 $0x1000, s17;
	[dreg:$0x4] =	wrdreg s23  }
0x1a: {  	s28 =	sadd.s32 $0x1400, s17;
	s0 =	simm.s32 $0x6;
	[dreg:$0x5] =	wrdreg s25  }
0x1b: {  	[dreg:$0x6] =	wrdreg s28;
	s25 =	simm.s32 $0x2;
	s23 =	simm.s32 $0x4  }
.LBB2_1:
0x1c: {  	[dreg:$0x11] =	wrdreg s14  }
0x1d: {  	s4 =	rddreg [dreg:$0x8];
	s31 =	simm.s32 $0x11  }
0x1e: {  	[tilespmem:s2], [sflag:$0x11] =	stream.linear.gather [hbm4b:s4+s2], $0x6400, $0x38;
	[tilespmem:$0xE400] =	vst v63  }
0x1f: {  	_ =	swait.ge [sflag:s31], $0x6400  }
0x20: {  	[sflag:s31] =	ssyncset.done $0x0  }
0x21: {  	[sflag:s31] =	ssyncadd.s32 $0xFFFF9C00  }
0x22: {  	[tilespmem:s8], [sflag:$0x1] =	stream.indirect.gather [hbm4b:s3+s16], $0x20, s2, s16, $0xb8;
	[tilespmem:$0xE400] =	vst v63  }
0x23: {  	_ = 	snop  }
0x24: {  	[tilespmem:s15], [sflag:$0x2] =	stream.indirect.gather [hbm4b:s3+s16], $0x20, s16, s16, $0xb8;
	[tilespmem:$0xE400] =	vst v63  }
0x25: {  	s14 =	simm.s32 $0x100  }
0x26: {  	[tilespmem:s18], [sflag:$0x3] =	stream.indirect.gather [hbm4b:s3+s16], $0x20, s14, s16, $0xb8;
	[tilespmem:$0xE400] =	vst v63  }
0x27: {  	s19 =	simm.s32 $0x180;
	s20 =	simm.s32 $0x9400  }
0x28: {  	[tilespmem:s20], [sflag:$0x4] =	stream.indirect.gather [hbm4b:s3+s16], $0x20, s19, s16, $0xb8;
	[tilespmem:$0xE400] =	vst v63  }
0x29: {  	s21 =	simm.s32 $0x200;
	s19 =	simm.s32 $0xA400  }
0x2a: {  	[tilespmem:s19], [sflag:$0x5] =	stream.indirect.gather [hbm4b:s3+s16], $0x20, s21, s16, $0xb8;
	[tilespmem:$0xE400] =	vst v63  }
0x2b: {  	_ =	swait.ge [sflag:s24], $0x1000  }
0x2c: {  	[sflag:s24] =	ssyncset.done $0x0  }
0x2d: {  	s22 =	rddreg [dreg:$0x7];
	[sflag:s24] =	ssyncadd.s32 $0xFFFFF000  }
0x2e: {  	[hbm4b:s22+s2] =	stream.linear.scatter [tilespmem:s8], [sflag:$0x9], $0x1000, $0x38;
	[tilespmem:$0xE400] =	vst v63  }
0x2f: {  	s28 =	simm.s32 $0x280;
	s22 =	simm.s32 $0xB400  }
0x30: {  	[tilespmem:s22], [sflag:$0x6] =	stream.indirect.gather [hbm4b:s3+s16], $0x20, s28, s16, $0xb8;
	[tilespmem:$0xE400] =	vst v63  }
0x31: {  	_ =	swait.ge [sflag:s25], $0x1000  }
0x32: {  	[sflag:s25] =	ssyncset.done $0x0  }
0x33: {  	s31 =	rddreg [dreg:$0x9];
	[sflag:s25] =	ssyncadd.s32 $0xFFFFF000  }
0x34: {  	[hbm4b:s31+s2] =	stream.linear.scatter [tilespmem:s15], [sflag:$0xA], $0x1000, $0x38;
	[tilespmem:$0xE400] =	vst v63  }
0x35: {  	s14 =	simm.s32 $0x300;
	s28 =	simm.s32 $0xC400  }
0x36: {  	[tilespmem:s28], [sflag:$0x7] =	stream.indirect.gather [hbm4b:s3+s16], $0x20, s14, s16, $0xb8;
	[tilespmem:$0xE400] =	vst v63  }
0x37: {  	_ =	swait.ge [sflag:s1], $0x1000  }
0x38: {  	[sflag:s1] =	ssyncset.done $0x0  }
0x39: {  	s21 =	rddreg [dreg:$0xa];
	[sflag:s1] =	ssyncadd.s32 $0xFFFFF000  }
0x3a: {  	[hbm4b:s21+s2] =	stream.linear.scatter [tilespmem:s18], [sflag:$0xB], $0x1000, $0x38;
	[tilespmem:$0xE400] =	vst v63  }
0x3b: {  	s31 =	simm.s32 $0x380;
	s21 =	simm.s32 $0xD400  }
0x3c: {  	[tilespmem:s21], [sflag:$0x8] =	stream.indirect.gather [hbm4b:s3+s16], $0x20, s31, s16, $0xb8;
	[tilespmem:$0xE400] =	vst v63  }
0x3d: {  	_ =	swait.ge [sflag:s23], $0x1000  }
0x3e: {  	[sflag:s23] =	ssyncset.done $0x0  }
0x3f: {  	s31 =	simm.s32 $0x9;
	s14 =	rddreg [dreg:$0xb];
	[sflag:s23] =	ssyncadd.s32 $0xFFFFF000  }
0x40: {  	[hbm4b:s14+s2] =	stream.linear.scatter [tilespmem:s20], [sflag:$0xC], $0x1000, $0x38;
	[tilespmem:$0xE400] =	vst v63  }
0x41: {  	_ =	swait.ge [sflag:s31], $0x1000  }
0x42: {  	[sflag:s31] =	ssyncset.done $0x0  }
0x43: {  	s14 =	simm.s32 $0x400;
	[sflag:s31] =	ssyncadd.s32 $0xFFFFF000  }
0x44: {  	[tilespmem:s8], [sflag:$0x1] =	stream.indirect.gather [hbm4b:s3+s16], $0x20, s14, s16, $0xb8;
	[tilespmem:$0xE400] =	vst v63  }
0x45: {  	_ =	swait.ge [sflag:s26], $0x1000  }
0x46: {  	s31 =	rddreg [dreg:$0x4];
	[sflag:s26] =	ssyncset.done $0x0  }
0x47: {  	[sflag:s26] =	ssyncadd.s32 $0xFFFFF000;
	s4 =	sadd.s32 $0x0, s31  }
0x48: {  	[hbm4b:s4+s2] =	stream.linear.scatter [tilespmem:s19], [sflag:$0xD], $0x1000, $0x38;
	[tilespmem:$0xE400] =	vst v63  }
0x49: {  	_ =	swait.ge [sflag:s30], $0x1000  }
0x4a: {  	[sflag:s30] =	ssyncset.done $0x0  }
0x4b: {  	s14 =	simm.s32 $0x480;
	[sflag:s30] =	ssyncadd.s32 $0xFFFFF000  }
0x4c: {  	[tilespmem:s15], [sflag:$0x2] =	stream.indirect.gather [hbm4b:s3+s16], $0x20, s14, s16, $0xb8;
	[tilespmem:$0xE400] =	vst v63  }
0x4d: {  	_ =	swait.ge [sflag:s0], $0x1000  }
0x4e: {  	s4 =	sadd.s32 $0x0, s17;
	[sflag:s0] =	ssyncset.done $0x0  }
0x4f: {  	s31 =	sadd.s32 $0xA00, s4;
	[sflag:s0] =	ssyncadd.s32 $0xFFFFF000  }
0x50: {  	[hbm4b:s31+s2] =	stream.linear.scatter [tilespmem:s22], [sflag:$0xE], $0x1000, $0x38;
	[tilespmem:$0xE400] =	vst v63  }
0x51: {  	_ =	swait.ge [sflag:s5], $0x1000  }
0x52: {  	[sflag:s5] =	ssyncset.done $0x0  }
0x53: {  	s31 =	simm.s32 $0x500;
	[sflag:s5] =	ssyncadd.s32 $0xFFFFF000  }
0x54: {  	[tilespmem:s18], [sflag:$0x3] =	stream.indirect.gather [hbm4b:s3+s16], $0x20, s31, s16, $0xb8;
	[tilespmem:$0xE400] =	vst v63  }
0x55: {  	_ =	swait.ge [sflag:s6], $0x1000  }
0x56: {  	s31 =	rddreg [dreg:$0x3];
	[sflag:s6] =	ssyncset.done $0x0  }
0x57: {  	[sflag:s6] =	ssyncadd.s32 $0xFFFFF000;
	s14 =	sadd.s32 $0x0, s31  }
0x58: {  	[hbm4b:s14+s2] =	stream.linear.scatter [tilespmem:s28], [sflag:$0xF], $0x1000, $0x38;
	[tilespmem:$0xE400] =	vst v63  }
0x59: {  	_ =	swait.ge [sflag:s7], $0x1000  }
0x5a: {  	[sflag:s7] =	ssyncset.done $0x0  }
0x5b: {  	s31 =	simm.s32 $0x580;
	[sflag:s7] =	ssyncadd.s32 $0xFFFFF000  }
0x5c: {  	[tilespmem:s20], [sflag:$0x4] =	stream.indirect.gather [hbm4b:s3+s16], $0x20, s31, s16, $0xb8;
	[tilespmem:$0xE400] =	vst v63  }
0x5d: {  	_ =	swait.ge [sflag:s9], $0x1000  }
0x5e: {  	[sflag:s9] =	ssyncset.done $0x0  }
0x5f: {  	s4 =	sadd.s32 $0xE00, s4;
	[sflag:s9] =	ssyncadd.s32 $0xFFFFF000  }
0x60: {  	[hbm4b:s4+s2] =	stream.linear.scatter [tilespmem:s21], [sflag:$0x10], $0x1000, $0x38;
	[tilespmem:$0xE400] =	vst v63  }
0x61: {  	_ =	swait.ge [sflag:s10], $0x1000  }
0x62: {  	[sflag:s10] =	ssyncset.done $0x0  }
0x63: {  	s31 =	simm.s32 $0x600;
	[sflag:s10] =	ssyncadd.s32 $0xFFFFF000  }
0x64: {  	[tilespmem:s19], [sflag:$0x5] =	stream.indirect.gather [hbm4b:s3+s16], $0x20, s31, s16, $0xb8;
	[tilespmem:$0xE400] =	vst v63  }
0x65: {  	_ =	swait.ge [sflag:s24], $0x1000  }
0x66: {  	s14 =	rddreg [dreg:$0x5];
	[sflag:s24] =	ssyncset.done $0x0  }
0x67: {  	[sflag:s24] =	ssyncadd.s32 $0xFFFFF000;
	s19 =	sadd.s32 $0x0, s14  }
0x68: {  	[hbm4b:s19+s2] =	stream.linear.scatter [tilespmem:s8], [sflag:$0x9], $0x1000, $0x38;
	[tilespmem:$0xE400] =	vst v63  }
0x69: {  	_ =	swait.ge [sflag:s11], $0x1000  }
0x6a: {  	[sflag:s11] =	ssyncset.done $0x0  }
0x6b: {  	s20 =	simm.s32 $0x680;
	[sflag:s11] =	ssyncadd.s32 $0xFFFFF000  }
0x6c: {  	[tilespmem:s22], [sflag:$0x6] =	stream.indirect.gather [hbm4b:s3+s16], $0x20, s20, s16, $0xb8;
	[tilespmem:$0xE400] =	vst v63  }
0x6d: {  	_ =	swait.ge [sflag:s25], $0x1000  }
0x6e: {  	[sflag:s25] =	ssyncset.done $0x0  }
0x6f: {  	s24 =	sadd.s32 $0x200, s19;
	[sflag:s25] =	ssyncadd.s32 $0xFFFFF000  }
0x70: {  	[hbm4b:s24+s2] =	stream.linear.scatter [tilespmem:s15], [sflag:$0xA], $0x1000, $0x38;
	[tilespmem:$0xE400] =	vst v63  }
0x71: {  	_ =	swait.ge [sflag:s12], $0x1000  }
0x72: {  	[sflag:s12] =	ssyncset.done $0x0  }
0x73: {  	s25 =	simm.s32 $0x700;
	[sflag:s12] =	ssyncadd.s32 $0xFFFFF000  }
0x74: {  	[tilespmem:s28], [sflag:$0x7] =	stream.indirect.gather [hbm4b:s3+s16], $0x20, s25, s16, $0xb8;
	[tilespmem:$0xE400] =	vst v63  }
0x75: {  	_ =	swait.ge [sflag:s1], $0x1000  }
0x76: {  	s28 =	rddreg [dreg:$0x6];
	[sflag:s1] =	ssyncset.done $0x0  }
0x77: {  	[sflag:s1] =	ssyncadd.s32 $0xFFFFF000;
	s4 =	sadd.s32 $0x0, s28  }
0x78: {  	[hbm4b:s4+s2] =	stream.linear.scatter [tilespmem:s18], [sflag:$0xB], $0x1000, $0x38;
	[tilespmem:$0xE400] =	vst v63  }
0x79: {  	_ =	swait.ge [sflag:s13], $0x1000  }
0x7a: {  	[sflag:s13] =	ssyncset.done $0x0  }
0x7b: {  	s31 =	simm.s32 $0x780;
	[sflag:s13] =	ssyncadd.s32 $0xFFFFF000  }
0x7c: {  	[tilespmem:s21], [sflag:$0x8] =	stream.indirect.gather [hbm4b:s3+s16], $0x20, s31, s16, $0xb8;
	[tilespmem:$0xE400] =	vst v63  }
0x7d: {  	s14 =	sadd.s32 $0x600, s19;
	_ =	swait.ge [sflag:s23], $0x1000  }
0x7e: {  	s20 =	simm.s32 $0x6400;
	s22 =	simm.s32 $0x7400;
	[sflag:s23] =	ssyncset.done $0x0  }
0x7f: {  	s24 =	simm.s32 $0x8400;
	s4 =	simm.s32 $0x1000;
	[sflag:s23] =	ssyncadd.s32 $0xFFFFF000  }
.LBB2_2:
0x80: {  	s31 =	simm.s32 $0x9400;
	s1 =	simm.s32 $0x9  }
0x81: {  	[hbm4b:s14+s2] =	stream.linear.scatter [tilespmem:s31], [sflag:$0xC], $0x1000, $0x38;
	[tilespmem:$0xE400] =	vst v63  }
0x82: {  	s14 =	smov.u32 s4;
	_ =	swait.ge [sflag:s1], $0x1000  }
0x83: {  	s15 =	sshra.s32 s14, $0x2;
	[sflag:s1] =	ssyncset.done $0x0  }
0x84: {  	s8 =	sadd.s32 $0x400, s15;
	[sflag:s1] =	ssyncadd.s32 $0xFFFFF000  }
0x85: {  	[tilespmem:s20], [sflag:$0x1] =	stream.indirect.gather [hbm4b:s3+s16], $0x20, s8, s16, $0xb8;
	[tilespmem:$0xE400] =	vst v63  }
0x86: {  	_ =	swait.ge [sflag:s26], $0x1000  }
0x87: {  	s19 =	rddreg [dreg:$0x4];
	[sflag:s26] =	ssyncset.done $0x0  }
0x88: {  	[sflag:s26] =	ssyncadd.s32 $0xFFFFF000;
	s8 =	sadd.s32 s14, s19;
	s19 =	simm.s32 $0xA400  }
0x89: {  	[hbm4b:s8+s2] =	stream.linear.scatter [tilespmem:s19], [sflag:$0xD], $0x1000, $0x38;
	[tilespmem:$0xE400] =	vst v63  }
0x8a: {  	_ =	swait.ge [sflag:s30], $0x1000  }
0x8b: {  	[sflag:s30] =	ssyncset.done $0x0  }
0x8c: {  	s21 =	sadd.s32 $0x480, s15;
	[sflag:s30] =	ssyncadd.s32 $0xFFFFF000  }
0x8d: {  	[tilespmem:s22], [sflag:$0x2] =	stream.indirect.gather [hbm4b:s3+s16], $0x20, s21, s16, $0xb8;
	[tilespmem:$0xE400] =	vst v63  }
0x8e: {  	_ =	swait.ge [sflag:s0], $0x1000  }
0x8f: {  	s8 =	sadd.s32 s14, s17;
	[sflag:s0] =	ssyncset.done $0x0  }
0x90: {  	s25 =	simm.s32 $0xB400;
	s23 =	sadd.s32 $0xA00, s8;
	[sflag:s0] =	ssyncadd.s32 $0xFFFFF000  }
0x91: {  	[hbm4b:s23+s2] =	stream.linear.scatter [tilespmem:s25], [sflag:$0xE], $0x1000, $0x38;
	[tilespmem:$0xE400] =	vst v63  }
0x92: {  	_ =	swait.ge [sflag:s5], $0x1000  }
0x93: {  	[sflag:s5] =	ssyncset.done $0x0  }
0x94: {  	s1 =	sadd.s32 $0x500, s15;
	[sflag:s5] =	ssyncadd.s32 $0xFFFFF000  }
0x95: {  	[tilespmem:s24], [sflag:$0x3] =	stream.indirect.gather [hbm4b:s3+s16], $0x20, s1, s16, $0xb8;
	[tilespmem:$0xE400] =	vst v63  }
0x96: {  	_ =	swait.ge [sflag:s6], $0x1000  }
0x97: {  	s18 =	smov.u32 s17;
	s21 =	rddreg [dreg:$0x3];
	[sflag:s6] =	ssyncset.done $0x0  }
0x98: {  	s1 =	simm.s32 $0xC400;
	[sflag:s6] =	ssyncadd.s32 $0xFFFFF000;
	s17 =	sadd.s32 s14, s21  }
0x99: {  	[hbm4b:s17+s2] =	stream.linear.scatter [tilespmem:s1], [sflag:$0xF], $0x1000, $0x38;
	[tilespmem:$0xE400] =	vst v63  }
0x9a: {  	_ =	swait.ge [sflag:s7], $0x1000  }
0x9b: {  	[sflag:s7] =	ssyncset.done $0x0  }
0x9c: {  	s23 =	sadd.s32 $0x580, s15;
	[sflag:s7] =	ssyncadd.s32 $0xFFFFF000  }
0x9d: {  	[tilespmem:s31], [sflag:$0x4] =	stream.indirect.gather [hbm4b:s3+s16], $0x20, s23, s16, $0xb8;
	[tilespmem:$0xE400] =	vst v63  }
0x9e: {  	_ =	swait.ge [sflag:s9], $0x1000  }
0x9f: {  	[sflag:s9] =	ssyncset.done $0x0  }
0xa0: {  	s8 =	sadd.s32 $0xE00, s8;
	s23 =	simm.s32 $0xD400;
	[sflag:s9] =	ssyncadd.s32 $0xFFFFF000  }
0xa1: {  	[hbm4b:s8+s2] =	stream.linear.scatter [tilespmem:s23], [sflag:$0x10], $0x1000, $0x38;
	[tilespmem:$0xE400] =	vst v63  }
0xa2: {  	_ =	swait.ge [sflag:s10], $0x1000  }
0xa3: {  	[sflag:s10] =	ssyncset.done $0x0  }
0xa4: {  	s17 =	sadd.s32 $0x600, s15;
	[sflag:s10] =	ssyncadd.s32 $0xFFFFF000  }
0xa5: {  	[tilespmem:s19], [sflag:$0x5] =	stream.indirect.gather [hbm4b:s3+s16], $0x20, s17, s16, $0xb8;
	[tilespmem:$0xE400] =	vst v63  }
0xa6: {  	_ =	swait.ge [sflag:s29], $0x1000  }
0xa7: {  	s19 =	rddreg [dreg:$0x5];
	[sflag:s29] =	ssyncset.done $0x0  }
0xa8: {  	[sflag:s29] =	ssyncadd.s32 $0xFFFFF000;
	s8 =	sadd.s32 s14, s19  }
0xa9: {  	[hbm4b:s8+s2] =	stream.linear.scatter [tilespmem:s20], [sflag:$0x9], $0x1000, $0x38;
	[tilespmem:$0xE400] =	vst v63  }
0xaa: {  	_ =	swait.ge [sflag:s11], $0x1000  }
0xab: {  	[sflag:s11] =	ssyncset.done $0x0  }
0xac: {  	s21 =	sadd.s32 $0x680, s15;
	[sflag:s11] =	ssyncadd.s32 $0xFFFFF000  }
0xad: {  	[tilespmem:s25], [sflag:$0x6] =	stream.indirect.gather [hbm4b:s3+s16], $0x20, s21, s16, $0xb8;
	[tilespmem:$0xE400] =	vst v63  }
0xae: {  	s25 =	simm.s32 $0x2  }
0xaf: {  	_ =	swait.ge [sflag:s25], $0x1000  }
0xb0: {  	[sflag:s25] =	ssyncset.done $0x0  }
0xb1: {  	s21 =	sadd.s32 $0x200, s8;
	[sflag:s25] =	ssyncadd.s32 $0xFFFFF000  }
0xb2: {  	[hbm4b:s21+s2] =	stream.linear.scatter [tilespmem:s22], [sflag:$0xA], $0x1000, $0x38;
	[tilespmem:$0xE400] =	vst v63  }
0xb3: {  	_ =	swait.ge [sflag:s12], $0x1000  }
0xb4: {  	[sflag:s12] =	ssyncset.done $0x0  }
0xb5: {  	s17 =	sadd.s32 $0x700, s15;
	[sflag:s12] =	ssyncadd.s32 $0xFFFFF000  }
0xb6: {  	[tilespmem:s1], [sflag:$0x7] =	stream.indirect.gather [hbm4b:s3+s16], $0x20, s17, s16, $0xb8;
	[tilespmem:$0xE400] =	vst v63  }
0xb7: {  	s1 =	simm.s32 $0x3  }
0xb8: {  	_ =	swait.ge [sflag:s1], $0x1000  }
0xb9: {  	s17 =	rddreg [dreg:$0x6];
	[sflag:s1] =	ssyncset.done $0x0  }
0xba: {  	[sflag:s1] =	ssyncadd.s32 $0xFFFFF000;
	s14 =	sadd.s32 s14, s17  }
0xbb: {  	[hbm4b:s14+s2] =	stream.linear.scatter [tilespmem:s24], [sflag:$0xB], $0x1000, $0x38;
	[tilespmem:$0xE400] =	vst v63  }
0xbc: {  	_ =	swait.ge [sflag:s13], $0x1000  }
0xbd: {  	p0 =	sne.s32 s4, $0x17000;
	[sflag:s13] =	ssyncset.done $0x0  }
0xbe: {  	s17 =	smov.u32 s18;
	s18 =	sadd.s32 $0x780, s15;
	[sflag:s13] =	ssyncadd.s32 $0xFFFFF000  }
0xbf: {  	[tilespmem:s23], [sflag:$0x8] =	stream.indirect.gather [hbm4b:s3+s16], $0x20, s18, s16, $0xb8;
	[tilespmem:$0xE400] =	vst v63  }
.Ltmp0:
0xc0: {  	_ = 	snop;
	(pc) =	sbr.rel @p0 .LBB2_2-.Ltmp0, $4  }
0xc1: {  	s28 =	simm.s32 $0x9400;
	s23 =	simm.s32 $0x4  }
0xc2: {  	s4 =	sadd.s32 $0x1000, s4;
	s31 =	simm.s32 $0xA400;
	_ =	swait.ge [sflag:s23], $0x1000  }
0xc3: {  	s19 =	simm.s32 $0xB400;
	s21 =	simm.s32 $0xC400;
	[sflag:s23] =	ssyncset.done $0x0  }
0xc4: {  	s15 =	simm.s32 $0xD400;
	s14 =	sadd.s32 $0x600, s8;
	[sflag:s23] =	ssyncadd.s32 $0xFFFFF000  }
0xc5: {  	[hbm4b:s14+s2] =	stream.linear.scatter [tilespmem:s28], [sflag:$0xC], $0x1000, $0x38;
	[tilespmem:$0xE400] =	vst v63  }
0xc6: {  	_ =	swait.ge [sflag:s26], $0x1000  }
0xc7: {  	[sflag:s26] =	ssyncset.done $0x0  }
0xc8: {  	s4 =	rddreg [dreg:$0xc];
	[sflag:s26] =	ssyncadd.s32 $0xFFFFF000  }
0xc9: {  	[hbm4b:s4+s2] =	stream.linear.scatter [tilespmem:s31], [sflag:$0xD], $0x1000, $0x38;
	[tilespmem:$0xE400] =	vst v63  }
0xca: {  	_ =	swait.ge [sflag:s0], $0x1000  }
0xcb: {  	[sflag:s0] =	ssyncset.done $0x0  }
0xcc: {  	s18 =	rddreg [dreg:$0xd];
	[sflag:s0] =	ssyncadd.s32 $0xFFFFF000  }
0xcd: {  	[hbm4b:s18+s2] =	stream.linear.scatter [tilespmem:s19], [sflag:$0xE], $0x1000, $0x38;
	[tilespmem:$0xE400] =	vst v63  }
0xce: {  	_ =	swait.ge [sflag:s6], $0x1000  }
0xcf: {  	[sflag:s6] =	ssyncset.done $0x0  }
0xd0: {  	s20 =	rddreg [dreg:$0xe];
	[sflag:s6] =	ssyncadd.s32 $0xFFFFF000  }
0xd1: {  	[hbm4b:s20+s2] =	stream.linear.scatter [tilespmem:s21], [sflag:$0xF], $0x1000, $0x38;
	[tilespmem:$0xE400] =	vst v63  }
0xd2: {  	_ =	swait.ge [sflag:s9], $0x1000  }
0xd3: {  	[sflag:s9] =	ssyncset.done $0x0  }
0xd4: {  	s24 =	simm.s32 $0x9;
	s22 =	rddreg [dreg:$0xf];
	[sflag:s9] =	ssyncadd.s32 $0xFFFFF000  }
0xd5: {  	[hbm4b:s22+s2] =	stream.linear.scatter [tilespmem:s15], [sflag:$0x10], $0x1000, $0x38;
	[tilespmem:$0xE400] =	vst v63  }
0xd6: {  	_ =	swait.ge [sflag:s24], $0x1000  }
0xd7: {  	[sflag:s24] =	ssyncset.done $0x0  }
0xd8: {  	[sflag:s24] =	ssyncadd.s32 $0xFFFFF000  }
0xd9: {  	_ =	swait.ge [sflag:s30], $0x1000  }
0xda: {  	[sflag:s30] =	ssyncset.done $0x0  }
0xdb: {  	[sflag:s30] =	ssyncadd.s32 $0xFFFFF000  }
0xdc: {  	_ =	swait.ge [sflag:s5], $0x1000  }
0xdd: {  	[sflag:s5] =	ssyncset.done $0x0  }
0xde: {  	[sflag:s5] =	ssyncadd.s32 $0xFFFFF000  }
0xdf: {  	_ =	swait.ge [sflag:s7], $0x1000  }
0xe0: {  	[sflag:s7] =	ssyncset.done $0x0  }
0xe1: {  	[sflag:s7] =	ssyncadd.s32 $0xFFFFF000  }
0xe2: {  	_ =	swait.ge [sflag:s10], $0x1000  }
0xe3: {  	[sflag:s10] =	ssyncset.done $0x0  }
0xe4: {  	[sflag:s10] =	ssyncadd.s32 $0xFFFFF000  }
0xe5: {  	_ =	swait.ge [sflag:s11], $0x1000  }
0xe6: {  	[sflag:s11] =	ssyncset.done $0x0  }
0xe7: {  	[sflag:s11] =	ssyncadd.s32 $0xFFFFF000  }
0xe8: {  	_ =	swait.ge [sflag:s12], $0x1000  }
0xe9: {  	[sflag:s12] =	ssyncset.done $0x0  }
0xea: {  	[sflag:s12] =	ssyncadd.s32 $0xFFFFF000  }
0xeb: {  	_ =	swait.ge [sflag:s13], $0x1000  }
0xec: {  	s28 =	rddreg [dreg:$0x11]  }
0xed: {  	s31 =	rddreg [dreg:$0x10];
	s14 =	sadd.s32 $0x1, s28  }
0xee: {  	p0 =	sne.s32 s14, s31  }
.Ltmp1:
0xef: {  	_ = 	snop;
	(pc) =	sbr.rel @p0 .LBB2_1-.Ltmp1, $3  }
0xf0: {  	_ =	sdelay $0x1  }
0xf1: {  	s8 =	simm.s32 $0x6400;
	s18 =	simm.s32 $0x8400;
	[sflag:s13] =	ssyncset.done $0x0  }
0xf2: {  	s15 =	simm.s32 $0x7400;
	s24 =	simm.s32 $0x1;
	[sflag:s13] =	ssyncadd.s32 $0xFFFFF000  }
0xf3: {  	_ =	sfence.sel $0x180000  }
0xf4: {  	[bflag:$0x0] =	sbarrier.arrive $0xFFFF  }
0xf5: {  	_ =	strace $0x90000047  }
0xf6: {  	s0 =	stileid.u32;
	[bflag:$0x2] =	sbarrier.arrive $0xFFFF  }
0xf7: {  	p0 =	sne.s32 s0, $0x0;
	s0 =	rddreg [dreg:$0x2]  }
0xf8: {  	s0 =	sadd.s32 @!p0 $0x100000, s0  }
0xf9: {  	[sflag:s0] =	ssyncadd.tile.s32 @!p0 $0x1;
	_ =	shalt  }
.Lfunc_end2:
_tile_overlayer_lowered:
.L_overlay_start_2:
0xfa: {  	(tag) =	ssettag $0x2  }
0xfb: {  	s0 =	rddreg [dreg:$0x0];
	s2 =	stileid.u32  }
0xfc: {  	s1 =	rddreg [dreg:$0x1];
	p0 =	sne.s32 s2, $0x0  }
0xfd: {  	s3 =	rddreg [dreg:$0x2];
	[bflag:$0x3] =	sbarrier.arrive $0xFFFF;
	s2 =	simm.s32 @!p0 $0x1C11  }
0xfe: {  	[timem:s3], [sflag:s2] =	dma.local @!p0 [hbm:s0], s1  }
0xff: {  	s0 =	simm.s32 @!p0 $0x11  }
0x100: {  	_ =	swait.ge @!p0 [sflag:s0], s1  }
0x101: {  	s1 =	ssub.s32 @!p0 $0x0, s1;
	[sflag:s0] =	ssyncset.done @!p0 $0x0  }
0x102: {  	[sflag:s0] =	ssyncadd.s32 @!p0 s1  }
0x103: {  	[bflag:$0x3] =	sbarrier.arrive $0xFFFF  }
0x104: {  	_ =	shalt  }

// kernel: sparse-core-data-format-call.cloned.1.call-start
scs
called_computation_lowered:
.L_overlay_start_0:
0x0: {  	s2 =	sld [smem:$0x3FD9]  }
0x1: {  	s3 =	sld [smem:$0x3FFE];
	_ =	sdelay $0x1  }
0x2: {  	s1 =	srdreg.scid  }
0x3: {  	s0 =	sand.u32 $0x1, s1  }
0x4: {  	s18 =	sshll.u32 s0, $0xA;
	s2 =	sadd.s32 s3, s2  }
0x5: {  	s2 =	sadd.s32 s2, s18  }
0x6: {  	[smem:$0x3FC6] =	sst s2  }
0x7: {  	_ = 	snop  }
0x8: {  	s2 =	sld [smem:$0x3FD0];
	(tm) =	ssettm $0x1  }
0x9: {  	s19 =	sld [smem:$0x3FFB];
	_ =	sdelay $0x3  }
0xa: {  	_ =	strace s19  }
0xb: {  	s3 =	sld [smem:$0x3FFC];
	_ =	sdelay $0x3  }
0xc: {  	_ =	strace s3  }
0xd: {  	s3 =	sld [smem:$0x3FFD];
	_ =	sdelay $0x3  }
0xe: {  	_ =	strace s3  }
0xf: {  	_ =	strace $0x8FFFFFFF  }
0x10: {  	s20 =	sld [smem:$0x3FDB];
	_ =	sdelay $0x1  }
0x11: {  	s4 =	simm.s32 $_scs_section_size  }
0x12: {  	s5 =	simm.s32 $_size__tile_overlayer_lowered;
	s6 =	simm.s32 $_tile_overlayer_lowered  }
0x13: {  	s23 =	simm.s32 $0x1BFF;
	s22 =	sshll.u32 s6, $0x1;
	s3 =	sadd.s32 s4, s20  }
0x14: {  	s7 =	simm.s32 $0x0;
	s21 =	sshll.u32 s5, $0x1;
	s5 =	sadd.s32 s22, s3  }
0x15: {  	[timem:s7], [sflag:s23] =	dma.local [hbm:s5], s21  }
0x16: {  	_ =	swait.ge [sflag:s23], s21  }
0x17: {  	s4 =	ssub.s32 $0x0, s21;
	[sflag:s23] =	ssyncset.done $0x0  }
0x18: {  	[sflag:s23] =	ssyncadd.s32 s4;
	_ =	sdelay $0x1  }
0x19: {  	s24 =	simm.s32 $0x1B8B  }
0x1a: {  	_ =	swait.ge [sflag:s24], $0x1  }
0x1b: {  	[sflag:s24] =	ssyncset.done $0x0  }
0x1c: {  	s26 =	simm.s32 $0x1B8E;
	s25 =	sld [smem:$0x3FFE];
	[sflag:s24] =	ssyncadd.s32 $0xFFFFFFFF  }
0x1d: {  	s27 =	simm.s32 $execute0_lowered;
	[smem:$0x3FD2] =	sst s26  }
0x1e: {  	s5 =	sshll.u32 s27, $0x1;
	_ =	strace $0x80000049;
	[dreg:$0x1] =	wrdreg $0xFFFFFFFF  }
0x1f: {  	s28 =	simm.s32 $_size_execute0_lowered;
	s3 =	sadd.s32 s3, s5;
	[dreg:$0x0] =	wrdreg $0x0  }
0x20: {  	s5 =	sshll.u32 s28, $0x1;
	[dreg:$0x2] =	wrdreg s3  }
0x21: {  	[dreg:$0x3] =	wrdreg s5  }
0x22: {  	[dreg:$0x4] =	wrdreg $0xC0  }
0x23: {  	_ =	task [dreg:s7], $0x5FFFF  }
0x24: {  	[dreg:$0x1] =	wrdreg $0xFFFFFFFF  }
0x25: {  	[dreg:$0x0] =	wrdreg $0x60  }
0x26: {  	[dreg:$0x2] =	wrdreg s25  }
0x27: {  	[dreg:$0x3] =	wrdreg s2  }
0x28: {  	[dreg:$0x4] =	wrdreg $0x9  }
0x29: {  	_ =	task.clear_ibuf [dreg:s7], $0x5FFFF;
	_ =	strace $0x90000049  }
0x2a: {  	s29 =	simm.s32 $0x9;
	_ =	strace $0x8000004B  }
0x2b: {  	_ =	swait.ge [sflag:s29], $0x1  }
0x2c: {  	[sflag:s29] =	ssyncadd.s32 $0xFFFFFFFF  }
0x2d: {  	_ =	strace $0x9000004B  }
0x2e: {  	_ =	sfence  }
0x2f: {  	s30 =	sld [smem:$0x0];
	_ =	sdelay $0x2  }
0x30: {  	s31 =	sshll.u32 s1, $0xD;
	s1 =	sshrl.u32 s1, $0x2  }
0x31: {  	s3 =	sand.u32 $0x4000, s31;
	s1 =	sadd.s32 s1, s30  }
0x32: {  	s0 =	sor.u32 s3, s0;
	s1 =	sshll.u32 s1, $0x11  }
0x33: {  	s0 =	sor.u32 s1, s0  }
0x34: {  	s0 =	sadd.s32 $0x8F2B, s0  }
0x35: {  	[sflag:s0] =	ssyncadd.remote.s32 $0x1  }
0x36: {  	_ =	sfence.sel $0xFFFF  }
0x37: {  	[dreg:$0x0] =	wrdreg $0xFFFFFFFF;
	(pc) =	sbr.abs _section_cstart, $3  }
0x38: {  	[dreg:$0x1] =	wrdreg $0xFFFFFFFF  }
0x39: {  	_ =	task.clear_ibuf [dreg:s7], $0x2FFFF;
	_ =	strace $0x9FFFFFFF  }
0x3a: {  	(tm) =	ssettm $0x7FFFFFFF  }
0x3b: {  	_ =	shalt  }
tec
execute0_lowered:
.L_overlay_start_1:
0x0: {  	(tag) =	ssettag $0x1  }
0x1: {  	s0 =	srdreg.scid  }
0x2: {  	s1 =	sshll.u32 s0, $0x4  }
0x3: {  	s0 =	stileid.u32;
	s1 =	sand.u32 $0x10, s1  }
0x4: {  	s7 =	rddreg [dreg:$0x0];
	s1 =	sor.u32 s0, s1  }
0x5: {  	s4 =	simm.s32 $0x1;
	s8 =	simm.s32 $0x2;
	s2 =	sshll.u32 s1, $0x7  }
0x6: {  	s13 =	simm.s32 $0x0;
	s9 =	simm.s32 $0x20000;
	s1 =	ssub.s32 $0x4000, s2  }
0x7: {  	s14 =	simm.s32 $0x0;
	s11 =	simm.s32 $0x0;
	s3 =	sand.u32 $0xF80, s1  }
0x8: {  	s12 =	simm.s32 $0x0;
	s5 =	sshrl.u32 s1, $0xC;
	p0 =	sne.s32 s3, $0x0  }
.Ltmp0:
0x9: {  	s1 =	rddreg [dreg:$0x2];
	s4 =	simm.s32 @!p0 $0x0;
	(pc) =	sbr.rel .LBB1_1-.Ltmp0, $4  }
0xa: {  	s6 =	sadd.s32 $0xA00, s7;
	s3 =	rddreg [dreg:$0x1];
	s5 =	sadd.s32 s4, s5  }
0xb: {  	_ =	strace $0x8000004A;
	s4 =	simm.s32 $0x1;
	s5 =	smul.u32 $0x19, s5  }
0xc: {  	s7 =	sadd.s32 $0x40A00, s7;
	s10 =	smov.u32 s2;
	[sflag:s4] =	ssyncpa.u1 $0x0  }
0xd: {  	p0 =	por $0x0, $0x0;
	[sflag:s8] =	ssyncpa.u1 $0x0;
	s8 =	sadd.s32 $0x1, s5  }
.LBB1_7:
0xe: {  	s15 =	sadd.s32 $0x1000, s10  }
0xf: {  	s13 =	sadd.s32 $0x2, s11;
	s17 =	smov.u32 s11;
	p2 =	sgt.s32 s15, $0x3FFF  }
0x10: {  	s17 =	smov.u32 @p2 s13  }
0x11: {  	s15 =	smov.u32 @p2 s2;
	p2 =	sgt.s32 s17, $0x31  }
0x12: {  	s17 =	simm.s32 @p2 $0x0;
	p2 =	sne.s32 s12, s8  }
.Ltmp1:
0x13: {  	p1 =	slt.u32 s12, $0x2;
	(pc) =	sbr.rel @!p2 .LBB1_8-.Ltmp1, $4  }
0x14: {  	s16 =	simm.s32 @!p1 $0x2  }
0x15: {  	s14 =	smov.u32 s11;
	p0 =	por !p0, !p0;
	_ =	swait.ge @!p1 [sflag:s16], $0x2000  }
0x16: {  	s13 =	smov.u32 s10;
	[sflag:s16] =	ssyncset.done @!p1 $0x0;
	s10 =	smov.u32 s15  }
0x17: {  	s12 =	sadd.s32 $0x1, s12;
	[sflag:s16] =	ssyncadd.s32 @!p1 $0xFFFFE000;
	s11 =	smov.u32 s17  }
.LBB1_1:
0x18: {  	p1 =	sge.u32 s12, s5  }
0x19: {  	s15 =	sxor.u32 @!p1 $0xFFFFFFFF, s12;
	s16 =	sshll.u32 @!p1 s11, $0x12  }
0x1a: {  	s17 =	sshll.u32 @!p1 s10, $0x4;
	s19 =	simm.s32 @!p1 $0x20;
	s20 =	simm.s32 @!p1 $0x80  }
0x1b: {  	s15 =	sshll.u32 @!p1 s15, $0xD;
	s17 =	sand.u32 @!p1 $0x3FFF0, s17;
	s18 =	sadd.s32 @!p1 s6, s16  }
0x1c: {  	s16 =	sadd.s32 @!p1 s16, s7;
	s15 =	sand.u32 @!p1 $0x2000, s15;
	s18 =	sadd.s32 @!p1 s17, s18  }
0x1d: {  	[tilespmem:s15], [sflag:$0x1] =	stream.strided.gather @!p1 [hbm4b:s18+s19], $0x1000, s20, s19, $0x38;
	[tilespmem:$0x8080] =	vst v63  }
0x1e: {  	s31 =	sadd.s32 $0xFFFFFFFF, s12;
	s16 =	sadd.s32 @!p1 s17, s16;
	s15 =	sor.u32 @!p1 $0x1000, s15  }
0x1f: {  	[tilespmem:s15], [sflag:$0x1] =	stream.strided.gather @!p1 [hbm4b:s16+s19], $0x1000, s20, s19, $0x38;
	[tilespmem:$0x8080] =	vst v63  }
0x20: {  	p1 =	sge.u32 s31, s5  }
.Ltmp2:
0x21: {  	_ = 	snop;
	(pc) =	sbr.rel @p1 .LBB1_7-.Ltmp2, $1  }
0x22: {  	_ =	sdelay $0x3  }
0x23: {  	s15 =	simm.s32 $0x1;
	s17 =	sand.u32 $0x1, s12  }
0x24: {  	_ =	swait.ge [sflag:s4], $0x2000;
	s15 =	simm.s32 @!p0 $0x0;
	s17 =	smul.u32 $0x8100, s17  }
0x25: {  	p2 =	por $0x1, $0x1;
	[sflag:s4] =	ssyncset.done $0x0;
	s16 =	smul.u32 $0x8100, s15  }
0x26: {  	s18 =	sshll.u32 s15, $0xF;
	[sflag:s4] =	ssyncadd.s32 $0xFFFFE000;
	s30 =	sshrl.u32 s17, $0x2  }
0x27: {  	s31 =	sshrl.u32 s18, $0x2;
	s18 =	simm.s32 $0x0;
	s16 =	sshrl.u32 s16, $0x2  }
0x28: {  	s15 =	sor.u32 $0x4000, s30;
	s17 =	sadd.s32 $0x10, s31;
	s16 =	sor.u32 $0x4000, s16  }
.LBB1_3:
0x29: {  	s19 =	sshll.u32 s18, $0xC  }
0x2a: {  	s19 =	sand.u32 $0x3FFFF000, s19  }
0x2b: {  	s20 =	sadd.s32 s19, s17  }
0x2c: {  	s31 =	smul.u32 $0x4080, s18;
	v1 =	vld [tilespmem:s20+$0x0]  }
0x2d: {  	v0 =	vld [tilespmem:s20+$0xFFFFFFF0]  }
0x2e: {  	s18 =	sshra.s32 s31, $0x2  }
0x2f: {  	s18 =	sadd.s32 s18, s16  }
0x30: {  	s21 =	sadd.s32 $0x0, s18  }
0x31: {  	p1 =	por p2, p2;
	s19 =	simm.s32 $0x4;
	s20 =	sadd.s32 $0x20, s20;
	[tilespmem:s21+$0x810 ss:$0x81] =	vst.msk $0xffff, v1  }
.LBB1_4:
0x32: {  	v1 =	vld [tilespmem:s20+$0x0];
	p2 =	sne.s32 s19, $0x1FC;
	[tilespmem:s21+$0x0 ss:$0x81] =	vst.msk $0xffff, v0;
	s21 =	smov.u32 s19;
	s19 =	sadd.s32 $0x4, s19  }
.Ltmp3:
0x33: {  	v0 =	vld [tilespmem:s20+$0xFFFFFFF0];
	(pc) =	sbr.rel @p2 .LBB1_4-.Ltmp3, $4  }
0x34: {  	_ = 	snop  }
0x35: {  	s21 =	sshra.s32 s21, $0x2  }
0x36: {  	s21 =	sadd.s32 s21, s18  }
0x37: {  	s20 =	sadd.s32 $0x20, s20;
	[tilespmem:s21+$0x810 ss:$0x81] =	vst.msk $0xffff, v1  }
.Ltmp4:
0x38: {  	(pc) =	sbr.rel @p1 .LBB1_3-.Ltmp4, $2  }
0x39: {  	_ =	sdelay $0x2  }
0x3a: {  	[tilespmem:s21+$0x0 ss:$0x81] =	vst.msk $0xffff, v0;
	s18 =	simm.s32 $0x1;
	p2 =	por $0x0, $0x0  }
0x3b: {  	s16 =	sshll.u32 s13, $0x3;
	s17 =	sand.u32 $0x78, s13;
	s14 =	sshll.u32 s14, $0x10  }
.Ltmp5:
0x3c: {  	s30 =	sand.u32 $0xF800, s13;
	s16 =	sand.u32 $0x3C00, s16;
	(pc) =	sbr.rel .LBB1_7-.Ltmp5, $4  }
0x3d: {  	s31 =	sand.u32 $0x7, s13;
	s14 =	sadd.s32 s3, s14;
	s16 =	sor.u32 s17, s16  }
0x3e: {  	s13 =	sshll.u32 s31, $0x12;
	s14 =	sadd.s32 s30, s14;
	s16 =	sshrl.u32 s16, $0x3  }
0x3f: {  	s13 =	sor.u32 $0x400, s13;
	s14 =	sadd.s32 s16, s14  }
0x40: {  	[hbm4b:s14+s13] =	stream.strided.scatter [tilespmem:s15], [sflag:$0x2], $0x2000, s9, s13, $0x20;
	[tilespmem:$0x8080] =	vst v63  }
.LBB1_8:
0x41: {  	_ =	sfence.sel $0x180000  }
0x42: {  	s2 =	simm.s32 $0x1;
	[bflag:$0x0] =	sbarrier.arrive $0xFFFF  }
0x43: {  	s31 =	simm.s32 $0x2;
	[sflag:s2] =	ssyncpa.u1 $0x1  }
0x44: {  	[sflag:s31] =	ssyncpa.u1 $0x1  }
0x45: {  	p0 =	sne.s32 s0, $0x0;
	_ =	strace $0x9000004A  }
0x46: {  	s0 =	sadd.s32 @!p0 $0x100000, s1;
	[bflag:$0x2] =	sbarrier.arrive $0xFFFF  }
0x47: {  	[sflag:s0] =	ssyncadd.tile.s32 @!p0 $0x1;
	_ =	shalt  }
.Lfunc_end1:
_tile_overlayer_lowered:
.L_overlay_start_2:
0x48: {  	(tag) =	ssettag $0x2  }
0x49: {  	s0 =	rddreg [dreg:$0x0];
	s2 =	stileid.u32  }
0x4a: {  	s1 =	rddreg [dreg:$0x1];
	p0 =	sne.s32 s2, $0x0  }
0x4b: {  	s3 =	rddreg [dreg:$0x2];
	[bflag:$0x3] =	sbarrier.arrive $0xFFFF;
	s2 =	simm.s32 @!p0 $0x1C01  }
0x4c: {  	[timem:s3], [sflag:s2] =	dma.local @!p0 [hbm:s0], s1  }
0x4d: {  	s0 =	simm.s32 @!p0 $0x1  }
0x4e: {  	_ =	swait.ge @!p0 [sflag:s0], s1  }
0x4f: {  	s1 =	ssub.s32 @!p0 $0x0, s1;
	[sflag:s0] =	ssyncset.done @!p0 $0x0  }
0x50: {  	[sflag:s0] =	ssyncadd.s32 @!p0 s1  }
0x51: {  	[bflag:$0x3] =	sbarrier.arrive $0xFFFF  }
0x52: {  	_ =	shalt  }

</sc_bundles>
